<compile_context>
chip_gen: v7x
topology: tpu7x:2x2x1
jax: 0.10.2.dev20260603
libtpu: 0.0.44.dev20260713+nightly
codegen_flags: <defaults>
</compile_context>

<pallas_src>
import functools

import jax
import jax.numpy as jnp
from jax import lax
from jax.experimental import pallas as pl
from jax.experimental.pallas import tpu as pltpu
from jax.experimental.pallas import tpu_sc as plsc

B, N, DIM = 2, 1024, 512
HEADS, DIM_HEAD, M_DIM, NEIGHBORS = 8, 64, 4, 32
INNER = HEADS * DIM_HEAD
SCALE = DIM_HEAD ** -0.5
ROT_DIM = DIM_HEAD // 2
NFREQ = ROT_DIM // 2
KVP = INNER
CPW = 128

MB = 256
RB = 256
NB = 32
NBK = NB * NEIGHBORS

SC_NC, SC_NS = 2, 16
SC_NW = SC_NC * SC_NS
GROWS = B * N * NEIGHBORS
GROWS_H = N * NEIGHBORS
RPW = GROWS_H // SC_NW
CHUNK = 64
NCHUNK = RPW // CHUNK


def _bf16_bits(x):
    u = jax.lax.bitcast_convert_type(x, jnp.int32)
    odd = jax.lax.shift_right_logical(u, 16) & 1
    return (u + 0x7FFF + odd) & jnp.int32(-65536)


def _proj_body(x_ref, c_ref, wq_ref, wkv_ref, q_ref, kv_ref, cp_ref):
    x = x_ref[...]
    q_ref[...] = jnp.dot(x, wq_ref[...], preferred_element_type=jnp.float32)
    kv = jnp.dot(x, wkv_ref[...], preferred_element_type=jnp.float32)
    kbits = _bf16_bits(kv[:, :INNER])
    vbits = jax.lax.shift_right_logical(_bf16_bits(kv[:, INNER:]), 16)
    kv_ref[...] = kbits | vbits
    c = c_ref[...]
    chi = c.astype(jnp.bfloat16).astype(jnp.float32)
    clo = c - chi
    z = jnp.zeros((MB, 61), jnp.float32)
    cp_ref[...] = jnp.concatenate([chi, z, clo, z], axis=1)


def _topk_body(boff, crow_ref, ct_ref, idx_ref):
    cr = crow_ref[...]
    ca = ct_ref[...]
    dx = cr[:, 0:1] - ca[0:1, :]
    dy = cr[:, 1:2] - ca[1:2, :]
    dz = cr[:, 2:3] - ca[2:3, :]
    cur = dx * dx + dy * dy + dz * dz
    iotaf = jax.lax.broadcasted_iota(jnp.int32, (RB, N), 1).astype(jnp.float32)
    lane32 = jax.lax.broadcasted_iota(jnp.int32, (RB, NEIGHBORS), 1)
    acc = jnp.zeros((RB, NEIGHBORS), jnp.float32)
    big = jnp.float32(N)
    for t in range(NEIGHBORS):
        m = jnp.min(cur, axis=1, keepdims=True)
        cand = jnp.where(cur == m, iotaf, big)
        amin = jnp.min(cand, axis=1, keepdims=True)
        acc = jnp.where(lane32 == t, amin, acc)
        cur = jnp.where(iotaf == amin, jnp.inf, cur)
    idx_ref[...] = acc.astype(jnp.int32) + boff


@functools.partial(
    pl.kernel,
    mesh=plsc.VectorSubcoreMesh(core_axis_name="c", subcore_axis_name="s"),
    out_type=(jax.ShapeDtypeStruct((GROWS_H, KVP), jnp.int32),
              jax.ShapeDtypeStruct((GROWS_H, CPW), jnp.float32)),
    scratch_types=[
        pltpu.VMEM((CHUNK,), jnp.int32),
        pltpu.VMEM((CHUNK,), jnp.int32),
        pltpu.VMEM((CHUNK, KVP), jnp.int32),
        pltpu.VMEM((CHUNK, KVP), jnp.int32),
        pltpu.VMEM((CHUNK, CPW), jnp.float32),
        pltpu.VMEM((CHUNK, CPW), jnp.float32),
        pltpu.SemaphoreType.DMA,
        pltpu.SemaphoreType.DMA,
    ],
)
def _sc_gather(table_hbm, ctab_hbm, idx_hbm, out_hbm, cout_hbm,
               idx0, idx1, rows0, rows1, crow0, crow1, sem0, sem1):
    wid = lax.axis_index("s") * SC_NC + lax.axis_index("c")
    base = wid * RPW

    def body(p, carry):
        a = base + 2 * p * CHUNK
        bb = a + CHUNK
        pltpu.sync_copy(idx_hbm.at[pl.ds(a, CHUNK)], idx0)
        h0 = pltpu.async_copy(table_hbm.at[idx0], rows0, sem0)
        hc0 = pltpu.async_copy(ctab_hbm.at[idx0], crow0, sem0)
        pltpu.sync_copy(idx_hbm.at[pl.ds(bb, CHUNK)], idx1)
        h1 = pltpu.async_copy(table_hbm.at[idx1], rows1, sem1)
        hc1 = pltpu.async_copy(ctab_hbm.at[idx1], crow1, sem1)
        h0.wait()
        hc0.wait()
        pltpu.sync_copy(rows0, out_hbm.at[pl.ds(a, CHUNK)])
        pltpu.sync_copy(crow0, cout_hbm.at[pl.ds(a, CHUNK)])
        h1.wait()
        hc1.wait()
        pltpu.sync_copy(rows1, out_hbm.at[pl.ds(bb, CHUNK)])
        pltpu.sync_copy(crow1, cout_hbm.at[pl.ds(bb, CHUNK)])
        return carry

    lax.fori_loop(0, NCHUNK // 2, body, 0)


def _attn_body(q_ref, sel_ref, csel_ref, cr_ref, hsum_ref, hexp_ref,
               iffr_ref, emat_ref, pmask_ref, wc1_ref, bc1_ref, wc2_ref,
               bc2_ref, lnb_ref, wout_ref, bout_ref, out_ref, cout_ref):
    sel = sel_ref[...]
    k_sel = jax.lax.bitcast_convert_type(sel & jnp.int32(-65536), jnp.float32)
    v_sel = jax.lax.bitcast_convert_type(
        jax.lax.shift_left(sel, 16), jnp.float32)
    csel = csel_ref[...]
    c_sel = csel[:, 0:3] + csel[:, 64:67]
    cr = cr_ref[...]
    c_ctr = jnp.broadcast_to(cr[:, None, :], (NB, NEIGHBORS, 3)).reshape(NBK, 3)
    rel = c_ctr - c_sel
    norm = jnp.sqrt(jnp.sum(rel * rel, axis=1, keepdims=True) + 1e-12)

    norm_row = norm.reshape(1, NBK)
    th16t = iffr_ref[...] * norm_row
    c16 = jnp.cos(th16t)
    s16 = jnp.sin(th16t)
    c16h = c16.astype(jnp.bfloat16).astype(jnp.float32)
    s16h = s16.astype(jnp.bfloat16).astype(jnp.float32)
    csin_t = jnp.concatenate([c16h, c16 - c16h, s16h, s16 - s16h], axis=0)
    cs = jax.lax.dot_general(csin_t, emat_ref[...],
                             (((0,), (0,)), ((), ())),
                             preferred_element_type=jnp.float32)
    cth = cs[:, :INNER] + pmask_ref[...]
    sth = cs[:, INNER:]
    lane = jax.lax.broadcasted_iota(jnp.int32, (1, INNER), 1)
    even = (lane % 2) == 0

    def rot(x):
        rl = jnp.concatenate([x[:, 1:], x[:, :1]], axis=1)
        rr = jnp.concatenate([x[:, -1:], x[:, :-1]], axis=1)
        return jnp.where(even, -rl, rr)

    k_rot = k_sel * cth + rot(k_sel) * sth
    v_rot = v_sel * cth + rot(v_sel) * sth

    q = q_ref[...]
    q_rep = jnp.broadcast_to(q[:, None, :], (NB, NEIGHBORS, INNER)).reshape(NBK, INNER)
    qk2 = jnp.dot(q_rep * k_rot, hsum_ref[...],
                  preferred_element_type=jnp.float32) * SCALE

    h = jnp.dot(qk2, wc1_ref[...], preferred_element_type=jnp.float32) + bc1_ref[...]
    h = 0.5 * h * (1.0 + jax.lax.erf(h * (2.0 ** -0.5)))
    cw = jnp.dot(h, wc2_ref[...], preferred_element_type=jnp.float32) + bc2_ref[...]

    normed = rel / jnp.maximum(norm, 1e-8)
    reln = lnb_ref[0, 0] * normed
    wrel = cw * reln
    cout_ref[...] = jnp.sum(wrel.reshape(NB, NEIGHBORS, 3), axis=1)

    qk3 = qk2.reshape(NB, NEIGHBORS, HEADS)
    mx = jnp.max(qk3, axis=1, keepdims=True)
    e = jnp.exp(qk3 - mx)
    attn = e / jnp.sum(e, axis=1, keepdims=True)
    aexp = jnp.dot(attn.reshape(NBK, HEADS), hexp_ref[...],
                   preferred_element_type=jnp.float32)
    osum = jnp.sum((aexp * v_rot).reshape(NB, NEIGHBORS, INNER), axis=1)
    osum2 = jnp.concatenate([osum, osum], axis=1)
    out_ref[...] = (jnp.dot(osum2, wout_ref[...],
                            preferred_element_type=jnp.float32)
                    + bout_ref[...])


def kernel(feats, coors, W_qkv, W_out, b_out, W_c1, b_c1, W_c2, b_c2, ln_w, ln_b):
    f32 = jnp.float32
    x = feats.reshape(B * N, DIM)
    cflat = coors.reshape(B * N, 3)
    Wq = W_qkv[:, :INNER]
    Wkv = W_qkv[:, INNER:]
    q2, kvt, cpt = pl.pallas_call(
        _proj_body,
        grid=(B * N // MB,),
        in_specs=[
            pl.BlockSpec((MB, DIM), lambda i: (i, 0)),
            pl.BlockSpec((MB, 3), lambda i: (i, 0)),
            pl.BlockSpec((DIM, INNER), lambda i: (0, 0)),
            pl.BlockSpec((DIM, 2 * INNER), lambda i: (0, 0)),
        ],
        out_specs=[
            pl.BlockSpec((MB, INNER), lambda i: (i, 0)),
            pl.BlockSpec((MB, KVP), lambda i: (i, 0)),
            pl.BlockSpec((MB, CPW), lambda i: (i, 0)),
        ],
        out_shape=[
            jax.ShapeDtypeStruct((B * N, INNER), f32),
            jax.ShapeDtypeStruct((B * N, KVP), jnp.int32),
            jax.ShapeDtypeStruct((B * N, CPW), f32),
        ],
    )(x, cflat, Wq, Wkv)
    q = q2.reshape(B, N, INNER)

    coorsT = jnp.transpose(coors, (0, 2, 1))

    def topk_half(b):
        return pl.pallas_call(
            functools.partial(_topk_body, b * N),
            grid=(N // RB,),
            in_specs=[
                pl.BlockSpec((RB, 3), lambda r: (r, 0)),
                pl.BlockSpec((3, N), lambda r: (0, 0)),
            ],
            out_specs=pl.BlockSpec((RB, NEIGHBORS), lambda r: (r, 0)),
            out_shape=jax.ShapeDtypeStruct((N, NEIGHBORS), jnp.int32),
        )(coors[b], coorsT[b]).reshape(GROWS_H)

    idxg = [topk_half(b) for b in range(B)]

    dh = jnp.arange(INNER, dtype=jnp.int32) // DIM_HEAD
    hsum = (dh[:, None] == jnp.arange(HEADS, dtype=jnp.int32)[None, :]).astype(f32)
    hexp = hsum.T
    dm = jnp.arange(INNER, dtype=jnp.int32) % DIM_HEAD
    inv_freq = 1.0 / (10000.0 ** (jnp.arange(0, ROT_DIM, dtype=f32)[::2] / ROT_DIM))
    iffr16 = (100.0 * inv_freq)[:, None]
    emat = ((dm[None, :] < ROT_DIM)
            & ((dm[None, :] // 2) == jnp.arange(NFREQ, dtype=jnp.int32)[:, None])
            ).astype(f32)
    ez = jnp.zeros_like(emat)
    ec = jnp.concatenate([emat, ez], axis=1)
    es = jnp.concatenate([ez, emat], axis=1)
    e4 = jnp.concatenate([ec, ec, es, es], axis=0)
    pmask = (dm >= ROT_DIM).astype(f32)[None, :]
    whi = W_out.astype(jnp.bfloat16).astype(f32)
    w2 = jnp.concatenate([whi, W_out - whi], axis=0)

    def attn_half(qb, selb, cselb, coorsb):
        return pl.pallas_call(
            _attn_body,
            grid=(N // NB,),
            in_specs=[
                pl.BlockSpec((NB, INNER), lambda i: (i, 0)),
                pl.BlockSpec((NBK, KVP), lambda i: (i, 0)),
                pl.BlockSpec((NBK, CPW), lambda i: (i, 0)),
                pl.BlockSpec((NB, 3), lambda i: (i, 0)),
                pl.BlockSpec((INNER, HEADS), lambda i: (0, 0)),
                pl.BlockSpec((HEADS, INNER), lambda i: (0, 0)),
                pl.BlockSpec((NFREQ, 1), lambda i: (0, 0)),
                pl.BlockSpec((4 * NFREQ, 2 * INNER), lambda i: (0, 0)),
                pl.BlockSpec((1, INNER), lambda i: (0, 0)),
                pl.BlockSpec((HEADS, M_DIM * 4), lambda i: (0, 0)),
                pl.BlockSpec((1, M_DIM * 4), lambda i: (0, 0)),
                pl.BlockSpec((M_DIM * 4, 1), lambda i: (0, 0)),
                pl.BlockSpec((1, 1), lambda i: (0, 0)),
                pl.BlockSpec((1, 1), lambda i: (0, 0)),
                pl.BlockSpec((2 * INNER, DIM), lambda i: (0, 0)),
                pl.BlockSpec((1, DIM), lambda i: (0, 0)),
            ],
            out_specs=[
                pl.BlockSpec((NB, DIM), lambda i: (i, 0)),
                pl.BlockSpec((NB, 3), lambda i: (i, 0)),
            ],
            out_shape=[
                jax.ShapeDtypeStruct((N, DIM), f32),
                jax.ShapeDtypeStruct((N, 3), f32),
            ],
        )(qb, selb, cselb, coorsb, hsum, hexp, iffr16, e4, pmask, W_c1,
          b_c1.reshape(1, -1), W_c2, (b_c2 + 0.0).reshape(1, 1),
          ln_b.reshape(1, 1), w2, b_out.reshape(1, -1))

    outs = []
    couts = []
    sels = [_sc_gather(kvt, cpt, idxg[b]) for b in range(B)]
    for b in range(B):
        selb, cselb = sels[b]
        ob, cb = attn_half(q[b], selb, cselb, coors[b])
        outs.append(ob)
        couts.append(cb)
    return jnp.stack(outs), jnp.stack(couts)

# --- scband reference (transcript-rebuilt; emitter-appended) ---
"""Pipeline reference for scband-equivariant-attention-63419487093209 (READ-ONLY COPY).

The authoritative reference and input builder live on the scoring server;
editing this copy changes nothing except your own understanding.
"""

import jax, jax.numpy as jnp
import numpy as np

B, N, DIM = 2, 1024, 512
HEADS, DIM_HEAD, M_DIM, NEIGHBORS = 8, 64, 4, 32
INNER = HEADS * DIM_HEAD
SCALE = DIM_HEAD ** -0.5
ROT_DIM = DIM_HEAD // 2

def sinusoidal_emb(x):
    inv_freq = 1.0 / (10000.0 ** (jnp.arange(0, ROT_DIM, 2, dtype=jnp.float32) / ROT_DIM))
    freqs = x[..., None] * inv_freq
    return jnp.repeat(freqs, 2, axis=-1)

def rotate_half(x):
    x = x.reshape(x.shape[:-1] + (-1, 2))
    x1, x2 = x[..., 0], x[..., 1]
    x = jnp.stack((-x2, x1), axis=-1)
    return x.reshape(x.shape[:-2] + (-1,))

def apply_rotary(t, freqs):
    rd = freqs.shape[-1]
    t_rot, t_pass = t[..., :rd], t[..., rd:]
    t_rot = t_rot * jnp.cos(freqs) + rotate_half(t_rot) * jnp.sin(freqs)
    return jnp.concatenate((t_rot, t_pass), axis=-1)

def setup_inputs(seed: int = 0):
    key = jax.random.key(seed)
    ks = jax.random.split(key, 9)
    return {
        'feats': jax.random.normal(ks[0], (B, N, DIM), dtype=jnp.float32),
        'coors': jax.random.normal(ks[1], (B, N, 3), dtype=jnp.float32),
        'W_qkv': jax.random.normal(ks[2], (DIM, 3 * INNER), dtype=jnp.float32) * 1e-3,
        'W_out': jax.random.normal(ks[3], (INNER, DIM), dtype=jnp.float32) * 1e-3,
        'b_out': jnp.zeros((DIM,), dtype=jnp.float32),
        'W_c1': jax.random.normal(ks[4], (HEADS, M_DIM * 4), dtype=jnp.float32) * 1e-3,
        'b_c1': jnp.zeros((M_DIM * 4,), dtype=jnp.float32),
        'W_c2': jax.random.normal(ks[5], (M_DIM * 4, 1), dtype=jnp.float32) * 1e-3,
        'b_c2': jnp.zeros((1,), dtype=jnp.float32),
        'ln_w': 1.0 + 0.1 * jax.random.normal(ks[6], (1,), dtype=jnp.float32),
        'ln_b': 0.1 * jax.random.normal(ks[7], (1,), dtype=jnp.float32),
    }

def reference(feats, coors, W_qkv, W_out, b_out, W_c1, b_c1, W_c2, b_c2, ln_w, ln_b):
    b, n, _ = feats.shape
    rel_coors = coors[:, :, None, :] - coors[:, None, :, :]
    rel_dist = jnp.sqrt(jnp.sum(rel_coors * rel_coors, axis=-1) + 1e-12)
    _, nbhd_indices = jax.lax.top_k(-rel_dist, NEIGHBORS)
    qkv = feats @ W_qkv
    q, k, v = jnp.split(qkv, 3, axis=-1)
    def to_heads(t):
        return t.reshape(b, n, HEADS, DIM_HEAD).transpose(0, 2, 1, 3)
    q, k, v = to_heads(q), to_heads(k), to_heads(v)
    gather = jax.vmap(lambda tb, ib: tb[:, ib, :])
    k = gather(k, nbhd_indices)
    v = gather(v, nbhd_indices)
    rel_dist_s = jnp.take_along_axis(rel_dist, nbhd_indices, axis=2)
    rel_coors_s = jnp.take_along_axis(rel_coors, nbhd_indices[..., None], axis=2)
    q_pos = sinusoidal_emb(jnp.zeros((n,), dtype=jnp.float32))
    k_pos = sinusoidal_emb(rel_dist_s * 100.0)
    q = apply_rotary(q, q_pos[None, None, :, :])
    k = apply_rotary(k, k_pos[:, None, :, :, :])
    v = apply_rotary(v, k_pos[:, None, :, :, :])
    qk = jnp.einsum('bhid,bhijd->bhij', q, k) * SCALE
    cmi = qk.transpose(0, 2, 3, 1)
    hmid = jax.nn.gelu(cmi @ W_c1 + b_c1, approximate=False)
    coor_weights = (hmid @ W_c2 + b_c2)[..., 0]
    norm = jnp.sqrt(jnp.sum(rel_coors_s * rel_coors_s, axis=-1, keepdims=True) + 1e-12)
    normed = rel_coors_s / jnp.maximum(norm, 1e-8)
    mean = jnp.mean(norm, axis=-1, keepdims=True)
    var = jnp.var(norm, axis=-1, keepdims=True)
    phase = (norm - mean) / jnp.sqrt(var + 1e-5) * ln_w + ln_b
    rel_coors_n = phase * normed
    coors_out = jnp.einsum('bij,bijc->bic', coor_weights, rel_coors_n)
    attn = jax.nn.softmax(qk, axis=-1)
    out = jnp.einsum('bhij,bhijd->bhid', attn, v)
    out = out.transpose(0, 2, 1, 3).reshape(b, n, INNER)
    out = out @ W_out + b_out
    return out, coors_out

if __name__ == "__main__":
    import jax
    _d = setup_inputs()
    print(jax.jit(kernel)(*tuple(_d.values())))

</pallas_src>

<mosaic_0001>
#map = affine_map<(d0, d1) -> (0, 0)>
#map1 = affine_map<(d0, d1) -> (0)>
module attributes {stable_mosaic.version = 14 : i64} {
  func.func @_sc_gather(%arg0: i32, %arg1: i32, %arg2: memref<2048x512xi32, #tpu.memory_space<hbm>>, %arg3: memref<2048x128xf32, #tpu.memory_space<hbm>>, %arg4: memref<32768xi32, #tpu.memory_space<hbm>>, %arg5: memref<32768x512xi32, #tpu.memory_space<hbm>>, %arg6: memref<32768x128xf32, #tpu.memory_space<hbm>>, %arg7: memref<64xi32, #tpu.memory_space<vmem>>, %arg8: memref<64xi32, #tpu.memory_space<vmem>>, %arg9: memref<64x512xi32, #tpu.memory_space<vmem>>, %arg10: memref<64x512xi32, #tpu.memory_space<vmem>>, %arg11: memref<64x128xf32, #tpu.memory_space<vmem>>, %arg12: memref<64x128xf32, #tpu.memory_space<vmem>>, %arg13: memref<!tpu.dma_semaphore, #tpu.memory_space<semaphore_mem>>, %arg14: memref<!tpu.dma_semaphore, #tpu.memory_space<semaphore_mem>>) attributes {dimension_semantics = [#tpu.dimension_semantics<core_parallel>, #tpu.dimension_semantics<subcore_parallel>], iteration_bounds = array<i64: 2, 16>, scalar_prefetch = 0 : i64, scratch_operands = 8 : i64, tpu.core_type = #tpu.core_type<sc_vector_subcore>, window_params = [{transform_indices = #map}, {transform_indices = #map}, {transform_indices = #map1}, {transform_indices = #map}, {transform_indices = #map}]} {
    %mul3A = arith.constant 2 : i32
    %mul3A_0 = arith.muli %arg1, %mul3A : i32
    %add3A = arith.addi %mul3A_0, %arg0 : i32
    %mul3A_1 = arith.constant 1024 : i32
    %mul3A_2 = arith.muli %add3A, %mul3A_1 : i32
    %scan3A = arith.constant 0 : i32
    %scan3A_3 = arith.constant 0 : i32
    %scan3A_4 = arith.constant 8 : i32
    %scan3A_5 = arith.addi %scan3A_3, %scan3A_4 : i32
    %scan3A_6 = arith.constant 1 : i32
    scf.for %scan3A_8 = %scan3A_3 to %scan3A_5 step %scan3A_6  : i32 {
      %mul3A_9 = arith.constant 2 : i32
      %mul3A_10 = arith.muli %mul3A_9, %scan3A_8 : i32
      %mul3A_11 = arith.constant 64 : i32
      %mul3A_12 = arith.muli %mul3A_10, %mul3A_11 : i32
      %add3A_13 = arith.addi %mul3A_2, %mul3A_12 : i32
      %add3A_14 = arith.constant 64 : i32
      %add3A_15 = arith.addi %add3A_13, %add3A_14 : i32
      "tpu.region"() ({
        %run_scoped3A = tpu.sem_alloc : memref<!tpu.dma_semaphore, #tpu.memory_space<semaphore_mem>>
        %dma_start3A_38 = tpu.memref_slice %arg4[%add3A_13] : memref<32768xi32, #tpu.memory_space<hbm>> -> memref<64xi32, #tpu.memory_space<hbm>>
        %dma_start3A_39 = tpu.memref_slice %arg4[%add3A_13] : memref<32768xi32, #tpu.memory_space<hbm>> -> memref<64xi32, #tpu.memory_space<hbm>>
        tpu.enqueue_dma source(%dma_start3A_39 : memref<64xi32, #tpu.memory_space<hbm>>) target(%arg7 : memref<64xi32, #tpu.memory_space<vmem>>) target_semaphore(%run_scoped3A : memref<!tpu.dma_semaphore, #tpu.memory_space<semaphore_mem>>)
        %dma_wait3A_40 = tpu.memref_slice %arg4[%add3A_13] : memref<32768xi32, #tpu.memory_space<hbm>> -> memref<64xi32, #tpu.memory_space<hbm>>
        %dma_wait3A_41 = tpu.memref_slice %arg4[%add3A_13] : memref<32768xi32, #tpu.memory_space<hbm>> -> memref<64xi32, #tpu.memory_space<hbm>>
        tpu.wait_dma2 semaphore(%run_scoped3A : memref<!tpu.dma_semaphore, #tpu.memory_space<semaphore_mem>>) src(%dma_wait3A_41 : memref<64xi32, #tpu.memory_space<hbm>>) dst(%arg7 : memref<64xi32, #tpu.memory_space<vmem>>)
        tpu.yield
      }) : () -> ()
      %dma_start3A = arith.constant 0 : i32
      %dma_start3A_16 = arith.constant 0 : i32
      %dma_start3A_17 = tpu.memref_slice %arg2[%dma_start3A, %dma_start3A_16] : memref<2048x512xi32, #tpu.memory_space<hbm>> -> memref<2048x512xi32, #tpu.memory_space<hbm>>
      tpu.enqueue_indirect_dma source(%dma_start3A_17 : memref<2048x512xi32, #tpu.memory_space<hbm>>) target(%arg9 : memref<64x512xi32, #tpu.memory_space<vmem>>) offsets(%arg7 : memref<64xi32, #tpu.memory_space<vmem>>) semaphore(%arg13 : memref<!tpu.dma_semaphore, #tpu.memory_space<semaphore_mem>>)
      %dma_start3A_18 = arith.constant 0 : i32
      %dma_start3A_19 = arith.constant 0 : i32
      %dma_start3A_20 = tpu.memref_slice %arg3[%dma_start3A_18, %dma_start3A_19] : memref<2048x128xf32, #tpu.memory_space<hbm>> -> memref<2048x128xf32, #tpu.memory_space<hbm>>
      tpu.enqueue_indirect_dma source(%dma_start3A_20 : memref<2048x128xf32, #tpu.memory_space<hbm>>) target(%arg11 : memref<64x128xf32, #tpu.memory_space<vmem>>) offsets(%arg7 : memref<64xi32, #tpu.memory_space<vmem>>) semaphore(%arg13 : memref<!tpu.dma_semaphore, #tpu.memory_space<semaphore_mem>>)
      "tpu.region"() ({
        %run_scoped3A = tpu.sem_alloc : memref<!tpu.dma_semaphore, #tpu.memory_space<semaphore_mem>>
        %dma_start3A_38 = tpu.memref_slice %arg4[%add3A_15] : memref<32768xi32, #tpu.memory_space<hbm>> -> memref<64xi32, #tpu.memory_space<hbm>>
        %dma_start3A_39 = tpu.memref_slice %arg4[%add3A_15] : memref<32768xi32, #tpu.memory_space<hbm>> -> memref<64xi32, #tpu.memory_space<hbm>>
        tpu.enqueue_dma source(%dma_start3A_39 : memref<64xi32, #tpu.memory_space<hbm>>) target(%arg8 : memref<64xi32, #tpu.memory_space<vmem>>) target_semaphore(%run_scoped3A : memref<!tpu.dma_semaphore, #tpu.memory_space<semaphore_mem>>)
        %dma_wait3A_40 = tpu.memref_slice %arg4[%add3A_15] : memref<32768xi32, #tpu.memory_space<hbm>> -> memref<64xi32, #tpu.memory_space<hbm>>
        %dma_wait3A_41 = tpu.memref_slice %arg4[%add3A_15] : memref<32768xi32, #tpu.memory_space<hbm>> -> memref<64xi32, #tpu.memory_space<hbm>>
        tpu.wait_dma2 semaphore(%run_scoped3A : memref<!tpu.dma_semaphore, #tpu.memory_space<semaphore_mem>>) src(%dma_wait3A_41 : memref<64xi32, #tpu.memory_space<hbm>>) dst(%arg8 : memref<64xi32, #tpu.memory_space<vmem>>)
        tpu.yield
      }) : () -> ()
      %dma_start3A_21 = arith.constant 0 : i32
      %dma_start3A_22 = arith.constant 0 : i32
      %dma_start3A_23 = tpu.memref_slice %arg2[%dma_start3A_21, %dma_start3A_22] : memref<2048x512xi32, #tpu.memory_space<hbm>> -> memref<2048x512xi32, #tpu.memory_space<hbm>>
      tpu.enqueue_indirect_dma source(%dma_start3A_23 : memref<2048x512xi32, #tpu.memory_space<hbm>>) target(%arg10 : memref<64x512xi32, #tpu.memory_space<vmem>>) offsets(%arg8 : memref<64xi32, #tpu.memory_space<vmem>>) semaphore(%arg14 : memref<!tpu.dma_semaphore, #tpu.memory_space<semaphore_mem>>)
      %dma_start3A_24 = arith.constant 0 : i32
      %dma_start3A_25 = arith.constant 0 : i32
      %dma_start3A_26 = tpu.memref_slice %arg3[%dma_start3A_24, %dma_start3A_25] : memref<2048x128xf32, #tpu.memory_space<hbm>> -> memref<2048x128xf32, #tpu.memory_space<hbm>>
      tpu.enqueue_indirect_dma source(%dma_start3A_26 : memref<2048x128xf32, #tpu.memory_space<hbm>>) target(%arg12 : memref<64x128xf32, #tpu.memory_space<vmem>>) offsets(%arg8 : memref<64xi32, #tpu.memory_space<vmem>>) semaphore(%arg14 : memref<!tpu.dma_semaphore, #tpu.memory_space<semaphore_mem>>)
      %dma_wait3A = arith.constant 0 : i32
      %dma_wait3A_27 = arith.constant 0 : i32
      %dma_wait3A_28 = tpu.memref_slice %arg2[%dma_wait3A, %dma_wait3A_27] : memref<2048x512xi32, #tpu.memory_space<hbm>> -> memref<2048x512xi32, #tpu.memory_space<hbm>>
      tpu.wait_indirect_dma semaphore(%arg13 : memref<!tpu.dma_semaphore, #tpu.memory_space<semaphore_mem>>) src(%dma_wait3A_28 : memref<2048x512xi32, #tpu.memory_space<hbm>>) dst(%arg9 : memref<64x512xi32, #tpu.memory_space<vmem>>)
      %dma_wait3A_29 = arith.constant 0 : i32
      %dma_wait3A_30 = arith.constant 0 : i32
      %dma_wait3A_31 = tpu.memref_slice %arg3[%dma_wait3A_29, %dma_wait3A_30] : memref<2048x128xf32, #tpu.memory_space<hbm>> -> memref<2048x128xf32, #tpu.memory_space<hbm>>
      tpu.wait_indirect_dma semaphore(%arg13 : memref<!tpu.dma_semaphore, #tpu.memory_space<semaphore_mem>>) src(%dma_wait3A_31 : memref<2048x128xf32, #tpu.memory_space<hbm>>) dst(%arg11 : memref<64x128xf32, #tpu.memory_space<vmem>>)
      "tpu.region"() ({
        %run_scoped3A = tpu.sem_alloc : memref<!tpu.dma_semaphore, #tpu.memory_space<semaphore_mem>>
        %dma_start3A_38 = arith.constant 0 : i32
        %dma_start3A_39 = tpu.memref_slice %arg5[%add3A_13, %dma_start3A_38] : memref<32768x512xi32, #tpu.memory_space<hbm>> -> memref<64x512xi32, #tpu.memory_space<hbm>>
        %dma_start3A_40 = arith.constant 0 : i32
        %dma_start3A_41 = tpu.memref_slice %arg5[%add3A_13, %dma_start3A_40] : memref<32768x512xi32, #tpu.memory_space<hbm>> -> memref<64x512xi32, #tpu.memory_space<hbm>>
        tpu.enqueue_dma source(%arg9 : memref<64x512xi32, #tpu.memory_space<vmem>>) target(%dma_start3A_41 : memref<64x512xi32, #tpu.memory_space<hbm>>) target_semaphore(%run_scoped3A : memref<!tpu.dma_semaphore, #tpu.memory_space<semaphore_mem>>)
        %dma_wait3A_42 = arith.constant 0 : i32
        %dma_wait3A_43 = tpu.memref_slice %arg5[%add3A_13, %dma_wait3A_42] : memref<32768x512xi32, #tpu.memory_space<hbm>> -> memref<64x512xi32, #tpu.memory_space<hbm>>
        %dma_wait3A_44 = arith.constant 0 : i32
        %dma_wait3A_45 = tpu.memref_slice %arg5[%add3A_13, %dma_wait3A_44] : memref<32768x512xi32, #tpu.memory_space<hbm>> -> memref<64x512xi32, #tpu.memory_space<hbm>>
        tpu.wait_dma2 semaphore(%run_scoped3A : memref<!tpu.dma_semaphore, #tpu.memory_space<semaphore_mem>>) src(%arg9 : memref<64x512xi32, #tpu.memory_space<vmem>>) dst(%dma_wait3A_45 : memref<64x512xi32, #tpu.memory_space<hbm>>)
        tpu.yield
      }) : () -> ()
      "tpu.region"() ({
        %run_scoped3A = tpu.sem_alloc : memref<!tpu.dma_semaphore, #tpu.memory_space<semaphore_mem>>
        %dma_start3A_38 = arith.constant 0 : i32
        %dma_start3A_39 = tpu.memref_slice %arg6[%add3A_13, %dma_start3A_38] : memref<32768x128xf32, #tpu.memory_space<hbm>> -> memref<64x128xf32, #tpu.memory_space<hbm>>
        %dma_start3A_40 = arith.constant 0 : i32
        %dma_start3A_41 = tpu.memref_slice %arg6[%add3A_13, %dma_start3A_40] : memref<32768x128xf32, #tpu.memory_space<hbm>> -> memref<64x128xf32, #tpu.memory_space<hbm>>
        tpu.enqueue_dma source(%arg11 : memref<64x128xf32, #tpu.memory_space<vmem>>) target(%dma_start3A_41 : memref<64x128xf32, #tpu.memory_space<hbm>>) target_semaphore(%run_scoped3A : memref<!tpu.dma_semaphore, #tpu.memory_space<semaphore_mem>>)
        %dma_wait3A_42 = arith.constant 0 : i32
        %dma_wait3A_43 = tpu.memref_slice %arg6[%add3A_13, %dma_wait3A_42] : memref<32768x128xf32, #tpu.memory_space<hbm>> -> memref<64x128xf32, #tpu.memory_space<hbm>>
        %dma_wait3A_44 = arith.constant 0 : i32
        %dma_wait3A_45 = tpu.memref_slice %arg6[%add3A_13, %dma_wait3A_44] : memref<32768x128xf32, #tpu.memory_space<hbm>> -> memref<64x128xf32, #tpu.memory_space<hbm>>
        tpu.wait_dma2 semaphore(%run_scoped3A : memref<!tpu.dma_semaphore, #tpu.memory_space<semaphore_mem>>) src(%arg11 : memref<64x128xf32, #tpu.memory_space<vmem>>) dst(%dma_wait3A_45 : memref<64x128xf32, #tpu.memory_space<hbm>>)
        tpu.yield
      }) : () -> ()
      %dma_wait3A_32 = arith.constant 0 : i32
      %dma_wait3A_33 = arith.constant 0 : i32
      %dma_wait3A_34 = tpu.memref_slice %arg2[%dma_wait3A_32, %dma_wait3A_33] : memref<2048x512xi32, #tpu.memory_space<hbm>> -> memref<2048x512xi32, #tpu.memory_space<hbm>>
      tpu.wait_indirect_dma semaphore(%arg14 : memref<!tpu.dma_semaphore, #tpu.memory_space<semaphore_mem>>) src(%dma_wait3A_34 : memref<2048x512xi32, #tpu.memory_space<hbm>>) dst(%arg10 : memref<64x512xi32, #tpu.memory_space<vmem>>)
      %dma_wait3A_35 = arith.constant 0 : i32
      %dma_wait3A_36 = arith.constant 0 : i32
      %dma_wait3A_37 = tpu.memref_slice %arg3[%dma_wait3A_35, %dma_wait3A_36] : memref<2048x128xf32, #tpu.memory_space<hbm>> -> memref<2048x128xf32, #tpu.memory_space<hbm>>
      tpu.wait_indirect_dma semaphore(%arg14 : memref<!tpu.dma_semaphore, #tpu.memory_space<semaphore_mem>>) src(%dma_wait3A_37 : memref<2048x128xf32, #tpu.memory_space<hbm>>) dst(%arg12 : memref<64x128xf32, #tpu.memory_space<vmem>>)
      "tpu.region"() ({
        %run_scoped3A = tpu.sem_alloc : memref<!tpu.dma_semaphore, #tpu.memory_space<semaphore_mem>>
        %dma_start3A_38 = arith.constant 0 : i32
        %dma_start3A_39 = tpu.memref_slice %arg5[%add3A_15, %dma_start3A_38] : memref<32768x512xi32, #tpu.memory_space<hbm>> -> memref<64x512xi32, #tpu.memory_space<hbm>>
        %dma_start3A_40 = arith.constant 0 : i32
        %dma_start3A_41 = tpu.memref_slice %arg5[%add3A_15, %dma_start3A_40] : memref<32768x512xi32, #tpu.memory_space<hbm>> -> memref<64x512xi32, #tpu.memory_space<hbm>>
        tpu.enqueue_dma source(%arg10 : memref<64x512xi32, #tpu.memory_space<vmem>>) target(%dma_start3A_41 : memref<64x512xi32, #tpu.memory_space<hbm>>) target_semaphore(%run_scoped3A : memref<!tpu.dma_semaphore, #tpu.memory_space<semaphore_mem>>)
        %dma_wait3A_42 = arith.constant 0 : i32
        %dma_wait3A_43 = tpu.memref_slice %arg5[%add3A_15, %dma_wait3A_42] : memref<32768x512xi32, #tpu.memory_space<hbm>> -> memref<64x512xi32, #tpu.memory_space<hbm>>
        %dma_wait3A_44 = arith.constant 0 : i32
        %dma_wait3A_45 = tpu.memref_slice %arg5[%add3A_15, %dma_wait3A_44] : memref<32768x512xi32, #tpu.memory_space<hbm>> -> memref<64x512xi32, #tpu.memory_space<hbm>>
        tpu.wait_dma2 semaphore(%run_scoped3A : memref<!tpu.dma_semaphore, #tpu.memory_space<semaphore_mem>>) src(%arg10 : memref<64x512xi32, #tpu.memory_space<vmem>>) dst(%dma_wait3A_45 : memref<64x512xi32, #tpu.memory_space<hbm>>)
        tpu.yield
      }) : () -> ()
      "tpu.region"() ({
        %run_scoped3A = tpu.sem_alloc : memref<!tpu.dma_semaphore, #tpu.memory_space<semaphore_mem>>
        %dma_start3A_38 = arith.constant 0 : i32
        %dma_start3A_39 = tpu.memref_slice %arg6[%add3A_15, %dma_start3A_38] : memref<32768x128xf32, #tpu.memory_space<hbm>> -> memref<64x128xf32, #tpu.memory_space<hbm>>
        %dma_start3A_40 = arith.constant 0 : i32
        %dma_start3A_41 = tpu.memref_slice %arg6[%add3A_15, %dma_start3A_40] : memref<32768x128xf32, #tpu.memory_space<hbm>> -> memref<64x128xf32, #tpu.memory_space<hbm>>
        tpu.enqueue_dma source(%arg12 : memref<64x128xf32, #tpu.memory_space<vmem>>) target(%dma_start3A_41 : memref<64x128xf32, #tpu.memory_space<hbm>>) target_semaphore(%run_scoped3A : memref<!tpu.dma_semaphore, #tpu.memory_space<semaphore_mem>>)
        %dma_wait3A_42 = arith.constant 0 : i32
        %dma_wait3A_43 = tpu.memref_slice %arg6[%add3A_15, %dma_wait3A_42] : memref<32768x128xf32, #tpu.memory_space<hbm>> -> memref<64x128xf32, #tpu.memory_space<hbm>>
        %dma_wait3A_44 = arith.constant 0 : i32
        %dma_wait3A_45 = tpu.memref_slice %arg6[%add3A_15, %dma_wait3A_44] : memref<32768x128xf32, #tpu.memory_space<hbm>> -> memref<64x128xf32, #tpu.memory_space<hbm>>
        tpu.wait_dma2 semaphore(%run_scoped3A : memref<!tpu.dma_semaphore, #tpu.memory_space<semaphore_mem>>) src(%arg12 : memref<64x128xf32, #tpu.memory_space<vmem>>) dst(%dma_wait3A_45 : memref<64x128xf32, #tpu.memory_space<hbm>>)
        tpu.yield
      }) : () -> ()
    }
    %scan3A_7 = arith.constant 8 : i32
    return
  }
}

#map = affine_map<(d0, d1) -> (0, 0)>
#map1 = affine_map<(d0, d1) -> (0)>
module attributes {stable_mosaic.version = 14 : i64} {
  func.func @_sc_gather(%arg0: i32, %arg1: i32, %arg2: memref<2048x512xi32, #tpu.memory_space<hbm>>, %arg3: memref<2048x128xf32, #tpu.memory_space<hbm>>, %arg4: memref<32768xi32, #tpu.memory_space<hbm>>, %arg5: memref<32768x512xi32, #tpu.memory_space<hbm>>, %arg6: memref<32768x128xf32, #tpu.memory_space<hbm>>, %arg7: memref<64xi32, #tpu.memory_space<vmem>>, %arg8: memref<64xi32, #tpu.memory_space<vmem>>, %arg9: memref<64x512xi32, #tpu.memory_space<vmem>>, %arg10: memref<64x512xi32, #tpu.memory_space<vmem>>, %arg11: memref<64x128xf32, #tpu.memory_space<vmem>>, %arg12: memref<64x128xf32, #tpu.memory_space<vmem>>, %arg13: memref<!tpu.dma_semaphore, #tpu.memory_space<semaphore_mem>>, %arg14: memref<!tpu.dma_semaphore, #tpu.memory_space<semaphore_mem>>) attributes {dimension_semantics = [#tpu.dimension_semantics<core_parallel>, #tpu.dimension_semantics<subcore_parallel>], iteration_bounds = array<i64: 2, 16>, scalar_prefetch = 0 : i64, scratch_operands = 8 : i64, tpu.core_type = #tpu.core_type<sc_vector_subcore>, window_params = [{transform_indices = #map}, {transform_indices = #map}, {transform_indices = #map1}, {transform_indices = #map}, {transform_indices = #map}]} {
    %mul3A = arith.constant 2 : i32
    %mul3A_0 = arith.muli %arg1, %mul3A : i32
    %add3A = arith.addi %mul3A_0, %arg0 : i32
    %mul3A_1 = arith.constant 1024 : i32
    %mul3A_2 = arith.muli %add3A, %mul3A_1 : i32
    %scan3A = arith.constant 0 : i32
    %scan3A_3 = arith.constant 0 : i32
    %scan3A_4 = arith.constant 8 : i32
    %scan3A_5 = arith.addi %scan3A_3, %scan3A_4 : i32
    %scan3A_6 = arith.constant 1 : i32
    scf.for %scan3A_8 = %scan3A_3 to %scan3A_5 step %scan3A_6  : i32 {
      %mul3A_9 = arith.constant 2 : i32
      %mul3A_10 = arith.muli %mul3A_9, %scan3A_8 : i32
      %mul3A_11 = arith.constant 64 : i32
      %mul3A_12 = arith.muli %mul3A_10, %mul3A_11 : i32
      %add3A_13 = arith.addi %mul3A_2, %mul3A_12 : i32
      %add3A_14 = arith.constant 64 : i32
      %add3A_15 = arith.addi %add3A_13, %add3A_14 : i32
      "tpu.region"() ({
        %run_scoped3A = tpu.sem_alloc : memref<!tpu.dma_semaphore, #tpu.memory_space<semaphore_mem>>
        %dma_start3A_38 = tpu.memref_slice %arg4[%add3A_13] : memref<32768xi32, #tpu.memory_space<hbm>> -> memref<64xi32, #tpu.memory_space<hbm>>
        %dma_start3A_39 = tpu.memref_slice %arg4[%add3A_13] : memref<32768xi32, #tpu.memory_space<hbm>> -> memref<64xi32, #tpu.memory_space<hbm>>
        tpu.enqueue_dma source(%dma_start3A_39 : memref<64xi32, #tpu.memory_space<hbm>>) target(%arg7 : memref<64xi32, #tpu.memory_space<vmem>>) target_semaphore(%run_scoped3A : memref<!tpu.dma_semaphore, #tpu.memory_space<semaphore_mem>>)
        %dma_wait3A_40 = tpu.memref_slice %arg4[%add3A_13] : memref<32768xi32, #tpu.memory_space<hbm>> -> memref<64xi32, #tpu.memory_space<hbm>>
        %dma_wait3A_41 = tpu.memref_slice %arg4[%add3A_13] : memref<32768xi32, #tpu.memory_space<hbm>> -> memref<64xi32, #tpu.memory_space<hbm>>
        tpu.wait_dma2 semaphore(%run_scoped3A : memref<!tpu.dma_semaphore, #tpu.memory_space<semaphore_mem>>) src(%dma_wait3A_41 : memref<64xi32, #tpu.memory_space<hbm>>) dst(%arg7 : memref<64xi32, #tpu.memory_space<vmem>>)
        tpu.yield
      }) : () -> ()
      %dma_start3A = arith.constant 0 : i32
      %dma_start3A_16 = arith.constant 0 : i32
      %dma_start3A_17 = tpu.memref_slice %arg2[%dma_start3A, %dma_start3A_16] : memref<2048x512xi32, #tpu.memory_space<hbm>> -> memref<2048x512xi32, #tpu.memory_space<hbm>>
      tpu.enqueue_indirect_dma source(%dma_start3A_17 : memref<2048x512xi32, #tpu.memory_space<hbm>>) target(%arg9 : memref<64x512xi32, #tpu.memory_space<vmem>>) offsets(%arg7 : memref<64xi32, #tpu.memory_space<vmem>>) semaphore(%arg13 : memref<!tpu.dma_semaphore, #tpu.memory_space<semaphore_mem>>)
      %dma_start3A_18 = arith.constant 0 : i32
      %dma_start3A_19 = arith.constant 0 : i32
      %dma_start3A_20 = tpu.memref_slice %arg3[%dma_start3A_18, %dma_start3A_19] : memref<2048x128xf32, #tpu.memory_space<hbm>> -> memref<2048x128xf32, #tpu.memory_space<hbm>>
      tpu.enqueue_indirect_dma source(%dma_start3A_20 : memref<2048x128xf32, #tpu.memory_space<hbm>>) target(%arg11 : memref<64x128xf32, #tpu.memory_space<vmem>>) offsets(%arg7 : memref<64xi32, #tpu.memory_space<vmem>>) semaphore(%arg13 : memref<!tpu.dma_semaphore, #tpu.memory_space<semaphore_mem>>)
      "tpu.region"() ({
        %run_scoped3A = tpu.sem_alloc : memref<!tpu.dma_semaphore, #tpu.memory_space<semaphore_mem>>
        %dma_start3A_38 = tpu.memref_slice %arg4[%add3A_15] : memref<32768xi32, #tpu.memory_space<hbm>> -> memref<64xi32, #tpu.memory_space<hbm>>
        %dma_start3A_39 = tpu.memref_slice %arg4[%add3A_15] : memref<32768xi32, #tpu.memory_space<hbm>> -> memref<64xi32, #tpu.memory_space<hbm>>
        tpu.enqueue_dma source(%dma_start3A_39 : memref<64xi32, #tpu.memory_space<hbm>>) target(%arg8 : memref<64xi32, #tpu.memory_space<vmem>>) target_semaphore(%run_scoped3A : memref<!tpu.dma_semaphore, #tpu.memory_space<semaphore_mem>>)
        %dma_wait3A_40 = tpu.memref_slice %arg4[%add3A_15] : memref<32768xi32, #tpu.memory_space<hbm>> -> memref<64xi32, #tpu.memory_space<hbm>>
        %dma_wait3A_41 = tpu.memref_slice %arg4[%add3A_15] : memref<32768xi32, #tpu.memory_space<hbm>> -> memref<64xi32, #tpu.memory_space<hbm>>
        tpu.wait_dma2 semaphore(%run_scoped3A : memref<!tpu.dma_semaphore, #tpu.memory_space<semaphore_mem>>) src(%dma_wait3A_41 : memref<64xi32, #tpu.memory_space<hbm>>) dst(%arg8 : memref<64xi32, #tpu.memory_space<vmem>>)
        tpu.yield
      }) : () -> ()
      %dma_start3A_21 = arith.constant 0 : i32
      %dma_start3A_22 = arith.constant 0 : i32
      %dma_start3A_23 = tpu.memref_slice %arg2[%dma_start3A_21, %dma_start3A_22] : memref<2048x512xi32, #tpu.memory_space<hbm>> -> memref<2048x512xi32, #tpu.memory_space<hbm>>
      tpu.enqueue_indirect_dma source(%dma_start3A_23 : memref<2048x512xi32, #tpu.memory_space<hbm>>) target(%arg10 : memref<64x512xi32, #tpu.memory_space<vmem>>) offsets(%arg8 : memref<64xi32, #tpu.memory_space<vmem>>) semaphore(%arg14 : memref<!tpu.dma_semaphore, #tpu.memory_space<semaphore_mem>>)
      %dma_start3A_24 = arith.constant 0 : i32
      %dma_start3A_25 = arith.constant 0 : i32
      %dma_start3A_26 = tpu.memref_slice %arg3[%dma_start3A_24, %dma_start3A_25] : memref<2048x128xf32, #tpu.memory_space<hbm>> -> memref<2048x128xf32, #tpu.memory_space<hbm>>
      tpu.enqueue_indirect_dma source(%dma_start3A_26 : memref<2048x128xf32, #tpu.memory_space<hbm>>) target(%arg12 : memref<64x128xf32, #tpu.memory_space<vmem>>) offsets(%arg8 : memref<64xi32, #tpu.memory_space<vmem>>) semaphore(%arg14 : memref<!tpu.dma_semaphore, #tpu.memory_space<semaphore_mem>>)
      %dma_wait3A = arith.constant 0 : i32
      %dma_wait3A_27 = arith.constant 0 : i32
      %dma_wait3A_28 = tpu.memref_slice %arg2[%dma_wait3A, %dma_wait3A_27] : memref<2048x512xi32, #tpu.memory_space<hbm>> -> memref<2048x512xi32, #tpu.memory_space<hbm>>
      tpu.wait_indirect_dma semaphore(%arg13 : memref<!tpu.dma_semaphore, #tpu.memory_space<semaphore_mem>>) src(%dma_wait3A_28 : memref<2048x512xi32, #tpu.memory_space<hbm>>) dst(%arg9 : memref<64x512xi32, #tpu.memory_space<vmem>>)
      %dma_wait3A_29 = arith.constant 0 : i32
      %dma_wait3A_30 = arith.constant 0 : i32
      %dma_wait3A_31 = tpu.memref_slice %arg3[%dma_wait3A_29, %dma_wait3A_30] : memref<2048x128xf32, #tpu.memory_space<hbm>> -> memref<2048x128xf32, #tpu.memory_space<hbm>>
      tpu.wait_indirect_dma semaphore(%arg13 : memref<!tpu.dma_semaphore, #tpu.memory_space<semaphore_mem>>) src(%dma_wait3A_31 : memref<2048x128xf32, #tpu.memory_space<hbm>>) dst(%arg11 : memref<64x128xf32, #tpu.memory_space<vmem>>)
      "tpu.region"() ({
        %run_scoped3A = tpu.sem_alloc : memref<!tpu.dma_semaphore, #tpu.memory_space<semaphore_mem>>
        %dma_start3A_38 = arith.constant 0 : i32
        %dma_start3A_39 = tpu.memref_slice %arg5[%add3A_13, %dma_start3A_38] : memref<32768x512xi32, #tpu.memory_space<hbm>> -> memref<64x512xi32, #tpu.memory_space<hbm>>
        %dma_start3A_40 = arith.constant 0 : i32
        %dma_start3A_41 = tpu.memref_slice %arg5[%add3A_13, %dma_start3A_40] : memref<32768x512xi32, #tpu.memory_space<hbm>> -> memref<64x512xi32, #tpu.memory_space<hbm>>
        tpu.enqueue_dma source(%arg9 : memref<64x512xi32, #tpu.memory_space<vmem>>) target(%dma_start3A_41 : memref<64x512xi32, #tpu.memory_space<hbm>>) target_semaphore(%run_scoped3A : memref<!tpu.dma_semaphore, #tpu.memory_space<semaphore_mem>>)
        %dma_wait3A_42 = arith.constant 0 : i32
        %dma_wait3A_43 = tpu.memref_slice %arg5[%add3A_13, %dma_wait3A_42] : memref<32768x512xi32, #tpu.memory_space<hbm>> -> memref<64x512xi32, #tpu.memory_space<hbm>>
        %dma_wait3A_44 = arith.constant 0 : i32
        %dma_wait3A_45 = tpu.memref_slice %arg5[%add3A_13, %dma_wait3A_44] : memref<32768x512xi32, #tpu.memory_space<hbm>> -> memref<64x512xi32, #tpu.memory_space<hbm>>
        tpu.wait_dma2 semaphore(%run_scoped3A : memref<!tpu.dma_semaphore, #tpu.memory_space<semaphore_mem>>) src(%arg9 : memref<64x512xi32, #tpu.memory_space<vmem>>) dst(%dma_wait3A_45 : memref<64x512xi32, #tpu.memory_space<hbm>>)
        tpu.yield
      }) : () -> ()
      "tpu.region"() ({
        %run_scoped3A = tpu.sem_alloc : memref<!tpu.dma_semaphore, #tpu.memory_space<semaphore_mem>>
        %dma_start3A_38 = arith.constant 0 : i32
        %dma_start3A_39 = tpu.memref_slice %arg6[%add3A_13, %dma_start3A_38] : memref<32768x128xf32, #tpu.memory_space<hbm>> -> memref<64x128xf32, #tpu.memory_space<hbm>>
        %dma_start3A_40 = arith.constant 0 : i32
        %dma_start3A_41 = tpu.memref_slice %arg6[%add3A_13, %dma_start3A_40] : memref<32768x128xf32, #tpu.memory_space<hbm>> -> memref<64x128xf32, #tpu.memory_space<hbm>>
        tpu.enqueue_dma source(%arg11 : memref<64x128xf32, #tpu.memory_space<vmem>>) target(%dma_start3A_41 : memref<64x128xf32, #tpu.memory_space<hbm>>) target_semaphore(%run_scoped3A : memref<!tpu.dma_semaphore, #tpu.memory_space<semaphore_mem>>)
        %dma_wait3A_42 = arith.constant 0 : i32
        %dma_wait3A_43 = tpu.memref_slice %arg6[%add3A_13, %dma_wait3A_42] : memref<32768x128xf32, #tpu.memory_space<hbm>> -> memref<64x128xf32, #tpu.memory_space<hbm>>
        %dma_wait3A_44 = arith.constant 0 : i32
        %dma_wait3A_45 = tpu.memref_slice %arg6[%add3A_13, %dma_wait3A_44] : memref<32768x128xf32, #tpu.memory_space<hbm>> -> memref<64x128xf32, #tpu.memory_space<hbm>>
        tpu.wait_dma2 semaphore(%run_scoped3A : memref<!tpu.dma_semaphore, #tpu.memory_space<semaphore_mem>>) src(%arg11 : memref<64x128xf32, #tpu.memory_space<vmem>>) dst(%dma_wait3A_45 : memref<64x128xf32, #tpu.memory_space<hbm>>)
        tpu.yield
      }) : () -> ()
      %dma_wait3A_32 = arith.constant 0 : i32
      %dma_wait3A_33 = arith.constant 0 : i32
      %dma_wait3A_34 = tpu.memref_slice %arg2[%dma_wait3A_32, %dma_wait3A_33] : memref<2048x512xi32, #tpu.memory_space<hbm>> -> memref<2048x512xi32, #tpu.memory_space<hbm>>
      tpu.wait_indirect_dma semaphore(%arg14 : memref<!tpu.dma_semaphore, #tpu.memory_space<semaphore_mem>>) src(%dma_wait3A_34 : memref<2048x512xi32, #tpu.memory_space<hbm>>) dst(%arg10 : memref<64x512xi32, #tpu.memory_space<vmem>>)
      %dma_wait3A_35 = arith.constant 0 : i32
      %dma_wait3A_36 = arith.constant 0 : i32
      %dma_wait3A_37 = tpu.memref_slice %arg3[%dma_wait3A_35, %dma_wait3A_36] : memref<2048x128xf32, #tpu.memory_space<hbm>> -> memref<2048x128xf32, #tpu.memory_space<hbm>>
      tpu.wait_indirect_dma semaphore(%arg14 : memref<!tpu.dma_semaphore, #tpu.memory_space<semaphore_mem>>) src(%dma_wait3A_37 : memref<2048x128xf32, #tpu.memory_space<hbm>>) dst(%arg12 : memref<64x128xf32, #tpu.memory_space<vmem>>)
      "tpu.region"() ({
        %run_scoped3A = tpu.sem_alloc : memref<!tpu.dma_semaphore, #tpu.memory_space<semaphore_mem>>
        %dma_start3A_38 = arith.constant 0 : i32
        %dma_start3A_39 = tpu.memref_slice %arg5[%add3A_15, %dma_start3A_38] : memref<32768x512xi32, #tpu.memory_space<hbm>> -> memref<64x512xi32, #tpu.memory_space<hbm>>
        %dma_start3A_40 = arith.constant 0 : i32
        %dma_start3A_41 = tpu.memref_slice %arg5[%add3A_15, %dma_start3A_40] : memref<32768x512xi32, #tpu.memory_space<hbm>> -> memref<64x512xi32, #tpu.memory_space<hbm>>
        tpu.enqueue_dma source(%arg10 : memref<64x512xi32, #tpu.memory_space<vmem>>) target(%dma_start3A_41 : memref<64x512xi32, #tpu.memory_space<hbm>>) target_semaphore(%run_scoped3A : memref<!tpu.dma_semaphore, #tpu.memory_space<semaphore_mem>>)
        %dma_wait3A_42 = arith.constant 0 : i32
        %dma_wait3A_43 = tpu.memref_slice %arg5[%add3A_15, %dma_wait3A_42] : memref<32768x512xi32, #tpu.memory_space<hbm>> -> memref<64x512xi32, #tpu.memory_space<hbm>>
        %dma_wait3A_44 = arith.constant 0 : i32
        %dma_wait3A_45 = tpu.memref_slice %arg5[%add3A_15, %dma_wait3A_44] : memref<32768x512xi32, #tpu.memory_space<hbm>> -> memref<64x512xi32, #tpu.memory_space<hbm>>
        tpu.wait_dma2 semaphore(%run_scoped3A : memref<!tpu.dma_semaphore, #tpu.memory_space<semaphore_mem>>) src(%arg10 : memref<64x512xi32, #tpu.memory_space<vmem>>) dst(%dma_wait3A_45 : memref<64x512xi32, #tpu.memory_space<hbm>>)
        tpu.yield
      }) : () -> ()
      "tpu.region"() ({
        %run_scoped3A = tpu.sem_alloc : memref<!tpu.dma_semaphore, #tpu.memory_space<semaphore_mem>>
        %dma_start3A_38 = arith.constant 0 : i32
        %dma_start3A_39 = tpu.memref_slice %arg6[%add3A_15, %dma_start3A_38] : memref<32768x128xf32, #tpu.memory_space<hbm>> -> memref<64x128xf32, #tpu.memory_space<hbm>>
        %dma_start3A_40 = arith.constant 0 : i32
        %dma_start3A_41 = tpu.memref_slice %arg6[%add3A_15, %dma_start3A_40] : memref<32768x128xf32, #tpu.memory_space<hbm>> -> memref<64x128xf32, #tpu.memory_space<hbm>>
        tpu.enqueue_dma source(%arg12 : memref<64x128xf32, #tpu.memory_space<vmem>>) target(%dma_start3A_41 : memref<64x128xf32, #tpu.memory_space<hbm>>) target_semaphore(%run_scoped3A : memref<!tpu.dma_semaphore, #tpu.memory_space<semaphore_mem>>)
        %dma_wait3A_42 = arith.constant 0 : i32
        %dma_wait3A_43 = tpu.memref_slice %arg6[%add3A_15, %dma_wait3A_42] : memref<32768x128xf32, #tpu.memory_space<hbm>> -> memref<64x128xf32, #tpu.memory_space<hbm>>
        %dma_wait3A_44 = arith.constant 0 : i32
        %dma_wait3A_45 = tpu.memref_slice %arg6[%add3A_15, %dma_wait3A_44] : memref<32768x128xf32, #tpu.memory_space<hbm>> -> memref<64x128xf32, #tpu.memory_space<hbm>>
        tpu.wait_dma2 semaphore(%run_scoped3A : memref<!tpu.dma_semaphore, #tpu.memory_space<semaphore_mem>>) src(%arg12 : memref<64x128xf32, #tpu.memory_space<vmem>>) dst(%dma_wait3A_45 : memref<64x128xf32, #tpu.memory_space<hbm>>)
        tpu.yield
      }) : () -> ()
    }
    %scan3A_7 = arith.constant 8 : i32
    return
  }
}

module attributes {stable_mosaic.version = 14 : i64} {
  func.func @_topk_body(%arg0: i32, %arg1: memref<256x3xf32, #tpu.memory_space<vmem>>, %arg2: memref<3x1024xf32, #tpu.memory_space<vmem>>, %arg3: memref<256x32xi32, #tpu.memory_space<vmem>>) attributes {dimension_semantics = [#tpu.dimension_semantics<arbitrary>], iteration_bounds = array<i64: 4>, scalar_prefetch = 0 : i64, scratch_operands = 0 : i64, tpu.core_type = #tpu.core_type<tc>, window_params = [{transform_indices = @transform_0, window_bounds = array<i64: 256, 3>}, {pipeline_mode = #tpu.pipeline_mode<synchronous>, transform_indices = @transform_1, window_bounds = array<i64: 3, 1024>}, {transform_indices = @transform_2, window_bounds = array<i64: 256, 32>}]} {
    %get3A = arith.constant 0 : index
    %get3A_0 = arith.constant 0 : index
    %get3A_1 = vector.load %arg1[%get3A, %get3A_0] : memref<256x3xf32, #tpu.memory_space<vmem>>, vector<256x3xf32>
    %get3A_2 = arith.constant 0 : index
    %get3A_3 = arith.constant 0 : index
    %get3A_4 = vector.load %arg2[%get3A_2, %get3A_3] : memref<3x1024xf32, #tpu.memory_space<vmem>>, vector<3x1024xf32>
    %slice3A = vector.extract_strided_slice %get3A_1 {offsets = [0, 0], sizes = [256, 1], strides = [1, 1]} : vector<256x3xf32> to vector<256x1xf32>
    %slice3A_5 = vector.extract_strided_slice %get3A_4 {offsets = [0, 0], sizes = [1, 1024], strides = [1, 1]} : vector<3x1024xf32> to vector<1x1024xf32>
    %sub3A = vector.broadcast %slice3A : vector<256x1xf32> to vector<256x1024xf32>
    %sub3A_6 = vector.broadcast %slice3A_5 : vector<1x1024xf32> to vector<256x1024xf32>
    %sub3A_7 = arith.subf %sub3A, %sub3A_6 : vector<256x1024xf32>
    %slice3A_8 = vector.extract_strided_slice %get3A_1 {offsets = [0, 1], sizes = [256, 1], strides = [1, 1]} : vector<256x3xf32> to vector<256x1xf32>
    %slice3A_9 = vector.extract_strided_slice %get3A_4 {offsets = [1, 0], sizes = [1, 1024], strides = [1, 1]} : vector<3x1024xf32> to vector<1x1024xf32>
    %sub3A_10 = vector.broadcast %slice3A_8 : vector<256x1xf32> to vector<256x1024xf32>
    %sub3A_11 = vector.broadcast %slice3A_9 : vector<1x1024xf32> to vector<256x1024xf32>
    %sub3A_12 = arith.subf %sub3A_10, %sub3A_11 : vector<256x1024xf32>
    %slice3A_13 = vector.extract_strided_slice %get3A_1 {offsets = [0, 2], sizes = [256, 1], strides = [1, 1]} : vector<256x3xf32> to vector<256x1xf32>
    %slice3A_14 = vector.extract_strided_slice %get3A_4 {offsets = [2, 0], sizes = [1, 1024], strides = [1, 1]} : vector<3x1024xf32> to vector<1x1024xf32>
    %sub3A_15 = vector.broadcast %slice3A_13 : vector<256x1xf32> to vector<256x1024xf32>
    %sub3A_16 = vector.broadcast %slice3A_14 : vector<1x1024xf32> to vector<256x1024xf32>
    %sub3A_17 = arith.subf %sub3A_15, %sub3A_16 : vector<256x1024xf32>
    %mul3A = arith.mulf %sub3A_7, %sub3A_7 : vector<256x1024xf32>
    %mul3A_18 = arith.mulf %sub3A_12, %sub3A_12 : vector<256x1024xf32>
    %add3A = arith.addf %mul3A, %mul3A_18 : vector<256x1024xf32>
    %mul3A_19 = arith.mulf %sub3A_17, %sub3A_17 : vector<256x1024xf32>
    %add3A_20 = arith.addf %add3A, %mul3A_19 : vector<256x1024xf32>
    %iota3A = tpu.iota {dimensions = array<i32: 1>} : vector<256x1024xi32>
    %convert_element_type3A = arith.sitofp %iota3A : vector<256x1024xi32> to vector<256x1024xf32>
    %iota3A_21 = tpu.iota {dimensions = array<i32: 1>} : vector<256x32xi32>
    %broadcast_in_dim3A = arith.constant 0.000000e+00 : f32
    %broadcast_in_dim3A_22 = vector.broadcast %broadcast_in_dim3A : f32 to vector<256x32xf32>
    %reduce_min3A = arith.constant dense<0x7F800000> : vector<256xf32>
    %reduce_min3A_23 = vector.multi_reduction <minimumf>, %add3A_20, %reduce_min3A [1] : vector<256x1024xf32> to vector<256xf32>
    %broadcast_in_dim3A_24 = vector.shape_cast %reduce_min3A_23 : vector<256xf32> to vector<256x1xf32>
    %eq3A = vector.broadcast %broadcast_in_dim3A_24 : vector<256x1xf32> to vector<256x1024xf32>
    %eq3A_25 = arith.cmpf oeq, %add3A_20, %eq3A : vector<256x1024xf32>
    %jit3A = arith.constant 1.024000e+03 : f32
    %broadcast_in_dim3A_26 = vector.broadcast %jit3A : f32 to vector<256x1024xf32>
    %select_n3A = arith.select %eq3A_25, %convert_element_type3A, %broadcast_in_dim3A_26 : vector<256x1024xi1>, vector<256x1024xf32>
    %reduce_min3A_27 = arith.constant dense<0x7F800000> : vector<256xf32>
    %reduce_min3A_28 = vector.multi_reduction <minimumf>, %select_n3A, %reduce_min3A_27 [1] : vector<256x1024xf32> to vector<256xf32>
    %broadcast_in_dim3A_29 = vector.shape_cast %reduce_min3A_28 : vector<256xf32> to vector<256x1xf32>
    %eq3A_30 = arith.constant 0 : i32
    %eq3A_31 = vector.broadcast %eq3A_30 : i32 to vector<256x32xi32>
    %eq3A_32 = arith.cmpi eq, %iota3A_21, %eq3A_31 : vector<256x32xi32>
    %broadcast_in_dim3A_33 = vector.shape_cast %broadcast_in_dim3A_29 : vector<256x1xf32> to vector<256x1xf32>
    %broadcast_in_dim3A_34 = vector.broadcast %broadcast_in_dim3A_33 : vector<256x1xf32> to vector<256x32xf32>
    %select_n3A_35 = arith.select %eq3A_32, %broadcast_in_dim3A_34, %broadcast_in_dim3A_22 : vector<256x32xi1>, vector<256x32xf32>
    %eq3A_36 = vector.broadcast %broadcast_in_dim3A_29 : vector<256x1xf32> to vector<256x1024xf32>
    %eq3A_37 = arith.cmpf oeq, %convert_element_type3A, %eq3A_36 : vector<256x1024xf32>
    %jit3A_38 = arith.constant 0x7F800000 : f32
    %broadcast_in_dim3A_39 = vector.broadcast %jit3A_38 : f32 to vector<256x1024xf32>
    %select_n3A_40 = arith.select %eq3A_37, %broadcast_in_dim3A_39, %add3A_20 : vector<256x1024xi1>, vector<256x1024xf32>
    %reduce_min3A_41 = arith.constant dense<0x7F800000> : vector<256xf32>
    %reduce_min3A_42 = vector.multi_reduction <minimumf>, %select_n3A_40, %reduce_min3A_41 [1] : vector<256x1024xf32> to vector<256xf32>
    %broadcast_in_dim3A_43 = vector.shape_cast %reduce_min3A_42 : vector<256xf32> to vector<256x1xf32>
    %eq3A_44 = vector.broadcast %broadcast_in_dim3A_43 : vector<256x1xf32> to vector<256x1024xf32>
    %eq3A_45 = arith.cmpf oeq, %select_n3A_40, %eq3A_44 : vector<256x1024xf32>
    %jit3A_46 = arith.constant 1.024000e+03 : f32
    %broadcast_in_dim3A_47 = vector.broadcast %jit3A_46 : f32 to vector<256x1024xf32>
    %select_n3A_48 = arith.select %eq3A_45, %convert_element_type3A, %broadcast_in_dim3A_47 : vector<256x1024xi1>, vector<256x1024xf32>
    %reduce_min3A_49 = arith.constant dense<0x7F800000> : vector<256xf32>
    %reduce_min3A_50 = vector.multi_reduction <minimumf>, %select_n3A_48, %reduce_min3A_49 [1] : vector<256x1024xf32> to vector<256xf32>
    %broadcast_in_dim3A_51 = vector.shape_cast %reduce_min3A_50 : vector<256xf32> to vector<256x1xf32>
    %eq3A_52 = arith.constant 1 : i32
    %eq3A_53 = vector.broadcast %eq3A_52 : i32 to vector<256x32xi32>
    %eq3A_54 = arith.cmpi eq, %iota3A_21, %eq3A_53 : vector<256x32xi32>
    %broadcast_in_dim3A_55 = vector.shape_cast %broadcast_in_dim3A_51 : vector<256x1xf32> to vector<256x1xf32>
    %broadcast_in_dim3A_56 = vector.broadcast %broadcast_in_dim3A_55 : vector<256x1xf32> to vector<256x32xf32>
    %select_n3A_57 = arith.select %eq3A_54, %broadcast_in_dim3A_56, %select_n3A_35 : vector<256x32xi1>, vector<256x32xf32>
    %eq3A_58 = vector.broadcast %broadcast_in_dim3A_51 : vector<256x1xf32> to vector<256x1024xf32>
    %eq3A_59 = arith.cmpf oeq, %convert_element_type3A, %eq3A_58 : vector<256x1024xf32>
    %jit3A_60 = arith.constant 0x7F800000 : f32
    %broadcast_in_dim3A_61 = vector.broadcast %jit3A_60 : f32 to vector<256x1024xf32>
    %select_n3A_62 = arith.select %eq3A_59, %broadcast_in_dim3A_61, %select_n3A_40 : vector<256x1024xi1>, vector<256x1024xf32>
    %reduce_min3A_63 = arith.constant dense<0x7F800000> : vector<256xf32>
    %reduce_min3A_64 = vector.multi_reduction <minimumf>, %select_n3A_62, %reduce_min3A_63 [1] : vector<256x1024xf32> to vector<256xf32>
    %broadcast_in_dim3A_65 = vector.shape_cast %reduce_min3A_64 : vector<256xf32> to vector<256x1xf32>
    %eq3A_66 = vector.broadcast %broadcast_in_dim3A_65 : vector<256x1xf32> to vector<256x1024xf32>
    %eq3A_67 = arith.cmpf oeq, %select_n3A_62, %eq3A_66 : vector<256x1024xf32>
    %jit3A_68 = arith.constant 1.024000e+03 : f32
    %broadcast_in_dim3A_69 = vector.broadcast %jit3A_68 : f32 to vector<256x1024xf32>
    %select_n3A_70 = arith.select %eq3A_67, %convert_element_type3A, %broadcast_in_dim3A_69 : vector<256x1024xi1>, vector<256x1024xf32>
    %reduce_min3A_71 = arith.constant dense<0x7F800000> : vector<256xf32>
    %reduce_min3A_72 = vector.multi_reduction <minimumf>, %select_n3A_70, %reduce_min3A_71 [1] : vector<256x1024xf32> to vector<256xf32>
    %broadcast_in_dim3A_73 = vector.shape_cast %reduce_min3A_72 : vector<256xf32> to vector<256x1xf32>
    %eq3A_74 = arith.constant 2 : i32
    %eq3A_75 = vector.broadcast %eq3A_74 : i32 to vector<256x32xi32>
    %eq3A_76 = arith.cmpi eq, %iota3A_21, %eq3A_75 : vector<256x32xi32>
    %broadcast_in_dim3A_77 = vector.shape_cast %broadcast_in_dim3A_73 : vector<256x1xf32> to vector<256x1xf32>
    %broadcast_in_dim3A_78 = vector.broadcast %broadcast_in_dim3A_77 : vector<256x1xf32> to vector<256x32xf32>
    %select_n3A_79 = arith.select %eq3A_76, %broadcast_in_dim3A_78, %select_n3A_57 : vector<256x32xi1>, vector<256x32xf32>
    %eq3A_80 = vector.broadcast %broadcast_in_dim3A_73 : vector<256x1xf32> to vector<256x1024xf32>
    %eq3A_81 = arith.cmpf oeq, %convert_element_type3A, %eq3A_80 : vector<256x1024xf32>
    %jit3A_82 = arith.constant 0x7F800000 : f32
    %broadcast_in_dim3A_83 = vector.broadcast %jit3A_82 : f32 to vector<256x1024xf32>
    %select_n3A_84 = arith.select %eq3A_81, %broadcast_in_dim3A_83, %select_n3A_62 : vector<256x1024xi1>, vector<256x1024xf32>
    %reduce_min3A_85 = arith.constant dense<0x7F800000> : vector<256xf32>
    %reduce_min3A_86 = vector.multi_reduction <minimumf>, %select_n3A_84, %reduce_min3A_85 [1] : vector<256x1024xf32> to vector<256xf32>
    %broadcast_in_dim3A_87 = vector.shape_cast %reduce_min3A_86 : vector<256xf32> to vector<256x1xf32>
    %eq3A_88 = vector.broadcast %broadcast_in_dim3A_87 : vector<256x1xf32> to vector<256x1024xf32>
    %eq3A_89 = arith.cmpf oeq, %select_n3A_84, %eq3A_88 : vector<256x1024xf32>
    %jit3A_90 = arith.constant 1.024000e+03 : f32
    %broadcast_in_dim3A_91 = vector.broadcast %jit3A_90 : f32 to vector<256x1024xf32>
    %select_n3A_92 = arith.select %eq3A_89, %convert_element_type3A, %broadcast_in_dim3A_91 : vector<256x1024xi1>, vector<256x1024xf32>
    %reduce_min3A_93 = arith.constant dense<0x7F800000> : vector<256xf32>
    %reduce_min3A_94 = vector.multi_reduction <minimumf>, %select_n3A_92, %reduce_min3A_93 [1] : vector<256x1024xf32> to vector<256xf32>
    %broadcast_in_dim3A_95 = vector.shape_cast %reduce_min3A_94 : vector<256xf32> to vector<256x1xf32>
    %eq3A_96 = arith.constant 3 : i32
    %eq3A_97 = vector.broadcast %eq3A_96 : i32 to vector<256x32xi32>
    %eq3A_98 = arith.cmpi eq, %iota3A_21, %eq3A_97 : vector<256x32xi32>
    %broadcast_in_dim3A_99 = vector.shape_cast %broadcast_in_dim3A_95 : vector<256x1xf32> to vector<256x1xf32>
    %broadcast_in_dim3A_100 = vector.broadcast %broadcast_in_dim3A_99 : vector<256x1xf32> to vector<256x32xf32>
    %select_n3A_101 = arith.select %eq3A_98, %broadcast_in_dim3A_100, %select_n3A_79 : vector<256x32xi1>, vector<256x32xf32>
    %eq3A_102 = vector.broadcast %broadcast_in_dim3A_95 : vector<256x1xf32> to vector<256x1024xf32>
    %eq3A_103 = arith.cmpf oeq, %convert_element_type3A, %eq3A_102 : vector<256x1024xf32>
    %jit3A_104 = arith.constant 0x7F800000 : f32
    %broadcast_in_dim3A_105 = vector.broadcast %jit3A_104 : f32 to vector<256x1024xf32>
    %select_n3A_106 = arith.select %eq3A_103, %broadcast_in_dim3A_105, %select_n3A_84 : vector<256x1024xi1>, vector<256x1024xf32>
    %reduce_min3A_107 = arith.constant dense<0x7F800000> : vector<256xf32>
    %reduce_min3A_108 = vector.multi_reduction <minimumf>, %select_n3A_106, %reduce_min3A_107 [1] : vector<256x1024xf32> to vector<256xf32>
    %broadcast_in_dim3A_109 = vector.shape_cast %reduce_min3A_108 : vector<256xf32> to vector<256x1xf32>
    %eq3A_110 = vector.broadcast %broadcast_in_dim3A_109 : vector<256x1xf32> to vector<256x1024xf32>
    %eq3A_111 = arith.cmpf oeq, %select_n3A_106, %eq3A_110 : vector<256x1024xf32>
    %jit3A_112 = arith.constant 1.024000e+03 : f32
    %broadcast_in_dim3A_113 = vector.broadcast %jit3A_112 : f32 to vector<256x1024xf32>
    %select_n3A_114 = arith.select %eq3A_111, %convert_element_type3A, %broadcast_in_dim3A_113 : vector<256x1024xi1>, vector<256x1024xf32>
    %reduce_min3A_115 = arith.constant dense<0x7F800000> : vector<256xf32>
    %reduce_min3A_116 = vector.multi_reduction <minimumf>, %select_n3A_114, %reduce_min3A_115 [1] : vector<256x1024xf32> to vector<256xf32>
    %broadcast_in_dim3A_117 = vector.shape_cast %reduce_min3A_116 : vector<256xf32> to vector<256x1xf32>
    %eq3A_118 = arith.constant 4 : i32
    %eq3A_119 = vector.broadcast %eq3A_118 : i32 to vector<256x32xi32>
    %eq3A_120 = arith.cmpi eq, %iota3A_21, %eq3A_119 : vector<256x32xi32>
    %broadcast_in_dim3A_121 = vector.shape_cast %broadcast_in_dim3A_117 : vector<256x1xf32> to vector<256x1xf32>
    %broadcast_in_dim3A_122 = vector.broadcast %broadcast_in_dim3A_121 : vector<256x1xf32> to vector<256x32xf32>
    %select_n3A_123 = arith.select %eq3A_120, %broadcast_in_dim3A_122, %select_n3A_101 : vector<256x32xi1>, vector<256x32xf32>
    %eq3A_124 = vector.broadcast %broadcast_in_dim3A_117 : vector<256x1xf32> to vector<256x1024xf32>
    %eq3A_125 = arith.cmpf oeq, %convert_element_type3A, %eq3A_124 : vector<256x1024xf32>
    %jit3A_126 = arith.constant 0x7F800000 : f32
    %broadcast_in_dim3A_127 = vector.broadcast %jit3A_126 : f32 to vector<256x1024xf32>
    %select_n3A_128 = arith.select %eq3A_125, %broadcast_in_dim3A_127, %select_n3A_106 : vector<256x1024xi1>, vector<256x1024xf32>
    %reduce_min3A_129 = arith.constant dense<0x7F800000> : vector<256xf32>
    %reduce_min3A_130 = vector.multi_reduction <minimumf>, %select_n3A_128, %reduce_min3A_129 [1] : vector<256x1024xf32> to vector<256xf32>
    %broadcast_in_dim3A_131 = vector.shape_cast %reduce_min3A_130 : vector<256xf32> to vector<256x1xf32>
    %eq3A_132 = vector.broadcast %broadcast_in_dim3A_131 : vector<256x1xf32> to vector<256x1024xf32>
    %eq3A_133 = arith.cmpf oeq, %select_n3A_128, %eq3A_132 : vector<256x1024xf32>
    %jit3A_134 = arith.constant 1.024000e+03 : f32
    %broadcast_in_dim3A_135 = vector.broadcast %jit3A_134 : f32 to vector<256x1024xf32>
    %select_n3A_136 = arith.select %eq3A_133, %convert_element_type3A, %broadcast_in_dim3A_135 : vector<256x1024xi1>, vector<256x1024xf32>
    %reduce_min3A_137 = arith.constant dense<0x7F800000> : vector<256xf32>
    %reduce_min3A_138 = vector.multi_reduction <minimumf>, %select_n3A_136, %reduce_min3A_137 [1] : vector<256x1024xf32> to vector<256xf32>
    %broadcast_in_dim3A_139 = vector.shape_cast %reduce_min3A_138 : vector<256xf32> to vector<256x1xf32>
    %eq3A_140 = arith.constant 5 : i32
    %eq3A_141 = vector.broadcast %eq3A_140 : i32 to vector<256x32xi32>
    %eq3A_142 = arith.cmpi eq, %iota3A_21, %eq3A_141 : vector<256x32xi32>
    %broadcast_in_dim3A_143 = vector.shape_cast %broadcast_in_dim3A_139 : vector<256x1xf32> to vector<256x1xf32>
    %broadcast_in_dim3A_144 = vector.broadcast %broadcast_in_dim3A_143 : vector<256x1xf32> to vector<256x32xf32>
    %select_n3A_145 = arith.select %eq3A_142, %broadcast_in_dim3A_144, %select_n3A_123 : vector<256x32xi1>, vector<256x32xf32>
    %eq3A_146 = vector.broadcast %broadcast_in_dim3A_139 : vector<256x1xf32> to vector<256x1024xf32>
    %eq3A_147 = arith.cmpf oeq, %convert_element_type3A, %eq3A_146 : vector<256x1024xf32>
    %jit3A_148 = arith.constant 0x7F800000 : f32
    %broadcast_in_dim3A_149 = vector.broadcast %jit3A_148 : f32 to vector<256x1024xf32>
    %select_n3A_150 = arith.select %eq3A_147, %broadcast_in_dim3A_149, %select_n3A_128 : vector<256x1024xi1>, vector<256x1024xf32>
    %reduce_min3A_151 = arith.constant dense<0x7F800000> : vector<256xf32>
    %reduce_min3A_152 = vector.multi_reduction <minimumf>, %select_n3A_150, %reduce_min3A_151 [1] : vector<256x1024xf32> to vector<256xf32>
    %broadcast_in_dim3A_153 = vector.shape_cast %reduce_min3A_152 : vector<256xf32> to vector<256x1xf32>
    %eq3A_154 = vector.broadcast %broadcast_in_dim3A_153 : vector<256x1xf32> to vector<256x1024xf32>
    %eq3A_155 = arith.cmpf oeq, %select_n3A_150, %eq3A_154 : vector<256x1024xf32>
    %jit3A_156 = arith.constant 1.024000e+03 : f32
    %broadcast_in_dim3A_157 = vector.broadcast %jit3A_156 : f32 to vector<256x1024xf32>
    %select_n3A_158 = arith.select %eq3A_155, %convert_element_type3A, %broadcast_in_dim3A_157 : vector<256x1024xi1>, vector<256x1024xf32>
    %reduce_min3A_159 = arith.constant dense<0x7F800000> : vector<256xf32>
    %reduce_min3A_160 = vector.multi_reduction <minimumf>, %select_n3A_158, %reduce_min3A_159 [1] : vector<256x1024xf32> to vector<256xf32>
    %broadcast_in_dim3A_161 = vector.shape_cast %reduce_min3A_160 : vector<256xf32> to vector<256x1xf32>
    %eq3A_162 = arith.constant 6 : i32
    %eq3A_163 = vector.broadcast %eq3A_162 : i32 to vector<256x32xi32>
    %eq3A_164 = arith.cmpi eq, %iota3A_21, %eq3A_163 : vector<256x32xi32>
    %broadcast_in_dim3A_165 = vector.shape_cast %broadcast_in_dim3A_161 : vector<256x1xf32> to vector<256x1xf32>
    %broadcast_in_dim3A_166 = vector.broadcast %broadcast_in_dim3A_165 : vector<256x1xf32> to vector<256x32xf32>
    %select_n3A_167 = arith.select %eq3A_164, %broadcast_in_dim3A_166, %select_n3A_145 : vector<256x32xi1>, vector<256x32xf32>
    %eq3A_168 = vector.broadcast %broadcast_in_dim3A_161 : vector<256x1xf32> to vector<256x1024xf32>
    %eq3A_169 = arith.cmpf oeq, %convert_element_type3A, %eq3A_168 : vector<256x1024xf32>
    %jit3A_170 = arith.constant 0x7F800000 : f32
    %broadcast_in_dim3A_171 = vector.broadcast %jit3A_170 : f32 to vector<256x1024xf32>
    %select_n3A_172 = arith.select %eq3A_169, %broadcast_in_dim3A_171, %select_n3A_150 : vector<256x1024xi1>, vector<256x1024xf32>
    %reduce_min3A_173 = arith.constant dense<0x7F800000> : vector<256xf32>
    %reduce_min3A_174 = vector.multi_reduction <minimumf>, %select_n3A_172, %reduce_min3A_173 [1] : vector<256x1024xf32> to vector<256xf32>
    %broadcast_in_dim3A_175 = vector.shape_cast %reduce_min3A_174 : vector<256xf32> to vector<256x1xf32>
    %eq3A_176 = vector.broadcast %broadcast_in_dim3A_175 : vector<256x1xf32> to vector<256x1024xf32>
    %eq3A_177 = arith.cmpf oeq, %select_n3A_172, %eq3A_176 : vector<256x1024xf32>
    %jit3A_178 = arith.constant 1.024000e+03 : f32
    %broadcast_in_dim3A_179 = vector.broadcast %jit3A_178 : f32 to vector<256x1024xf32>
    %select_n3A_180 = arith.select %eq3A_177, %convert_element_type3A, %broadcast_in_dim3A_179 : vector<256x1024xi1>, vector<256x1024xf32>
    %reduce_min3A_181 = arith.constant dense<0x7F800000> : vector<256xf32>
    %reduce_min3A_182 = vector.multi_reduction <minimumf>, %select_n3A_180, %reduce_min3A_181 [1] : vector<256x1024xf32> to vector<256xf32>
    %broadcast_in_dim3A_183 = vector.shape_cast %reduce_min3A_182 : vector<256xf32> to vector<256x1xf32>
    %eq3A_184 = arith.constant 7 : i32
    %eq3A_185 = vector.broadcast %eq3A_184 : i32 to vector<256x32xi32>
    %eq3A_186 = arith.cmpi eq, %iota3A_21, %eq3A_185 : vector<256x32xi32>
    %broadcast_in_dim3A_187 = vector.shape_cast %broadcast_in_dim3A_183 : vector<256x1xf32> to vector<256x1xf32>
    %broadcast_in_dim3A_188 = vector.broadcast %broadcast_in_dim3A_187 : vector<256x1xf32> to vector<256x32xf32>
    %select_n3A_189 = arith.select %eq3A_186, %broadcast_in_dim3A_188, %select_n3A_167 : vector<256x32xi1>, vector<256x32xf32>
    %eq3A_190 = vector.broadcast %broadcast_in_dim3A_183 : vector<256x1xf32> to vector<256x1024xf32>
    %eq3A_191 = arith.cmpf oeq, %convert_element_type3A, %eq3A_190 : vector<256x1024xf32>
    %jit3A_192 = arith.constant 0x7F800000 : f32
    %broadcast_in_dim3A_193 = vector.broadcast %jit3A_192 : f32 to vector<256x1024xf32>
    %select_n3A_194 = arith.select %eq3A_191, %broadcast_in_dim3A_193, %select_n3A_172 : vector<256x1024xi1>, vector<256x1024xf32>
    %reduce_min3A_195 = arith.constant dense<0x7F800000> : vector<256xf32>
    %reduce_min3A_196 = vector.multi_reduction <minimumf>, %select_n3A_194, %reduce_min3A_195 [1] : vector<256x1024xf32> to vector<256xf32>
    %broadcast_in_dim3A_197 = vector.shape_cast %reduce_min3A_196 : vector<256xf32> to vector<256x1xf32>
    %eq3A_198 = vector.broadcast %broadcast_in_dim3A_197 : vector<256x1xf32> to vector<256x1024xf32>
    %eq3A_199 = arith.cmpf oeq, %select_n3A_194, %eq3A_198 : vector<256x1024xf32>
    %jit3A_200 = arith.constant 1.024000e+03 : f32
    %broadcast_in_dim3A_201 = vector.broadcast %jit3A_200 : f32 to vector<256x1024xf32>
    %select_n3A_202 = arith.select %eq3A_199, %convert_element_type3A, %broadcast_in_dim3A_201 : vector<256x1024xi1>, vector<256x1024xf32>
    %reduce_min3A_203 = arith.constant dense<0x7F800000> : vector<256xf32>
    %reduce_min3A_204 = vector.multi_reduction <minimumf>, %select_n3A_202, %reduce_min3A_203 [1] : vector<256x1024xf32> to vector<256xf32>
    %broadcast_in_dim3A_205 = vector.shape_cast %reduce_min3A_204 : vector<256xf32> to vector<256x1xf32>
    %eq3A_206 = arith.constant 8 : i32
    %eq3A_207 = vector.broadcast %eq3A_206 : i32 to vector<256x32xi32>
    %eq3A_208 = arith.cmpi eq, %iota3A_21, %eq3A_207 : vector<256x32xi32>
    %broadcast_in_dim3A_209 = vector.shape_cast %broadcast_in_dim3A_205 : vector<256x1xf32> to vector<256x1xf32>
    %broadcast_in_dim3A_210 = vector.broadcast %broadcast_in_dim3A_209 : vector<256x1xf32> to vector<256x32xf32>
    %select_n3A_211 = arith.select %eq3A_208, %broadcast_in_dim3A_210, %select_n3A_189 : vector<256x32xi1>, vector<256x32xf32>
    %eq3A_212 = vector.broadcast %broadcast_in_dim3A_205 : vector<256x1xf32> to vector<256x1024xf32>
    %eq3A_213 = arith.cmpf oeq, %convert_element_type3A, %eq3A_212 : vector<256x1024xf32>
    %jit3A_214 = arith.constant 0x7F800000 : f32
    %broadcast_in_dim3A_215 = vector.broadcast %jit3A_214 : f32 to vector<256x1024xf32>
    %select_n3A_216 = arith.select %eq3A_213, %broadcast_in_dim3A_215, %select_n3A_194 : vector<256x1024xi1>, vector<256x1024xf32>
    %reduce_min3A_217 = arith.constant dense<0x7F800000> : vector<256xf32>
    %reduce_min3A_218 = vector.multi_reduction <minimumf>, %select_n3A_216, %reduce_min3A_217 [1] : vector<256x1024xf32> to vector<256xf32>
    %broadcast_in_dim3A_219 = vector.shape_cast %reduce_min3A_218 : vector<256xf32> to vector<256x1xf32>
    %eq3A_220 = vector.broadcast %broadcast_in_dim3A_219 : vector<256x1xf32> to vector<256x1024xf32>
    %eq3A_221 = arith.cmpf oeq, %select_n3A_216, %eq3A_220 : vector<256x1024xf32>
    %jit3A_222 = arith.constant 1.024000e+03 : f32
    %broadcast_in_dim3A_223 = vector.broadcast %jit3A_222 : f32 to vector<256x1024xf32>
    %select_n3A_224 = arith.select %eq3A_221, %convert_element_type3A, %broadcast_in_dim3A_223 : vector<256x1024xi1>, vector<256x1024xf32>
    %reduce_min3A_225 = arith.constant dense<0x7F800000> : vector<256xf32>
    %reduce_min3A_226 = vector.multi_reduction <minimumf>, %select_n3A_224, %reduce_min3A_225 [1] : vector<256x1024xf32> to vector<256xf32>
    %broadcast_in_dim3A_227 = vector.shape_cast %reduce_min3A_226 : vector<256xf32> to vector<256x1xf32>
    %eq3A_228 = arith.constant 9 : i32
    %eq3A_229 = vector.broadcast %eq3A_228 : i32 to vector<256x32xi32>
    %eq3A_230 = arith.cmpi eq, %iota3A_21, %eq3A_229 : vector<256x32xi32>
    %broadcast_in_dim3A_231 = vector.shape_cast %broadcast_in_dim3A_227 : vector<256x1xf32> to vector<256x1xf32>
    %broadcast_in_dim3A_232 = vector.broadcast %broadcast_in_dim3A_231 : vector<256x1xf32> to vector<256x32xf32>
    %select_n3A_233 = arith.select %eq3A_230, %broadcast_in_dim3A_232, %select_n3A_211 : vector<256x32xi1>, vector<256x32xf32>
    %eq3A_234 = vector.broadcast %broadcast_in_dim3A_227 : vector<256x1xf32> to vector<256x1024xf32>
    %eq3A_235 = arith.cmpf oeq, %convert_element_type3A, %eq3A_234 : vector<256x1024xf32>
    %jit3A_236 = arith.constant 0x7F800000 : f32
    %broadcast_in_dim3A_237 = vector.broadcast %jit3A_236 : f32 to vector<256x1024xf32>
    %select_n3A_238 = arith.select %eq3A_235, %broadcast_in_dim3A_237, %select_n3A_216 : vector<256x1024xi1>, vector<256x1024xf32>
    %reduce_min3A_239 = arith.constant dense<0x7F800000> : vector<256xf32>
    %reduce_min3A_240 = vector.multi_reduction <minimumf>, %select_n3A_238, %reduce_min3A_239 [1] : vector<256x1024xf32> to vector<256xf32>
    %broadcast_in_dim3A_241 = vector.shape_cast %reduce_min3A_240 : vector<256xf32> to vector<256x1xf32>
    %eq3A_242 = vector.broadcast %broadcast_in_dim3A_241 : vector<256x1xf32> to vector<256x1024xf32>
    %eq3A_243 = arith.cmpf oeq, %select_n3A_238, %eq3A_242 : vector<256x1024xf32>
    %jit3A_244 = arith.constant 1.024000e+03 : f32
    %broadcast_in_dim3A_245 = vector.broadcast %jit3A_244 : f32 to vector<256x1024xf32>
    %select_n3A_246 = arith.select %eq3A_243, %convert_element_type3A, %broadcast_in_dim3A_245 : vector<256x1024xi1>, vector<256x1024xf32>
    %reduce_min3A_247 = arith.constant dense<0x7F800000> : vector<256xf32>
    %reduce_min3A_248 = vector.multi_reduction <minimumf>, %select_n3A_246, %reduce_min3A_247 [1] : vector<256x1024xf32> to vector<256xf32>
    %broadcast_in_dim3A_249 = vector.shape_cast %reduce_min3A_248 : vector<256xf32> to vector<256x1xf32>
    %eq3A_250 = arith.constant 10 : i32
    %eq3A_251 = vector.broadcast %eq3A_250 : i32 to vector<256x32xi32>
    %eq3A_252 = arith.cmpi eq, %iota3A_21, %eq3A_251 : vector<256x32xi32>
    %broadcast_in_dim3A_253 = vector.shape_cast %broadcast_in_dim3A_249 : vector<256x1xf32> to vector<256x1xf32>
    %broadcast_in_dim3A_254 = vector.broadcast %broadcast_in_dim3A_253 : vector<256x1xf32> to vector<256x32xf32>
    %select_n3A_255 = arith.select %eq3A_252, %broadcast_in_dim3A_254, %select_n3A_233 : vector<256x32xi1>, vector<256x32xf32>
    %eq3A_256 = vector.broadcast %broadcast_in_dim3A_249 : vector<256x1xf32> to vector<256x1024xf32>
    %eq3A_257 = arith.cmpf oeq, %convert_element_type3A, %eq3A_256 : vector<256x1024xf32>
    %jit3A_258 = arith.constant 0x7F800000 : f32
    %broadcast_in_dim3A_259 = vector.broadcast %jit3A_258 : f32 to vector<256x1024xf32>
    %select_n3A_260 = arith.select %eq3A_257, %broadcast_in_dim3A_259, %select_n3A_238 : vector<256x1024xi1>, vector<256x1024xf32>
    %reduce_min3A_261 = arith.constant dense<0x7F800000> : vector<256xf32>
    %reduce_min3A_262 = vector.multi_reduction <minimumf>, %select_n3A_260, %reduce_min3A_261 [1] : vector<256x1024xf32> to vector<256xf32>
    %broadcast_in_dim3A_263 = vector.shape_cast %reduce_min3A_262 : vector<256xf32> to vector<256x1xf32>
    %eq3A_264 = vector.broadcast %broadcast_in_dim3A_263 : vector<256x1xf32> to vector<256x1024xf32>
    %eq3A_265 = arith.cmpf oeq, %select_n3A_260, %eq3A_264 : vector<256x1024xf32>
    %jit3A_266 = arith.constant 1.024000e+03 : f32
    %broadcast_in_dim3A_267 = vector.broadcast %jit3A_266 : f32 to vector<256x1024xf32>
    %select_n3A_268 = arith.select %eq3A_265, %convert_element_type3A, %broadcast_in_dim3A_267 : vector<256x1024xi1>, vector<256x1024xf32>
    %reduce_min3A_269 = arith.constant dense<0x7F800000> : vector<256xf32>
    %reduce_min3A_270 = vector.multi_reduction <minimumf>, %select_n3A_268, %reduce_min3A_269 [1] : vector<256x1024xf32> to vector<256xf32>
    %broadcast_in_dim3A_271 = vector.shape_cast %reduce_min3A_270 : vector<256xf32> to vector<256x1xf32>
    %eq3A_272 = arith.constant 11 : i32
    %eq3A_273 = vector.broadcast %eq3A_272 : i32 to vector<256x32xi32>
    %eq3A_274 = arith.cmpi eq, %iota3A_21, %eq3A_273 : vector<256x32xi32>
    %broadcast_in_dim3A_275 = vector.shape_cast %broadcast_in_dim3A_271 : vector<256x1xf32> to vector<256x1xf32>
    %broadcast_in_dim3A_276 = vector.broadcast %broadcast_in_dim3A_275 : vector<256x1xf32> to vector<256x32xf32>
    %select_n3A_277 = arith.select %eq3A_274, %broadcast_in_dim3A_276, %select_n3A_255 : vector<256x32xi1>, vector<256x32xf32>
    %eq3A_278 = vector.broadcast %broadcast_in_dim3A_271 : vector<256x1xf32> to vector<256x1024xf32>
    %eq3A_279 = arith.cmpf oeq, %convert_element_type3A, %eq3A_278 : vector<256x1024xf32>
    %jit3A_280 = arith.constant 0x7F800000 : f32
    %broadcast_in_dim3A_281 = vector.broadcast %jit3A_280 : f32 to vector<256x1024xf32>
    %select_n3A_282 = arith.select %eq3A_279, %broadcast_in_dim3A_281, %select_n3A_260 : vector<256x1024xi1>, vector<256x1024xf32>
    %reduce_min3A_283 = arith.constant dense<0x7F800000> : vector<256xf32>
    %reduce_min3A_284 = vector.multi_reduction <minimumf>, %select_n3A_282, %reduce_min3A_283 [1] : vector<256x1024xf32> to vector<256xf32>
    %broadcast_in_dim3A_285 = vector.shape_cast %reduce_min3A_284 : vector<256xf32> to vector<256x1xf32>
    %eq3A_286 = vector.broadcast %broadcast_in_dim3A_285 : vector<256x1xf32> to vector<256x1024xf32>
    %eq3A_287 = arith.cmpf oeq, %select_n3A_282, %eq3A_286 : vector<256x1024xf32>
    %jit3A_288 = arith.constant 1.024000e+03 : f32
    %broadcast_in_dim3A_289 = vector.broadcast %jit3A_288 : f32 to vector<256x1024xf32>
    %select_n3A_290 = arith.select %eq3A_287, %convert_element_type3A, %broadcast_in_dim3A_289 : vector<256x1024xi1>, vector<256x1024xf32>
    %reduce_min3A_291 = arith.constant dense<0x7F800000> : vector<256xf32>
    %reduce_min3A_292 = vector.multi_reduction <minimumf>, %select_n3A_290, %reduce_min3A_291 [1] : vector<256x1024xf32> to vector<256xf32>
    %broadcast_in_dim3A_293 = vector.shape_cast %reduce_min3A_292 : vector<256xf32> to vector<256x1xf32>
    %eq3A_294 = arith.constant 12 : i32
    %eq3A_295 = vector.broadcast %eq3A_294 : i32 to vector<256x32xi32>
    %eq3A_296 = arith.cmpi eq, %iota3A_21, %eq3A_295 : vector<256x32xi32>
    %broadcast_in_dim3A_297 = vector.shape_cast %broadcast_in_dim3A_293 : vector<256x1xf32> to vector<256x1xf32>
    %broadcast_in_dim3A_298 = vector.broadcast %broadcast_in_dim3A_297 : vector<256x1xf32> to vector<256x32xf32>
    %select_n3A_299 = arith.select %eq3A_296, %broadcast_in_dim3A_298, %select_n3A_277 : vector<256x32xi1>, vector<256x32xf32>
    %eq3A_300 = vector.broadcast %broadcast_in_dim3A_293 : vector<256x1xf32> to vector<256x1024xf32>
    %eq3A_301 = arith.cmpf oeq, %convert_element_type3A, %eq3A_300 : vector<256x1024xf32>
    %jit3A_302 = arith.constant 0x7F800000 : f32
    %broadcast_in_dim3A_303 = vector.broadcast %jit3A_302 : f32 to vector<256x1024xf32>
    %select_n3A_304 = arith.select %eq3A_301, %broadcast_in_dim3A_303, %select_n3A_282 : vector<256x1024xi1>, vector<256x1024xf32>
    %reduce_min3A_305 = arith.constant dense<0x7F800000> : vector<256xf32>
    %reduce_min3A_306 = vector.multi_reduction <minimumf>, %select_n3A_304, %reduce_min3A_305 [1] : vector<256x1024xf32> to vector<256xf32>
    %broadcast_in_dim3A_307 = vector.shape_cast %reduce_min3A_306 : vector<256xf32> to vector<256x1xf32>
    %eq3A_308 = vector.broadcast %broadcast_in_dim3A_307 : vector<256x1xf32> to vector<256x1024xf32>
    %eq3A_309 = arith.cmpf oeq, %select_n3A_304, %eq3A_308 : vector<256x1024xf32>
    %jit3A_310 = arith.constant 1.024000e+03 : f32
    %broadcast_in_dim3A_311 = vector.broadcast %jit3A_310 : f32 to vector<256x1024xf32>
    %select_n3A_312 = arith.select %eq3A_309, %convert_element_type3A, %broadcast_in_dim3A_311 : vector<256x1024xi1>, vector<256x1024xf32>
    %reduce_min3A_313 = arith.constant dense<0x7F800000> : vector<256xf32>
    %reduce_min3A_314 = vector.multi_reduction <minimumf>, %select_n3A_312, %reduce_min3A_313 [1] : vector<256x1024xf32> to vector<256xf32>
    %broadcast_in_dim3A_315 = vector.shape_cast %reduce_min3A_314 : vector<256xf32> to vector<256x1xf32>
    %eq3A_316 = arith.constant 13 : i32
    %eq3A_317 = vector.broadcast %eq3A_316 : i32 to vector<256x32xi32>
    %eq3A_318 = arith.cmpi eq, %iota3A_21, %eq3A_317 : vector<256x32xi32>
    %broadcast_in_dim3A_319 = vector.shape_cast %broadcast_in_dim3A_315 : vector<256x1xf32> to vector<256x1xf32>
    %broadcast_in_dim3A_320 = vector.broadcast %broadcast_in_dim3A_319 : vector<256x1xf32> to vector<256x32xf32>
    %select_n3A_321 = arith.select %eq3A_318, %broadcast_in_dim3A_320, %select_n3A_299 : vector<256x32xi1>, vector<256x32xf32>
    %eq3A_322 = vector.broadcast %broadcast_in_dim3A_315 : vector<256x1xf32> to vector<256x1024xf32>
    %eq3A_323 = arith.cmpf oeq, %convert_element_type3A, %eq3A_322 : vector<256x1024xf32>
    %jit3A_324 = arith.constant 0x7F800000 : f32
    %broadcast_in_dim3A_325 = vector.broadcast %jit3A_324 : f32 to vector<256x1024xf32>
    %select_n3A_326 = arith.select %eq3A_323, %broadcast_in_dim3A_325, %select_n3A_304 : vector<256x1024xi1>, vector<256x1024xf32>
    %reduce_min3A_327 = arith.constant dense<0x7F800000> : vector<256xf32>
    %reduce_min3A_328 = vector.multi_reduction <minimumf>, %select_n3A_326, %reduce_min3A_327 [1] : vector<256x1024xf32> to vector<256xf32>
    %broadcast_in_dim3A_329 = vector.shape_cast %reduce_min3A_328 : vector<256xf32> to vector<256x1xf32>
    %eq3A_330 = vector.broadcast %broadcast_in_dim3A_329 : vector<256x1xf32> to vector<256x1024xf32>
    %eq3A_331 = arith.cmpf oeq, %select_n3A_326, %eq3A_330 : vector<256x1024xf32>
    %jit3A_332 = arith.constant 1.024000e+03 : f32
    %broadcast_in_dim3A_333 = vector.broadcast %jit3A_332 : f32 to vector<256x1024xf32>
    %select_n3A_334 = arith.select %eq3A_331, %convert_element_type3A, %broadcast_in_dim3A_333 : vector<256x1024xi1>, vector<256x1024xf32>
    %reduce_min3A_335 = arith.constant dense<0x7F800000> : vector<256xf32>
    %reduce_min3A_336 = vector.multi_reduction <minimumf>, %select_n3A_334, %reduce_min3A_335 [1] : vector<256x1024xf32> to vector<256xf32>
    %broadcast_in_dim3A_337 = vector.shape_cast %reduce_min3A_336 : vector<256xf32> to vector<256x1xf32>
    %eq3A_338 = arith.constant 14 : i32
    %eq3A_339 = vector.broadcast %eq3A_338 : i32 to vector<256x32xi32>
    %eq3A_340 = arith.cmpi eq, %iota3A_21, %eq3A_339 : vector<256x32xi32>
    %broadcast_in_dim3A_341 = vector.shape_cast %broadcast_in_dim3A_337 : vector<256x1xf32> to vector<256x1xf32>
    %broadcast_in_dim3A_342 = vector.broadcast %broadcast_in_dim3A_341 : vector<256x1xf32> to vector<256x32xf32>
    %select_n3A_343 = arith.select %eq3A_340, %broadcast_in_dim3A_342, %select_n3A_321 : vector<256x32xi1>, vector<256x32xf32>
    %eq3A_344 = vector.broadcast %broadcast_in_dim3A_337 : vector<256x1xf32> to vector<256x1024xf32>
    %eq3A_345 = arith.cmpf oeq, %convert_element_type3A, %eq3A_344 : vector<256x1024xf32>
    %jit3A_346 = arith.constant 0x7F800000 : f32
    %broadcast_in_dim3A_347 = vector.broadcast %jit3A_346 : f32 to vector<256x1024xf32>
    %select_n3A_348 = arith.select %eq3A_345, %broadcast_in_dim3A_347, %select_n3A_326 : vector<256x1024xi1>, vector<256x1024xf32>
    %reduce_min3A_349 = arith.constant dense<0x7F800000> : vector<256xf32>
    %reduce_min3A_350 = vector.multi_reduction <minimumf>, %select_n3A_348, %reduce_min3A_349 [1] : vector<256x1024xf32> to vector<256xf32>
    %broadcast_in_dim3A_351 = vector.shape_cast %reduce_min3A_350 : vector<256xf32> to vector<256x1xf32>
    %eq3A_352 = vector.broadcast %broadcast_in_dim3A_351 : vector<256x1xf32> to vector<256x1024xf32>
    %eq3A_353 = arith.cmpf oeq, %select_n3A_348, %eq3A_352 : vector<256x1024xf32>
    %jit3A_354 = arith.constant 1.024000e+03 : f32
    %broadcast_in_dim3A_355 = vector.broadcast %jit3A_354 : f32 to vector<256x1024xf32>
    %select_n3A_356 = arith.select %eq3A_353, %convert_element_type3A, %broadcast_in_dim3A_355 : vector<256x1024xi1>, vector<256x1024xf32>
    %reduce_min3A_357 = arith.constant dense<0x7F800000> : vector<256xf32>
    %reduce_min3A_358 = vector.multi_reduction <minimumf>, %select_n3A_356, %reduce_min3A_357 [1] : vector<256x1024xf32> to vector<256xf32>
    %broadcast_in_dim3A_359 = vector.shape_cast %reduce_min3A_358 : vector<256xf32> to vector<256x1xf32>
    %eq3A_360 = arith.constant 15 : i32
    %eq3A_361 = vector.broadcast %eq3A_360 : i32 to vector<256x32xi32>
    %eq3A_362 = arith.cmpi eq, %iota3A_21, %eq3A_361 : vector<256x32xi32>
    %broadcast_in_dim3A_363 = vector.shape_cast %broadcast_in_dim3A_359 : vector<256x1xf32> to vector<256x1xf32>
    %broadcast_in_dim3A_364 = vector.broadcast %broadcast_in_dim3A_363 : vector<256x1xf32> to vector<256x32xf32>
    %select_n3A_365 = arith.select %eq3A_362, %broadcast_in_dim3A_364, %select_n3A_343 : vector<256x32xi1>, vector<256x32xf32>
    %eq3A_366 = vector.broadcast %broadcast_in_dim3A_359 : vector<256x1xf32> to vector<256x1024xf32>
    %eq3A_367 = arith.cmpf oeq, %convert_element_type3A, %eq3A_366 : vector<256x1024xf32>
    %jit3A_368 = arith.constant 0x7F800000 : f32
    %broadcast_in_dim3A_369 = vector.broadcast %jit3A_368 : f32 to vector<256x1024xf32>
    %select_n3A_370 = arith.select %eq3A_367, %broadcast_in_dim3A_369, %select_n3A_348 : vector<256x1024xi1>, vector<256x1024xf32>
    %reduce_min3A_371 = arith.constant dense<0x7F800000> : vector<256xf32>
    %reduce_min3A_372 = vector.multi_reduction <minimumf>, %select_n3A_370, %reduce_min3A_371 [1] : vector<256x1024xf32> to vector<256xf32>
    %broadcast_in_dim3A_373 = vector.shape_cast %reduce_min3A_372 : vector<256xf32> to vector<256x1xf32>
    %eq3A_374 = vector.broadcast %broadcast_in_dim3A_373 : vector<256x1xf32> to vector<256x1024xf32>
    %eq3A_375 = arith.cmpf oeq, %select_n3A_370, %eq3A_374 : vector<256x1024xf32>
    %jit3A_376 = arith.constant 1.024000e+03 : f32
    %broadcast_in_dim3A_377 = vector.broadcast %jit3A_376 : f32 to vector<256x1024xf32>
    %select_n3A_378 = arith.select %eq3A_375, %convert_element_type3A, %broadcast_in_dim3A_377 : vector<256x1024xi1>, vector<256x1024xf32>
    %reduce_min3A_379 = arith.constant dense<0x7F800000> : vector<256xf32>
    %reduce_min3A_380 = vector.multi_reduction <minimumf>, %select_n3A_378, %reduce_min3A_379 [1] : vector<256x1024xf32> to vector<256xf32>
    %broadcast_in_dim3A_381 = vector.shape_cast %reduce_min3A_380 : vector<256xf32> to vector<256x1xf32>
    %eq3A_382 = arith.constant 16 : i32
    %eq3A_383 = vector.broadcast %eq3A_382 : i32 to vector<256x32xi32>
    %eq3A_384 = arith.cmpi eq, %iota3A_21, %eq3A_383 : vector<256x32xi32>
    %broadcast_in_dim3A_385 = vector.shape_cast %broadcast_in_dim3A_381 : vector<256x1xf32> to vector<256x1xf32>
    %broadcast_in_dim3A_386 = vector.broadcast %broadcast_in_dim3A_385 : vector<256x1xf32> to vector<256x32xf32>
    %select_n3A_387 = arith.select %eq3A_384, %broadcast_in_dim3A_386, %select_n3A_365 : vector<256x32xi1>, vector<256x32xf32>
    %eq3A_388 = vector.broadcast %broadcast_in_dim3A_381 : vector<256x1xf32> to vector<256x1024xf32>
    %eq3A_389 = arith.cmpf oeq, %convert_element_type3A, %eq3A_388 : vector<256x1024xf32>
    %jit3A_390 = arith.constant 0x7F800000 : f32
    %broadcast_in_dim3A_391 = vector.broadcast %jit3A_390 : f32 to vector<256x1024xf32>
    %select_n3A_392 = arith.select %eq3A_389, %broadcast_in_dim3A_391, %select_n3A_370 : vector<256x1024xi1>, vector<256x1024xf32>
    %reduce_min3A_393 = arith.constant dense<0x7F800000> : vector<256xf32>
    %reduce_min3A_394 = vector.multi_reduction <minimumf>, %select_n3A_392, %reduce_min3A_393 [1] : vector<256x1024xf32> to vector<256xf32>
    %broadcast_in_dim3A_395 = vector.shape_cast %reduce_min3A_394 : vector<256xf32> to vector<256x1xf32>
    %eq3A_396 = vector.broadcast %broadcast_in_dim3A_395 : vector<256x1xf32> to vector<256x1024xf32>
    %eq3A_397 = arith.cmpf oeq, %select_n3A_392, %eq3A_396 : vector<256x1024xf32>
    %jit3A_398 = arith.constant 1.024000e+03 : f32
    %broadcast_in_dim3A_399 = vector.broadcast %jit3A_398 : f32 to vector<256x1024xf32>
    %select_n3A_400 = arith.select %eq3A_397, %convert_element_type3A, %broadcast_in_dim3A_399 : vector<256x1024xi1>, vector<256x1024xf32>
    %reduce_min3A_401 = arith.constant dense<0x7F800000> : vector<256xf32>
    %reduce_min3A_402 = vector.multi_reduction <minimumf>, %select_n3A_400, %reduce_min3A_401 [1] : vector<256x1024xf32> to vector<256xf32>
    %broadcast_in_dim3A_403 = vector.shape_cast %reduce_min3A_402 : vector<256xf32> to vector<256x1xf32>
    %eq3A_404 = arith.constant 17 : i32
    %eq3A_405 = vector.broadcast %eq3A_404 : i32 to vector<256x32xi32>
    %eq3A_406 = arith.cmpi eq, %iota3A_21, %eq3A_405 : vector<256x32xi32>
    %broadcast_in_dim3A_407 = vector.shape_cast %broadcast_in_dim3A_403 : vector<256x1xf32> to vector<256x1xf32>
    %broadcast_in_dim3A_408 = vector.broadcast %broadcast_in_dim3A_407 : vector<256x1xf32> to vector<256x32xf32>
    %select_n3A_409 = arith.select %eq3A_406, %broadcast_in_dim3A_408, %select_n3A_387 : vector<256x32xi1>, vector<256x32xf32>
    %eq3A_410 = vector.broadcast %broadcast_in_dim3A_403 : vector<256x1xf32> to vector<256x1024xf32>
    %eq3A_411 = arith.cmpf oeq, %convert_element_type3A, %eq3A_410 : vector<256x1024xf32>
    %jit3A_412 = arith.constant 0x7F800000 : f32
    %broadcast_in_dim3A_413 = vector.broadcast %jit3A_412 : f32 to vector<256x1024xf32>
    %select_n3A_414 = arith.select %eq3A_411, %broadcast_in_dim3A_413, %select_n3A_392 : vector<256x1024xi1>, vector<256x1024xf32>
    %reduce_min3A_415 = arith.constant dense<0x7F800000> : vector<256xf32>
    %reduce_min3A_416 = vector.multi_reduction <minimumf>, %select_n3A_414, %reduce_min3A_415 [1] : vector<256x1024xf32> to vector<256xf32>
    %broadcast_in_dim3A_417 = vector.shape_cast %reduce_min3A_416 : vector<256xf32> to vector<256x1xf32>
    %eq3A_418 = vector.broadcast %broadcast_in_dim3A_417 : vector<256x1xf32> to vector<256x1024xf32>
    %eq3A_419 = arith.cmpf oeq, %select_n3A_414, %eq3A_418 : vector<256x1024xf32>
    %jit3A_420 = arith.constant 1.024000e+03 : f32
    %broadcast_in_dim3A_421 = vector.broadcast %jit3A_420 : f32 to vector<256x1024xf32>
    %select_n3A_422 = arith.select %eq3A_419, %convert_element_type3A, %broadcast_in_dim3A_421 : vector<256x1024xi1>, vector<256x1024xf32>
    %reduce_min3A_423 = arith.constant dense<0x7F800000> : vector<256xf32>
    %reduce_min3A_424 = vector.multi_reduction <minimumf>, %select_n3A_422, %reduce_min3A_423 [1] : vector<256x1024xf32> to vector<256xf32>
    %broadcast_in_dim3A_425 = vector.shape_cast %reduce_min3A_424 : vector<256xf32> to vector<256x1xf32>
    %eq3A_426 = arith.constant 18 : i32
    %eq3A_427 = vector.broadcast %eq3A_426 : i32 to vector<256x32xi32>
    %eq3A_428 = arith.cmpi eq, %iota3A_21, %eq3A_427 : vector<256x32xi32>
    %broadcast_in_dim3A_429 = vector.shape_cast %broadcast_in_dim3A_425 : vector<256x1xf32> to vector<256x1xf32>
    %broadcast_in_dim3A_430 = vector.broadcast %broadcast_in_dim3A_429 : vector<256x1xf32> to vector<256x32xf32>
    %select_n3A_431 = arith.select %eq3A_428, %broadcast_in_dim3A_430, %select_n3A_409 : vector<256x32xi1>, vector<256x32xf32>
    %eq3A_432 = vector.broadcast %broadcast_in_dim3A_425 : vector<256x1xf32> to vector<256x1024xf32>
    %eq3A_433 = arith.cmpf oeq, %convert_element_type3A, %eq3A_432 : vector<256x1024xf32>
    %jit3A_434 = arith.constant 0x7F800000 : f32
    %broadcast_in_dim3A_435 = vector.broadcast %jit3A_434 : f32 to vector<256x1024xf32>
    %select_n3A_436 = arith.select %eq3A_433, %broadcast_in_dim3A_435, %select_n3A_414 : vector<256x1024xi1>, vector<256x1024xf32>
    %reduce_min3A_437 = arith.constant dense<0x7F800000> : vector<256xf32>
    %reduce_min3A_438 = vector.multi_reduction <minimumf>, %select_n3A_436, %reduce_min3A_437 [1] : vector<256x1024xf32> to vector<256xf32>
    %broadcast_in_dim3A_439 = vector.shape_cast %reduce_min3A_438 : vector<256xf32> to vector<256x1xf32>
    %eq3A_440 = vector.broadcast %broadcast_in_dim3A_439 : vector<256x1xf32> to vector<256x1024xf32>
    %eq3A_441 = arith.cmpf oeq, %select_n3A_436, %eq3A_440 : vector<256x1024xf32>
    %jit3A_442 = arith.constant 1.024000e+03 : f32
    %broadcast_in_dim3A_443 = vector.broadcast %jit3A_442 : f32 to vector<256x1024xf32>
    %select_n3A_444 = arith.select %eq3A_441, %convert_element_type3A, %broadcast_in_dim3A_443 : vector<256x1024xi1>, vector<256x1024xf32>
    %reduce_min3A_445 = arith.constant dense<0x7F800000> : vector<256xf32>
    %reduce_min3A_446 = vector.multi_reduction <minimumf>, %select_n3A_444, %reduce_min3A_445 [1] : vector<256x1024xf32> to vector<256xf32>
    %broadcast_in_dim3A_447 = vector.shape_cast %reduce_min3A_446 : vector<256xf32> to vector<256x1xf32>
    %eq3A_448 = arith.constant 19 : i32
    %eq3A_449 = vector.broadcast %eq3A_448 : i32 to vector<256x32xi32>
    %eq3A_450 = arith.cmpi eq, %iota3A_21, %eq3A_449 : vector<256x32xi32>
    %broadcast_in_dim3A_451 = vector.shape_cast %broadcast_in_dim3A_447 : vector<256x1xf32> to vector<256x1xf32>
    %broadcast_in_dim3A_452 = vector.broadcast %broadcast_in_dim3A_451 : vector<256x1xf32> to vector<256x32xf32>
    %select_n3A_453 = arith.select %eq3A_450, %broadcast_in_dim3A_452, %select_n3A_431 : vector<256x32xi1>, vector<256x32xf32>
    %eq3A_454 = vector.broadcast %broadcast_in_dim3A_447 : vector<256x1xf32> to vector<256x1024xf32>
    %eq3A_455 = arith.cmpf oeq, %convert_element_type3A, %eq3A_454 : vector<256x1024xf32>
    %jit3A_456 = arith.constant 0x7F800000 : f32
    %broadcast_in_dim3A_457 = vector.broadcast %jit3A_456 : f32 to vector<256x1024xf32>
    %select_n3A_458 = arith.select %eq3A_455, %broadcast_in_dim3A_457, %select_n3A_436 : vector<256x1024xi1>, vector<256x1024xf32>
    %reduce_min3A_459 = arith.constant dense<0x7F800000> : vector<256xf32>
    %reduce_min3A_460 = vector.multi_reduction <minimumf>, %select_n3A_458, %reduce_min3A_459 [1] : vector<256x1024xf32> to vector<256xf32>
    %broadcast_in_dim3A_461 = vector.shape_cast %reduce_min3A_460 : vector<256xf32> to vector<256x1xf32>
    %eq3A_462 = vector.broadcast %broadcast_in_dim3A_461 : vector<256x1xf32> to vector<256x1024xf32>
    %eq3A_463 = arith.cmpf oeq, %select_n3A_458, %eq3A_462 : vector<256x1024xf32>
    %jit3A_464 = arith.constant 1.024000e+03 : f32
    %broadcast_in_dim3A_465 = vector.broadcast %jit3A_464 : f32 to vector<256x1024xf32>
    %select_n3A_466 = arith.select %eq3A_463, %convert_element_type3A, %broadcast_in_dim3A_465 : vector<256x1024xi1>, vector<256x1024xf32>
    %reduce_min3A_467 = arith.constant dense<0x7F800000> : vector<256xf32>
    %reduce_min3A_468 = vector.multi_reduction <minimumf>, %select_n3A_466, %reduce_min3A_467 [1] : vector<256x1024xf32> to vector<256xf32>
    %broadcast_in_dim3A_469 = vector.shape_cast %reduce_min3A_468 : vector<256xf32> to vector<256x1xf32>
    %eq3A_470 = arith.constant 20 : i32
    %eq3A_471 = vector.broadcast %eq3A_470 : i32 to vector<256x32xi32>
    %eq3A_472 = arith.cmpi eq, %iota3A_21, %eq3A_471 : vector<256x32xi32>
    %broadcast_in_dim3A_473 = vector.shape_cast %broadcast_in_dim3A_469 : vector<256x1xf32> to vector<256x1xf32>
    %broadcast_in_dim3A_474 = vector.broadcast %broadcast_in_dim3A_473 : vector<256x1xf32> to vector<256x32xf32>
    %select_n3A_475 = arith.select %eq3A_472, %broadcast_in_dim3A_474, %select_n3A_453 : vector<256x32xi1>, vector<256x32xf32>
    %eq3A_476 = vector.broadcast %broadcast_in_dim3A_469 : vector<256x1xf32> to vector<256x1024xf32>
    %eq3A_477 = arith.cmpf oeq, %convert_element_type3A, %eq3A_476 : vector<256x1024xf32>
    %jit3A_478 = arith.constant 0x7F800000 : f32
    %broadcast_in_dim3A_479 = vector.broadcast %jit3A_478 : f32 to vector<256x1024xf32>
    %select_n3A_480 = arith.select %eq3A_477, %broadcast_in_dim3A_479, %select_n3A_458 : vector<256x1024xi1>, vector<256x1024xf32>
    %reduce_min3A_481 = arith.constant dense<0x7F800000> : vector<256xf32>
    %reduce_min3A_482 = vector.multi_reduction <minimumf>, %select_n3A_480, %reduce_min3A_481 [1] : vector<256x1024xf32> to vector<256xf32>
    %broadcast_in_dim3A_483 = vector.shape_cast %reduce_min3A_482 : vector<256xf32> to vector<256x1xf32>
    %eq3A_484 = vector.broadcast %broadcast_in_dim3A_483 : vector<256x1xf32> to vector<256x1024xf32>
    %eq3A_485 = arith.cmpf oeq, %select_n3A_480, %eq3A_484 : vector<256x1024xf32>
    %jit3A_486 = arith.constant 1.024000e+03 : f32
    %broadcast_in_dim3A_487 = vector.broadcast %jit3A_486 : f32 to vector<256x1024xf32>
    %select_n3A_488 = arith.select %eq3A_485, %convert_element_type3A, %broadcast_in_dim3A_487 : vector<256x1024xi1>, vector<256x1024xf32>
    %reduce_min3A_489 = arith.constant dense<0x7F800000> : vector<256xf32>
    %reduce_min3A_490 = vector.multi_reduction <minimumf>, %select_n3A_488, %reduce_min3A_489 [1] : vector<256x1024xf32> to vector<256xf32>
    %broadcast_in_dim3A_491 = vector.shape_cast %reduce_min3A_490 : vector<256xf32> to vector<256x1xf32>
    %eq3A_492 = arith.constant 21 : i32
    %eq3A_493 = vector.broadcast %eq3A_492 : i32 to vector<256x32xi32>
    %eq3A_494 = arith.cmpi eq, %iota3A_21, %eq3A_493 : vector<256x32xi32>
    %broadcast_in_dim3A_495 = vector.shape_cast %broadcast_in_dim3A_491 : vector<256x1xf32> to vector<256x1xf32>
    %broadcast_in_dim3A_496 = vector.broadcast %broadcast_in_dim3A_495 : vector<256x1xf32> to vector<256x32xf32>
    %select_n3A_497 = arith.select %eq3A_494, %broadcast_in_dim3A_496, %select_n3A_475 : vector<256x32xi1>, vector<256x32xf32>
    %eq3A_498 = vector.broadcast %broadcast_in_dim3A_491 : vector<256x1xf32> to vector<256x1024xf32>
    %eq3A_499 = arith.cmpf oeq, %convert_element_type3A, %eq3A_498 : vector<256x1024xf32>
    %jit3A_500 = arith.constant 0x7F800000 : f32
    %broadcast_in_dim3A_501 = vector.broadcast %jit3A_500 : f32 to vector<256x1024xf32>
    %select_n3A_502 = arith.select %eq3A_499, %broadcast_in_dim3A_501, %select_n3A_480 : vector<256x1024xi1>, vector<256x1024xf32>
    %reduce_min3A_503 = arith.constant dense<0x7F800000> : vector<256xf32>
    %reduce_min3A_504 = vector.multi_reduction <minimumf>, %select_n3A_502, %reduce_min3A_503 [1] : vector<256x1024xf32> to vector<256xf32>
    %broadcast_in_dim3A_505 = vector.shape_cast %reduce_min3A_504 : vector<256xf32> to vector<256x1xf32>
    %eq3A_506 = vector.broadcast %broadcast_in_dim3A_505 : vector<256x1xf32> to vector<256x1024xf32>
    %eq3A_507 = arith.cmpf oeq, %select_n3A_502, %eq3A_506 : vector<256x1024xf32>
    %jit3A_508 = arith.constant 1.024000e+03 : f32
    %broadcast_in_dim3A_509 = vector.broadcast %jit3A_508 : f32 to vector<256x1024xf32>
    %select_n3A_510 = arith.select %eq3A_507, %convert_element_type3A, %broadcast_in_dim3A_509 : vector<256x1024xi1>, vector<256x1024xf32>
    %reduce_min3A_511 = arith.constant dense<0x7F800000> : vector<256xf32>
    %reduce_min3A_512 = vector.multi_reduction <minimumf>, %select_n3A_510, %reduce_min3A_511 [1] : vector<256x1024xf32> to vector<256xf32>
    %broadcast_in_dim3A_513 = vector.shape_cast %reduce_min3A_512 : vector<256xf32> to vector<256x1xf32>
    %eq3A_514 = arith.constant 22 : i32
    %eq3A_515 = vector.broadcast %eq3A_514 : i32 to vector<256x32xi32>
    %eq3A_516 = arith.cmpi eq, %iota3A_21, %eq3A_515 : vector<256x32xi32>
    %broadcast_in_dim3A_517 = vector.shape_cast %broadcast_in_dim3A_513 : vector<256x1xf32> to vector<256x1xf32>
    %broadcast_in_dim3A_518 = vector.broadcast %broadcast_in_dim3A_517 : vector<256x1xf32> to vector<256x32xf32>
    %select_n3A_519 = arith.select %eq3A_516, %broadcast_in_dim3A_518, %select_n3A_497 : vector<256x32xi1>, vector<256x32xf32>
    %eq3A_520 = vector.broadcast %broadcast_in_dim3A_513 : vector<256x1xf32> to vector<256x1024xf32>
    %eq3A_521 = arith.cmpf oeq, %convert_element_type3A, %eq3A_520 : vector<256x1024xf32>
    %jit3A_522 = arith.constant 0x7F800000 : f32
    %broadcast_in_dim3A_523 = vector.broadcast %jit3A_522 : f32 to vector<256x1024xf32>
    %select_n3A_524 = arith.select %eq3A_521, %broadcast_in_dim3A_523, %select_n3A_502 : vector<256x1024xi1>, vector<256x1024xf32>
    %reduce_min3A_525 = arith.constant dense<0x7F800000> : vector<256xf32>
    %reduce_min3A_526 = vector.multi_reduction <minimumf>, %select_n3A_524, %reduce_min3A_525 [1] : vector<256x1024xf32> to vector<256xf32>
    %broadcast_in_dim3A_527 = vector.shape_cast %reduce_min3A_526 : vector<256xf32> to vector<256x1xf32>
    %eq3A_528 = vector.broadcast %broadcast_in_dim3A_527 : vector<256x1xf32> to vector<256x1024xf32>
    %eq3A_529 = arith.cmpf oeq, %select_n3A_524, %eq3A_528 : vector<256x1024xf32>
    %jit3A_530 = arith.constant 1.024000e+03 : f32
    %broadcast_in_dim3A_531 = vector.broadcast %jit3A_530 : f32 to vector<256x1024xf32>
    %select_n3A_532 = arith.select %eq3A_529, %convert_element_type3A, %broadcast_in_dim3A_531 : vector<256x1024xi1>, vector<256x1024xf32>
    %reduce_min3A_533 = arith.constant dense<0x7F800000> : vector<256xf32>
    %reduce_min3A_534 = vector.multi_reduction <minimumf>, %select_n3A_532, %reduce_min3A_533 [1] : vector<256x1024xf32> to vector<256xf32>
    %broadcast_in_dim3A_535 = vector.shape_cast %reduce_min3A_534 : vector<256xf32> to vector<256x1xf32>
    %eq3A_536 = arith.constant 23 : i32
    %eq3A_537 = vector.broadcast %eq3A_536 : i32 to vector<256x32xi32>
    %eq3A_538 = arith.cmpi eq, %iota3A_21, %eq3A_537 : vector<256x32xi32>
    %broadcast_in_dim3A_539 = vector.shape_cast %broadcast_in_dim3A_535 : vector<256x1xf32> to vector<256x1xf32>
    %broadcast_in_dim3A_540 = vector.broadcast %broadcast_in_dim3A_539 : vector<256x1xf32> to vector<256x32xf32>
    %select_n3A_541 = arith.select %eq3A_538, %broadcast_in_dim3A_540, %select_n3A_519 : vector<256x32xi1>, vector<256x32xf32>
    %eq3A_542 = vector.broadcast %broadcast_in_dim3A_535 : vector<256x1xf32> to vector<256x1024xf32>
    %eq3A_543 = arith.cmpf oeq, %convert_element_type3A, %eq3A_542 : vector<256x1024xf32>
    %jit3A_544 = arith.constant 0x7F800000 : f32
    %broadcast_in_dim3A_545 = vector.broadcast %jit3A_544 : f32 to vector<256x1024xf32>
    %select_n3A_546 = arith.select %eq3A_543, %broadcast_in_dim3A_545, %select_n3A_524 : vector<256x1024xi1>, vector<256x1024xf32>
    %reduce_min3A_547 = arith.constant dense<0x7F800000> : vector<256xf32>
    %reduce_min3A_548 = vector.multi_reduction <minimumf>, %select_n3A_546, %reduce_min3A_547 [1] : vector<256x1024xf32> to vector<256xf32>
    %broadcast_in_dim3A_549 = vector.shape_cast %reduce_min3A_548 : vector<256xf32> to vector<256x1xf32>
    %eq3A_550 = vector.broadcast %broadcast_in_dim3A_549 : vector<256x1xf32> to vector<256x1024xf32>
    %eq3A_551 = arith.cmpf oeq, %select_n3A_546, %eq3A_550 : vector<256x1024xf32>
    %jit3A_552 = arith.constant 1.024000e+03 : f32
    %broadcast_in_dim3A_553 = vector.broadcast %jit3A_552 : f32 to vector<256x1024xf32>
    %select_n3A_554 = arith.select %eq3A_551, %convert_element_type3A, %broadcast_in_dim3A_553 : vector<256x1024xi1>, vector<256x1024xf32>
    %reduce_min3A_555 = arith.constant dense<0x7F800000> : vector<256xf32>
    %reduce_min3A_556 = vector.multi_reduction <minimumf>, %select_n3A_554, %reduce_min3A_555 [1] : vector<256x1024xf32> to vector<256xf32>
    %broadcast_in_dim3A_557 = vector.shape_cast %reduce_min3A_556 : vector<256xf32> to vector<256x1xf32>
    %eq3A_558 = arith.constant 24 : i32
    %eq3A_559 = vector.broadcast %eq3A_558 : i32 to vector<256x32xi32>
    %eq3A_560 = arith.cmpi eq, %iota3A_21, %eq3A_559 : vector<256x32xi32>
    %broadcast_in_dim3A_561 = vector.shape_cast %broadcast_in_dim3A_557 : vector<256x1xf32> to vector<256x1xf32>
    %broadcast_in_dim3A_562 = vector.broadcast %broadcast_in_dim3A_561 : vector<256x1xf32> to vector<256x32xf32>
    %select_n3A_563 = arith.select %eq3A_560, %broadcast_in_dim3A_562, %select_n3A_541 : vector<256x32xi1>, vector<256x32xf32>
    %eq3A_564 = vector.broadcast %broadcast_in_dim3A_557 : vector<256x1xf32> to vector<256x1024xf32>
    %eq3A_565 = arith.cmpf oeq, %convert_element_type3A, %eq3A_564 : vector<256x1024xf32>
    %jit3A_566 = arith.constant 0x7F800000 : f32
    %broadcast_in_dim3A_567 = vector.broadcast %jit3A_566 : f32 to vector<256x1024xf32>
    %select_n3A_568 = arith.select %eq3A_565, %broadcast_in_dim3A_567, %select_n3A_546 : vector<256x1024xi1>, vector<256x1024xf32>
    %reduce_min3A_569 = arith.constant dense<0x7F800000> : vector<256xf32>
    %reduce_min3A_570 = vector.multi_reduction <minimumf>, %select_n3A_568, %reduce_min3A_569 [1] : vector<256x1024xf32> to vector<256xf32>
    %broadcast_in_dim3A_571 = vector.shape_cast %reduce_min3A_570 : vector<256xf32> to vector<256x1xf32>
    %eq3A_572 = vector.broadcast %broadcast_in_dim3A_571 : vector<256x1xf32> to vector<256x1024xf32>
    %eq3A_573 = arith.cmpf oeq, %select_n3A_568, %eq3A_572 : vector<256x1024xf32>
    %jit3A_574 = arith.constant 1.024000e+03 : f32
    %broadcast_in_dim3A_575 = vector.broadcast %jit3A_574 : f32 to vector<256x1024xf32>
    %select_n3A_576 = arith.select %eq3A_573, %convert_element_type3A, %broadcast_in_dim3A_575 : vector<256x1024xi1>, vector<256x1024xf32>
    %reduce_min3A_577 = arith.constant dense<0x7F800000> : vector<256xf32>
    %reduce_min3A_578 = vector.multi_reduction <minimumf>, %select_n3A_576, %reduce_min3A_577 [1] : vector<256x1024xf32> to vector<256xf32>
    %broadcast_in_dim3A_579 = vector.shape_cast %reduce_min3A_578 : vector<256xf32> to vector<256x1xf32>
    %eq3A_580 = arith.constant 25 : i32
    %eq3A_581 = vector.broadcast %eq3A_580 : i32 to vector<256x32xi32>
    %eq3A_582 = arith.cmpi eq, %iota3A_21, %eq3A_581 : vector<256x32xi32>
    %broadcast_in_dim3A_583 = vector.shape_cast %broadcast_in_dim3A_579 : vector<256x1xf32> to vector<256x1xf32>
    %broadcast_in_dim3A_584 = vector.broadcast %broadcast_in_dim3A_583 : vector<256x1xf32> to vector<256x32xf32>
    %select_n3A_585 = arith.select %eq3A_582, %broadcast_in_dim3A_584, %select_n3A_563 : vector<256x32xi1>, vector<256x32xf32>
    %eq3A_586 = vector.broadcast %broadcast_in_dim3A_579 : vector<256x1xf32> to vector<256x1024xf32>
    %eq3A_587 = arith.cmpf oeq, %convert_element_type3A, %eq3A_586 : vector<256x1024xf32>
    %jit3A_588 = arith.constant 0x7F800000 : f32
    %broadcast_in_dim3A_589 = vector.broadcast %jit3A_588 : f32 to vector<256x1024xf32>
    %select_n3A_590 = arith.select %eq3A_587, %broadcast_in_dim3A_589, %select_n3A_568 : vector<256x1024xi1>, vector<256x1024xf32>
    %reduce_min3A_591 = arith.constant dense<0x7F800000> : vector<256xf32>
    %reduce_min3A_592 = vector.multi_reduction <minimumf>, %select_n3A_590, %reduce_min3A_591 [1] : vector<256x1024xf32> to vector<256xf32>
    %broadcast_in_dim3A_593 = vector.shape_cast %reduce_min3A_592 : vector<256xf32> to vector<256x1xf32>
    %eq3A_594 = vector.broadcast %broadcast_in_dim3A_593 : vector<256x1xf32> to vector<256x1024xf32>
    %eq3A_595 = arith.cmpf oeq, %select_n3A_590, %eq3A_594 : vector<256x1024xf32>
    %jit3A_596 = arith.constant 1.024000e+03 : f32
    %broadcast_in_dim3A_597 = vector.broadcast %jit3A_596 : f32 to vector<256x1024xf32>
    %select_n3A_598 = arith.select %eq3A_595, %convert_element_type3A, %broadcast_in_dim3A_597 : vector<256x1024xi1>, vector<256x1024xf32>
    %reduce_min3A_599 = arith.constant dense<0x7F800000> : vector<256xf32>
    %reduce_min3A_600 = vector.multi_reduction <minimumf>, %select_n3A_598, %reduce_min3A_599 [1] : vector<256x1024xf32> to vector<256xf32>
    %broadcast_in_dim3A_601 = vector.shape_cast %reduce_min3A_600 : vector<256xf32> to vector<256x1xf32>
    %eq3A_602 = arith.constant 26 : i32
    %eq3A_603 = vector.broadcast %eq3A_602 : i32 to vector<256x32xi32>
    %eq3A_604 = arith.cmpi eq, %iota3A_21, %eq3A_603 : vector<256x32xi32>
    %broadcast_in_dim3A_605 = vector.shape_cast %broadcast_in_dim3A_601 : vector<256x1xf32> to vector<256x1xf32>
    %broadcast_in_dim3A_606 = vector.broadcast %broadcast_in_dim3A_605 : vector<256x1xf32> to vector<256x32xf32>
    %select_n3A_607 = arith.select %eq3A_604, %broadcast_in_dim3A_606, %select_n3A_585 : vector<256x32xi1>, vector<256x32xf32>
    %eq3A_608 = vector.broadcast %broadcast_in_dim3A_601 : vector<256x1xf32> to vector<256x1024xf32>
    %eq3A_609 = arith.cmpf oeq, %convert_element_type3A, %eq3A_608 : vector<256x1024xf32>
    %jit3A_610 = arith.constant 0x7F800000 : f32
    %broadcast_in_dim3A_611 = vector.broadcast %jit3A_610 : f32 to vector<256x1024xf32>
    %select_n3A_612 = arith.select %eq3A_609, %broadcast_in_dim3A_611, %select_n3A_590 : vector<256x1024xi1>, vector<256x1024xf32>
    %reduce_min3A_613 = arith.constant dense<0x7F800000> : vector<256xf32>
    %reduce_min3A_614 = vector.multi_reduction <minimumf>, %select_n3A_612, %reduce_min3A_613 [1] : vector<256x1024xf32> to vector<256xf32>
    %broadcast_in_dim3A_615 = vector.shape_cast %reduce_min3A_614 : vector<256xf32> to vector<256x1xf32>
    %eq3A_616 = vector.broadcast %broadcast_in_dim3A_615 : vector<256x1xf32> to vector<256x1024xf32>
    %eq3A_617 = arith.cmpf oeq, %select_n3A_612, %eq3A_616 : vector<256x1024xf32>
    %jit3A_618 = arith.constant 1.024000e+03 : f32
    %broadcast_in_dim3A_619 = vector.broadcast %jit3A_618 : f32 to vector<256x1024xf32>
    %select_n3A_620 = arith.select %eq3A_617, %convert_element_type3A, %broadcast_in_dim3A_619 : vector<256x1024xi1>, vector<256x1024xf32>
    %reduce_min3A_621 = arith.constant dense<0x7F800000> : vector<256xf32>
    %reduce_min3A_622 = vector.multi_reduction <minimumf>, %select_n3A_620, %reduce_min3A_621 [1] : vector<256x1024xf32> to vector<256xf32>
    %broadcast_in_dim3A_623 = vector.shape_cast %reduce_min3A_622 : vector<256xf32> to vector<256x1xf32>
    %eq3A_624 = arith.constant 27 : i32
    %eq3A_625 = vector.broadcast %eq3A_624 : i32 to vector<256x32xi32>
    %eq3A_626 = arith.cmpi eq, %iota3A_21, %eq3A_625 : vector<256x32xi32>
    %broadcast_in_dim3A_627 = vector.shape_cast %broadcast_in_dim3A_623 : vector<256x1xf32> to vector<256x1xf32>
    %broadcast_in_dim3A_628 = vector.broadcast %broadcast_in_dim3A_627 : vector<256x1xf32> to vector<256x32xf32>
    %select_n3A_629 = arith.select %eq3A_626, %broadcast_in_dim3A_628, %select_n3A_607 : vector<256x32xi1>, vector<256x32xf32>
    %eq3A_630 = vector.broadcast %broadcast_in_dim3A_623 : vector<256x1xf32> to vector<256x1024xf32>
    %eq3A_631 = arith.cmpf oeq, %convert_element_type3A, %eq3A_630 : vector<256x1024xf32>
    %jit3A_632 = arith.constant 0x7F800000 : f32
    %broadcast_in_dim3A_633 = vector.broadcast %jit3A_632 : f32 to vector<256x1024xf32>
    %select_n3A_634 = arith.select %eq3A_631, %broadcast_in_dim3A_633, %select_n3A_612 : vector<256x1024xi1>, vector<256x1024xf32>
    %reduce_min3A_635 = arith.constant dense<0x7F800000> : vector<256xf32>
    %reduce_min3A_636 = vector.multi_reduction <minimumf>, %select_n3A_634, %reduce_min3A_635 [1] : vector<256x1024xf32> to vector<256xf32>
    %broadcast_in_dim3A_637 = vector.shape_cast %reduce_min3A_636 : vector<256xf32> to vector<256x1xf32>
    %eq3A_638 = vector.broadcast %broadcast_in_dim3A_637 : vector<256x1xf32> to vector<256x1024xf32>
    %eq3A_639 = arith.cmpf oeq, %select_n3A_634, %eq3A_638 : vector<256x1024xf32>
    %jit3A_640 = arith.constant 1.024000e+03 : f32
    %broadcast_in_dim3A_641 = vector.broadcast %jit3A_640 : f32 to vector<256x1024xf32>
    %select_n3A_642 = arith.select %eq3A_639, %convert_element_type3A, %broadcast_in_dim3A_641 : vector<256x1024xi1>, vector<256x1024xf32>
    %reduce_min3A_643 = arith.constant dense<0x7F800000> : vector<256xf32>
    %reduce_min3A_644 = vector.multi_reduction <minimumf>, %select_n3A_642, %reduce_min3A_643 [1] : vector<256x1024xf32> to vector<256xf32>
    %broadcast_in_dim3A_645 = vector.shape_cast %reduce_min3A_644 : vector<256xf32> to vector<256x1xf32>
    %eq3A_646 = arith.constant 28 : i32
    %eq3A_647 = vector.broadcast %eq3A_646 : i32 to vector<256x32xi32>
    %eq3A_648 = arith.cmpi eq, %iota3A_21, %eq3A_647 : vector<256x32xi32>
    %broadcast_in_dim3A_649 = vector.shape_cast %broadcast_in_dim3A_645 : vector<256x1xf32> to vector<256x1xf32>
    %broadcast_in_dim3A_650 = vector.broadcast %broadcast_in_dim3A_649 : vector<256x1xf32> to vector<256x32xf32>
    %select_n3A_651 = arith.select %eq3A_648, %broadcast_in_dim3A_650, %select_n3A_629 : vector<256x32xi1>, vector<256x32xf32>
    %eq3A_652 = vector.broadcast %broadcast_in_dim3A_645 : vector<256x1xf32> to vector<256x1024xf32>
    %eq3A_653 = arith.cmpf oeq, %convert_element_type3A, %eq3A_652 : vector<256x1024xf32>
    %jit3A_654 = arith.constant 0x7F800000 : f32
    %broadcast_in_dim3A_655 = vector.broadcast %jit3A_654 : f32 to vector<256x1024xf32>
    %select_n3A_656 = arith.select %eq3A_653, %broadcast_in_dim3A_655, %select_n3A_634 : vector<256x1024xi1>, vector<256x1024xf32>
    %reduce_min3A_657 = arith.constant dense<0x7F800000> : vector<256xf32>
    %reduce_min3A_658 = vector.multi_reduction <minimumf>, %select_n3A_656, %reduce_min3A_657 [1] : vector<256x1024xf32> to vector<256xf32>
    %broadcast_in_dim3A_659 = vector.shape_cast %reduce_min3A_658 : vector<256xf32> to vector<256x1xf32>
    %eq3A_660 = vector.broadcast %broadcast_in_dim3A_659 : vector<256x1xf32> to vector<256x1024xf32>
    %eq3A_661 = arith.cmpf oeq, %select_n3A_656, %eq3A_660 : vector<256x1024xf32>
    %jit3A_662 = arith.constant 1.024000e+03 : f32
    %broadcast_in_dim3A_663 = vector.broadcast %jit3A_662 : f32 to vector<256x1024xf32>
    %select_n3A_664 = arith.select %eq3A_661, %convert_element_type3A, %broadcast_in_dim3A_663 : vector<256x1024xi1>, vector<256x1024xf32>
    %reduce_min3A_665 = arith.constant dense<0x7F800000> : vector<256xf32>
    %reduce_min3A_666 = vector.multi_reduction <minimumf>, %select_n3A_664, %reduce_min3A_665 [1] : vector<256x1024xf32> to vector<256xf32>
    %broadcast_in_dim3A_667 = vector.shape_cast %reduce_min3A_666 : vector<256xf32> to vector<256x1xf32>
    %eq3A_668 = arith.constant 29 : i32
    %eq3A_669 = vector.broadcast %eq3A_668 : i32 to vector<256x32xi32>
    %eq3A_670 = arith.cmpi eq, %iota3A_21, %eq3A_669 : vector<256x32xi32>
    %broadcast_in_dim3A_671 = vector.shape_cast %broadcast_in_dim3A_667 : vector<256x1xf32> to vector<256x1xf32>
    %broadcast_in_dim3A_672 = vector.broadcast %broadcast_in_dim3A_671 : vector<256x1xf32> to vector<256x32xf32>
    %select_n3A_673 = arith.select %eq3A_670, %broadcast_in_dim3A_672, %select_n3A_651 : vector<256x32xi1>, vector<256x32xf32>
    %eq3A_674 = vector.broadcast %broadcast_in_dim3A_667 : vector<256x1xf32> to vector<256x1024xf32>
    %eq3A_675 = arith.cmpf oeq, %convert_element_type3A, %eq3A_674 : vector<256x1024xf32>
    %jit3A_676 = arith.constant 0x7F800000 : f32
    %broadcast_in_dim3A_677 = vector.broadcast %jit3A_676 : f32 to vector<256x1024xf32>
    %select_n3A_678 = arith.select %eq3A_675, %broadcast_in_dim3A_677, %select_n3A_656 : vector<256x1024xi1>, vector<256x1024xf32>
    %reduce_min3A_679 = arith.constant dense<0x7F800000> : vector<256xf32>
    %reduce_min3A_680 = vector.multi_reduction <minimumf>, %select_n3A_678, %reduce_min3A_679 [1] : vector<256x1024xf32> to vector<256xf32>
    %broadcast_in_dim3A_681 = vector.shape_cast %reduce_min3A_680 : vector<256xf32> to vector<256x1xf32>
    %eq3A_682 = vector.broadcast %broadcast_in_dim3A_681 : vector<256x1xf32> to vector<256x1024xf32>
    %eq3A_683 = arith.cmpf oeq, %select_n3A_678, %eq3A_682 : vector<256x1024xf32>
    %jit3A_684 = arith.constant 1.024000e+03 : f32
    %broadcast_in_dim3A_685 = vector.broadcast %jit3A_684 : f32 to vector<256x1024xf32>
    %select_n3A_686 = arith.select %eq3A_683, %convert_element_type3A, %broadcast_in_dim3A_685 : vector<256x1024xi1>, vector<256x1024xf32>
    %reduce_min3A_687 = arith.constant dense<0x7F800000> : vector<256xf32>
    %reduce_min3A_688 = vector.multi_reduction <minimumf>, %select_n3A_686, %reduce_min3A_687 [1] : vector<256x1024xf32> to vector<256xf32>
    %broadcast_in_dim3A_689 = vector.shape_cast %reduce_min3A_688 : vector<256xf32> to vector<256x1xf32>
    %eq3A_690 = arith.constant 30 : i32
    %eq3A_691 = vector.broadcast %eq3A_690 : i32 to vector<256x32xi32>
    %eq3A_692 = arith.cmpi eq, %iota3A_21, %eq3A_691 : vector<256x32xi32>
    %broadcast_in_dim3A_693 = vector.shape_cast %broadcast_in_dim3A_689 : vector<256x1xf32> to vector<256x1xf32>
    %broadcast_in_dim3A_694 = vector.broadcast %broadcast_in_dim3A_693 : vector<256x1xf32> to vector<256x32xf32>
    %select_n3A_695 = arith.select %eq3A_692, %broadcast_in_dim3A_694, %select_n3A_673 : vector<256x32xi1>, vector<256x32xf32>
    %eq3A_696 = vector.broadcast %broadcast_in_dim3A_689 : vector<256x1xf32> to vector<256x1024xf32>
    %eq3A_697 = arith.cmpf oeq, %convert_element_type3A, %eq3A_696 : vector<256x1024xf32>
    %jit3A_698 = arith.constant 0x7F800000 : f32
    %broadcast_in_dim3A_699 = vector.broadcast %jit3A_698 : f32 to vector<256x1024xf32>
    %select_n3A_700 = arith.select %eq3A_697, %broadcast_in_dim3A_699, %select_n3A_678 : vector<256x1024xi1>, vector<256x1024xf32>
    %reduce_min3A_701 = arith.constant dense<0x7F800000> : vector<256xf32>
    %reduce_min3A_702 = vector.multi_reduction <minimumf>, %select_n3A_700, %reduce_min3A_701 [1] : vector<256x1024xf32> to vector<256xf32>
    %broadcast_in_dim3A_703 = vector.shape_cast %reduce_min3A_702 : vector<256xf32> to vector<256x1xf32>
    %eq3A_704 = vector.broadcast %broadcast_in_dim3A_703 : vector<256x1xf32> to vector<256x1024xf32>
    %eq3A_705 = arith.cmpf oeq, %select_n3A_700, %eq3A_704 : vector<256x1024xf32>
    %jit3A_706 = arith.constant 1.024000e+03 : f32
    %broadcast_in_dim3A_707 = vector.broadcast %jit3A_706 : f32 to vector<256x1024xf32>
    %select_n3A_708 = arith.select %eq3A_705, %convert_element_type3A, %broadcast_in_dim3A_707 : vector<256x1024xi1>, vector<256x1024xf32>
    %reduce_min3A_709 = arith.constant dense<0x7F800000> : vector<256xf32>
    %reduce_min3A_710 = vector.multi_reduction <minimumf>, %select_n3A_708, %reduce_min3A_709 [1] : vector<256x1024xf32> to vector<256xf32>
    %broadcast_in_dim3A_711 = vector.shape_cast %reduce_min3A_710 : vector<256xf32> to vector<256x1xf32>
    %eq3A_712 = arith.constant 31 : i32
    %eq3A_713 = vector.broadcast %eq3A_712 : i32 to vector<256x32xi32>
    %eq3A_714 = arith.cmpi eq, %iota3A_21, %eq3A_713 : vector<256x32xi32>
    %broadcast_in_dim3A_715 = vector.shape_cast %broadcast_in_dim3A_711 : vector<256x1xf32> to vector<256x1xf32>
    %broadcast_in_dim3A_716 = vector.broadcast %broadcast_in_dim3A_715 : vector<256x1xf32> to vector<256x32xf32>
    %select_n3A_717 = arith.select %eq3A_714, %broadcast_in_dim3A_716, %select_n3A_695 : vector<256x32xi1>, vector<256x32xf32>
    %convert_element_type3A_718 = arith.fptosi %select_n3A_717 : vector<256x32xf32> to vector<256x32xi32>
    %add3A_719 = arith.constant 1024 : i32
    %add3A_720 = vector.broadcast %add3A_719 : i32 to vector<256x32xi32>
    %add3A_721 = arith.addi %convert_element_type3A_718, %add3A_720 : vector<256x32xi32>
    %swap3A = arith.constant 0 : index
    %swap3A_722 = arith.constant 0 : index
    %swap3A_723 = vector.load %arg3[%swap3A, %swap3A_722] : memref<256x32xi32, #tpu.memory_space<vmem>>, vector<256x32xi32>
    tpu.vector_store %arg3[%swap3A, %swap3A_722], %add3A_721 {strides = array<i32>} : memref<256x32xi32, #tpu.memory_space<vmem>>, vector<256x32xi32>,
    return
  }
  func.func @transform_0(%arg0: i32) -> (i32, i32) {
    %c0_i32 = arith.constant 0 : i32
    %c0_i32_0 = arith.constant 0 : i32
    return %arg0, %c0_i32 : i32, i32
  }
  func.func @transform_1(%arg0: i32) -> (i32, i32) {
    %c0_i32 = arith.constant 0 : i32
    %c0_i32_0 = arith.constant 0 : i32
    %c0_i32_1 = arith.constant 0 : i32
    return %c0_i32, %c0_i32_0 : i32, i32
  }
  func.func @transform_2(%arg0: i32) -> (i32, i32) {
    %c0_i32 = arith.constant 0 : i32
    %c0_i32_0 = arith.constant 0 : i32
    return %arg0, %c0_i32 : i32, i32
  }
}

module attributes {stable_mosaic.version = 14 : i64} {
  func.func @_proj_body(%arg0: i32, %arg1: memref<256x512xf32, #tpu.memory_space<vmem>>, %arg2: memref<256x3xf32, #tpu.memory_space<vmem>>, %arg3: memref<512x512xf32, #tpu.memory_space<vmem>>, %arg4: memref<512x1024xf32, #tpu.memory_space<vmem>>, %arg5: memref<256x512xf32, #tpu.memory_space<vmem>>, %arg6: memref<256x512xi32, #tpu.memory_space<vmem>>, %arg7: memref<256x128xf32, #tpu.memory_space<vmem>>) attributes {dimension_semantics = [#tpu.dimension_semantics<arbitrary>], iteration_bounds = array<i64: 8>, scalar_prefetch = 0 : i64, scratch_operands = 0 : i64, tpu.core_type = #tpu.core_type<tc>, window_params = [{transform_indices = @transform_0, window_bounds = array<i64: 256, 512>}, {transform_indices = @transform_1, window_bounds = array<i64: 256, 3>}, {pipeline_mode = #tpu.pipeline_mode<synchronous>, transform_indices = @transform_2, window_bounds = array<i64: 512, 512>}, {pipeline_mode = #tpu.pipeline_mode<synchronous>, transform_indices = @transform_3, window_bounds = array<i64: 512, 1024>}, {transform_indices = @transform_4, window_bounds = array<i64: 256, 512>}, {transform_indices = @transform_5, window_bounds = array<i64: 256, 512>}, {transform_indices = @transform_6, window_bounds = array<i64: 256, 128>}]} {
    %get3A = arith.constant 0 : index
    %get3A_0 = arith.constant 0 : index
    %get3A_1 = vector.load %arg1[%get3A, %get3A_0] : memref<256x512xf32, #tpu.memory_space<vmem>>, vector<256x512xf32>
    %get3A_2 = arith.constant 0 : index
    %get3A_3 = arith.constant 0 : index
    %get3A_4 = vector.load %arg3[%get3A_2, %get3A_3] : memref<512x512xf32, #tpu.memory_space<vmem>>, vector<512x512xf32>
    %dot_general3A = arith.constant dense<0.000000e+00> : vector<256x512xf32>
    %dot_general3A_5 = tpu.matmul %get3A_1, %get3A_4, %dot_general3A {dimension_numbers = #tpu.dot_dimension_numbers<[1], [0], [0], [1], [0, 0, 1, 1], [], []>, transpose_lhs_hint = false} : vector<256x512xf32>, vector<512x512xf32>, vector<256x512xf32> -> vector<256x512xf32>
    %swap3A = arith.constant 0 : index
    %swap3A_6 = arith.constant 0 : index
    %swap3A_7 = vector.load %arg5[%swap3A, %swap3A_6] : memref<256x512xf32, #tpu.memory_space<vmem>>, vector<256x512xf32>
    tpu.vector_store %arg5[%swap3A, %swap3A_6], %dot_general3A_5 {strides = array<i32>} : memref<256x512xf32, #tpu.memory_space<vmem>>, vector<256x512xf32>,
    %get3A_8 = arith.constant 0 : index
    %get3A_9 = arith.constant 0 : index
    %get3A_10 = vector.load %arg4[%get3A_8, %get3A_9] : memref<512x1024xf32, #tpu.memory_space<vmem>>, vector<512x1024xf32>
    %dot_general3A_11 = arith.constant dense<0.000000e+00> : vector<256x1024xf32>
    %dot_general3A_12 = tpu.matmul %get3A_1, %get3A_10, %dot_general3A_11 {dimension_numbers = #tpu.dot_dimension_numbers<[1], [0], [0], [1], [0, 0, 1, 1], [], []>, transpose_lhs_hint = false} : vector<256x512xf32>, vector<512x1024xf32>, vector<256x1024xf32> -> vector<256x1024xf32>
    %slice3A = vector.extract_strided_slice %dot_general3A_12 {offsets = [0, 0], sizes = [256, 512], strides = [1, 1]} : vector<256x1024xf32> to vector<256x512xf32>
    %bitcast_convert_type3A = tpu.bitcast %slice3A : vector<256x512xf32> -> vector<256x512xi32>
    %shift_right_logical3A = arith.constant 16 : i32
    %shift_right_logical3A_13 = vector.broadcast %shift_right_logical3A : i32 to vector<256x512xi32>
    %shift_right_logical3A_14 = arith.shrui %bitcast_convert_type3A, %shift_right_logical3A_13 : vector<256x512xi32>
    %and3A = arith.constant 1 : i32
    %and3A_15 = vector.broadcast %and3A : i32 to vector<256x512xi32>
    %and3A_16 = arith.andi %shift_right_logical3A_14, %and3A_15 : vector<256x512xi32>
    %add3A = arith.constant 32767 : i32
    %add3A_17 = vector.broadcast %add3A : i32 to vector<256x512xi32>
    %add3A_18 = arith.addi %bitcast_convert_type3A, %add3A_17 : vector<256x512xi32>
    %add3A_19 = arith.addi %add3A_18, %and3A_16 : vector<256x512xi32>
    %and3A_20 = arith.constant -65536 : i32
    %and3A_21 = vector.broadcast %and3A_20 : i32 to vector<256x512xi32>
    %and3A_22 = arith.andi %add3A_19, %and3A_21 : vector<256x512xi32>
    %slice3A_23 = vector.extract_strided_slice %dot_general3A_12 {offsets = [0, 512], sizes = [256, 512], strides = [1, 1]} : vector<256x1024xf32> to vector<256x512xf32>
    %bitcast_convert_type3A_24 = tpu.bitcast %slice3A_23 : vector<256x512xf32> -> vector<256x512xi32>
    %shift_right_logical3A_25 = arith.constant 16 : i32
    %shift_right_logical3A_26 = vector.broadcast %shift_right_logical3A_25 : i32 to vector<256x512xi32>
    %shift_right_logical3A_27 = arith.shrui %bitcast_convert_type3A_24, %shift_right_logical3A_26 : vector<256x512xi32>
    %and3A_28 = arith.constant 1 : i32
    %and3A_29 = vector.broadcast %and3A_28 : i32 to vector<256x512xi32>
    %and3A_30 = arith.andi %shift_right_logical3A_27, %and3A_29 : vector<256x512xi32>
    %add3A_31 = arith.constant 32767 : i32
    %add3A_32 = vector.broadcast %add3A_31 : i32 to vector<256x512xi32>
    %add3A_33 = arith.addi %bitcast_convert_type3A_24, %add3A_32 : vector<256x512xi32>
    %add3A_34 = arith.addi %add3A_33, %and3A_30 : vector<256x512xi32>
    %and3A_35 = arith.constant -65536 : i32
    %and3A_36 = vector.broadcast %and3A_35 : i32 to vector<256x512xi32>
    %and3A_37 = arith.andi %add3A_34, %and3A_36 : vector<256x512xi32>
    %shift_right_logical3A_38 = arith.constant 16 : i32
    %shift_right_logical3A_39 = vector.broadcast %shift_right_logical3A_38 : i32 to vector<256x512xi32>
    %shift_right_logical3A_40 = arith.shrui %and3A_37, %shift_right_logical3A_39 : vector<256x512xi32>
    %or3A = arith.ori %and3A_22, %shift_right_logical3A_40 : vector<256x512xi32>
    %swap3A_41 = arith.constant 0 : index
    %swap3A_42 = arith.constant 0 : index
    %swap3A_43 = vector.load %arg6[%swap3A_41, %swap3A_42] : memref<256x512xi32, #tpu.memory_space<vmem>>, vector<256x512xi32>
    tpu.vector_store %arg6[%swap3A_41, %swap3A_42], %or3A {strides = array<i32>} : memref<256x512xi32, #tpu.memory_space<vmem>>, vector<256x512xi32>,
    %get3A_44 = arith.constant 0 : index
    %get3A_45 = arith.constant 0 : index
    %get3A_46 = vector.load %arg2[%get3A_44, %get3A_45] : memref<256x3xf32, #tpu.memory_space<vmem>>, vector<256x3xf32>
    %convert_element_type3A = arith.truncf %get3A_46 : vector<256x3xf32> to vector<256x3xbf16>
    %convert_element_type3A_47 = arith.extf %convert_element_type3A : vector<256x3xbf16> to vector<256x3xf32>
    %sub3A = arith.subf %get3A_46, %convert_element_type3A_47 : vector<256x3xf32>
    %broadcast_in_dim3A = arith.constant 0.000000e+00 : f32
    %broadcast_in_dim3A_48 = vector.broadcast %broadcast_in_dim3A : f32 to vector<256x61xf32>
    %concatenate3A = tpu.concatenate %convert_element_type3A_47, %broadcast_in_dim3A_48, %sub3A, %broadcast_in_dim3A_48 in 1 : vector<256x3xf32>, vector<256x61xf32>, vector<256x3xf32>, vector<256x61xf32> -> vector<256x128xf32>
    %swap3A_49 = arith.constant 0 : index
    %swap3A_50 = arith.constant 0 : index
    %swap3A_51 = vector.load %arg7[%swap3A_49, %swap3A_50] : memref<256x128xf32, #tpu.memory_space<vmem>>, vector<256x128xf32>
    tpu.vector_store %arg7[%swap3A_49, %swap3A_50], %concatenate3A {strides = array<i32>} : memref<256x128xf32, #tpu.memory_space<vmem>>, vector<256x128xf32>,
    return
  }
  func.func @transform_0(%arg0: i32) -> (i32, i32) {
    %c0_i32 = arith.constant 0 : i32
    %c0_i32_0 = arith.constant 0 : i32
    return %arg0, %c0_i32 : i32, i32
  }
  func.func @transform_1(%arg0: i32) -> (i32, i32) {
    %c0_i32 = arith.constant 0 : i32
    %c0_i32_0 = arith.constant 0 : i32
    return %arg0, %c0_i32 : i32, i32
  }
  func.func @transform_2(%arg0: i32) -> (i32, i32) {
    %c0_i32 = arith.constant 0 : i32
    %c0_i32_0 = arith.constant 0 : i32
    %c0_i32_1 = arith.constant 0 : i32
    return %c0_i32, %c0_i32_0 : i32, i32
  }
  func.func @transform_3(%arg0: i32) -> (i32, i32) {
    %c0_i32 = arith.constant 0 : i32
    %c0_i32_0 = arith.constant 0 : i32
    %c0_i32_1 = arith.constant 0 : i32
    return %c0_i32, %c0_i32_0 : i32, i32
  }
  func.func @transform_4(%arg0: i32) -> (i32, i32) {
    %c0_i32 = arith.constant 0 : i32
    %c0_i32_0 = arith.constant 0 : i32
    return %arg0, %c0_i32 : i32, i32
  }
  func.func @transform_5(%arg0: i32) -> (i32, i32) {
    %c0_i32 = arith.constant 0 : i32
    %c0_i32_0 = arith.constant 0 : i32
    return %arg0, %c0_i32 : i32, i32
  }
  func.func @transform_6(%arg0: i32) -> (i32, i32) {
    %c0_i32 = arith.constant 0 : i32
    %c0_i32_0 = arith.constant 0 : i32
    return %arg0, %c0_i32 : i32, i32
  }
}

module attributes {stable_mosaic.version = 14 : i64} {
  func.func @_topk_body(%arg0: i32, %arg1: memref<256x3xf32, #tpu.memory_space<vmem>>, %arg2: memref<3x1024xf32, #tpu.memory_space<vmem>>, %arg3: memref<256x32xi32, #tpu.memory_space<vmem>>) attributes {dimension_semantics = [#tpu.dimension_semantics<arbitrary>], iteration_bounds = array<i64: 4>, scalar_prefetch = 0 : i64, scratch_operands = 0 : i64, tpu.core_type = #tpu.core_type<tc>, window_params = [{transform_indices = @transform_0, window_bounds = array<i64: 256, 3>}, {pipeline_mode = #tpu.pipeline_mode<synchronous>, transform_indices = @transform_1, window_bounds = array<i64: 3, 1024>}, {transform_indices = @transform_2, window_bounds = array<i64: 256, 32>}]} {
    %get3A = arith.constant 0 : index
    %get3A_0 = arith.constant 0 : index
    %get3A_1 = vector.load %arg1[%get3A, %get3A_0] : memref<256x3xf32, #tpu.memory_space<vmem>>, vector<256x3xf32>
    %get3A_2 = arith.constant 0 : index
    %get3A_3 = arith.constant 0 : index
    %get3A_4 = vector.load %arg2[%get3A_2, %get3A_3] : memref<3x1024xf32, #tpu.memory_space<vmem>>, vector<3x1024xf32>
    %slice3A = vector.extract_strided_slice %get3A_1 {offsets = [0, 0], sizes = [256, 1], strides = [1, 1]} : vector<256x3xf32> to vector<256x1xf32>
    %slice3A_5 = vector.extract_strided_slice %get3A_4 {offsets = [0, 0], sizes = [1, 1024], strides = [1, 1]} : vector<3x1024xf32> to vector<1x1024xf32>
    %sub3A = vector.broadcast %slice3A : vector<256x1xf32> to vector<256x1024xf32>
    %sub3A_6 = vector.broadcast %slice3A_5 : vector<1x1024xf32> to vector<256x1024xf32>
    %sub3A_7 = arith.subf %sub3A, %sub3A_6 : vector<256x1024xf32>
    %slice3A_8 = vector.extract_strided_slice %get3A_1 {offsets = [0, 1], sizes = [256, 1], strides = [1, 1]} : vector<256x3xf32> to vector<256x1xf32>
    %slice3A_9 = vector.extract_strided_slice %get3A_4 {offsets = [1, 0], sizes = [1, 1024], strides = [1, 1]} : vector<3x1024xf32> to vector<1x1024xf32>
    %sub3A_10 = vector.broadcast %slice3A_8 : vector<256x1xf32> to vector<256x1024xf32>
    %sub3A_11 = vector.broadcast %slice3A_9 : vector<1x1024xf32> to vector<256x1024xf32>
    %sub3A_12 = arith.subf %sub3A_10, %sub3A_11 : vector<256x1024xf32>
    %slice3A_13 = vector.extract_strided_slice %get3A_1 {offsets = [0, 2], sizes = [256, 1], strides = [1, 1]} : vector<256x3xf32> to vector<256x1xf32>
    %slice3A_14 = vector.extract_strided_slice %get3A_4 {offsets = [2, 0], sizes = [1, 1024], strides = [1, 1]} : vector<3x1024xf32> to vector<1x1024xf32>
    %sub3A_15 = vector.broadcast %slice3A_13 : vector<256x1xf32> to vector<256x1024xf32>
    %sub3A_16 = vector.broadcast %slice3A_14 : vector<1x1024xf32> to vector<256x1024xf32>
    %sub3A_17 = arith.subf %sub3A_15, %sub3A_16 : vector<256x1024xf32>
    %mul3A = arith.mulf %sub3A_7, %sub3A_7 : vector<256x1024xf32>
    %mul3A_18 = arith.mulf %sub3A_12, %sub3A_12 : vector<256x1024xf32>
    %add3A = arith.addf %mul3A, %mul3A_18 : vector<256x1024xf32>
    %mul3A_19 = arith.mulf %sub3A_17, %sub3A_17 : vector<256x1024xf32>
    %add3A_20 = arith.addf %add3A, %mul3A_19 : vector<256x1024xf32>
    %iota3A = tpu.iota {dimensions = array<i32: 1>} : vector<256x1024xi32>
    %convert_element_type3A = arith.sitofp %iota3A : vector<256x1024xi32> to vector<256x1024xf32>
    %iota3A_21 = tpu.iota {dimensions = array<i32: 1>} : vector<256x32xi32>
    %broadcast_in_dim3A = arith.constant 0.000000e+00 : f32
    %broadcast_in_dim3A_22 = vector.broadcast %broadcast_in_dim3A : f32 to vector<256x32xf32>
    %reduce_min3A = arith.constant dense<0x7F800000> : vector<256xf32>
    %reduce_min3A_23 = vector.multi_reduction <minimumf>, %add3A_20, %reduce_min3A [1] : vector<256x1024xf32> to vector<256xf32>
    %broadcast_in_dim3A_24 = vector.shape_cast %reduce_min3A_23 : vector<256xf32> to vector<256x1xf32>
    %eq3A = vector.broadcast %broadcast_in_dim3A_24 : vector<256x1xf32> to vector<256x1024xf32>
    %eq3A_25 = arith.cmpf oeq, %add3A_20, %eq3A : vector<256x1024xf32>
    %jit3A = arith.constant 1.024000e+03 : f32
    %broadcast_in_dim3A_26 = vector.broadcast %jit3A : f32 to vector<256x1024xf32>
    %select_n3A = arith.select %eq3A_25, %convert_element_type3A, %broadcast_in_dim3A_26 : vector<256x1024xi1>, vector<256x1024xf32>
    %reduce_min3A_27 = arith.constant dense<0x7F800000> : vector<256xf32>
    %reduce_min3A_28 = vector.multi_reduction <minimumf>, %select_n3A, %reduce_min3A_27 [1] : vector<256x1024xf32> to vector<256xf32>
    %broadcast_in_dim3A_29 = vector.shape_cast %reduce_min3A_28 : vector<256xf32> to vector<256x1xf32>
    %eq3A_30 = arith.constant 0 : i32
    %eq3A_31 = vector.broadcast %eq3A_30 : i32 to vector<256x32xi32>
    %eq3A_32 = arith.cmpi eq, %iota3A_21, %eq3A_31 : vector<256x32xi32>
    %broadcast_in_dim3A_33 = vector.shape_cast %broadcast_in_dim3A_29 : vector<256x1xf32> to vector<256x1xf32>
    %broadcast_in_dim3A_34 = vector.broadcast %broadcast_in_dim3A_33 : vector<256x1xf32> to vector<256x32xf32>
    %select_n3A_35 = arith.select %eq3A_32, %broadcast_in_dim3A_34, %broadcast_in_dim3A_22 : vector<256x32xi1>, vector<256x32xf32>
    %eq3A_36 = vector.broadcast %broadcast_in_dim3A_29 : vector<256x1xf32> to vector<256x1024xf32>
    %eq3A_37 = arith.cmpf oeq, %convert_element_type3A, %eq3A_36 : vector<256x1024xf32>
    %jit3A_38 = arith.constant 0x7F800000 : f32
    %broadcast_in_dim3A_39 = vector.broadcast %jit3A_38 : f32 to vector<256x1024xf32>
    %select_n3A_40 = arith.select %eq3A_37, %broadcast_in_dim3A_39, %add3A_20 : vector<256x1024xi1>, vector<256x1024xf32>
    %reduce_min3A_41 = arith.constant dense<0x7F800000> : vector<256xf32>
    %reduce_min3A_42 = vector.multi_reduction <minimumf>, %select_n3A_40, %reduce_min3A_41 [1] : vector<256x1024xf32> to vector<256xf32>
    %broadcast_in_dim3A_43 = vector.shape_cast %reduce_min3A_42 : vector<256xf32> to vector<256x1xf32>
    %eq3A_44 = vector.broadcast %broadcast_in_dim3A_43 : vector<256x1xf32> to vector<256x1024xf32>
    %eq3A_45 = arith.cmpf oeq, %select_n3A_40, %eq3A_44 : vector<256x1024xf32>
    %jit3A_46 = arith.constant 1.024000e+03 : f32
    %broadcast_in_dim3A_47 = vector.broadcast %jit3A_46 : f32 to vector<256x1024xf32>
    %select_n3A_48 = arith.select %eq3A_45, %convert_element_type3A, %broadcast_in_dim3A_47 : vector<256x1024xi1>, vector<256x1024xf32>
    %reduce_min3A_49 = arith.constant dense<0x7F800000> : vector<256xf32>
    %reduce_min3A_50 = vector.multi_reduction <minimumf>, %select_n3A_48, %reduce_min3A_49 [1] : vector<256x1024xf32> to vector<256xf32>
    %broadcast_in_dim3A_51 = vector.shape_cast %reduce_min3A_50 : vector<256xf32> to vector<256x1xf32>
    %eq3A_52 = arith.constant 1 : i32
    %eq3A_53 = vector.broadcast %eq3A_52 : i32 to vector<256x32xi32>
    %eq3A_54 = arith.cmpi eq, %iota3A_21, %eq3A_53 : vector<256x32xi32>
    %broadcast_in_dim3A_55 = vector.shape_cast %broadcast_in_dim3A_51 : vector<256x1xf32> to vector<256x1xf32>
    %broadcast_in_dim3A_56 = vector.broadcast %broadcast_in_dim3A_55 : vector<256x1xf32> to vector<256x32xf32>
    %select_n3A_57 = arith.select %eq3A_54, %broadcast_in_dim3A_56, %select_n3A_35 : vector<256x32xi1>, vector<256x32xf32>
    %eq3A_58 = vector.broadcast %broadcast_in_dim3A_51 : vector<256x1xf32> to vector<256x1024xf32>
    %eq3A_59 = arith.cmpf oeq, %convert_element_type3A, %eq3A_58 : vector<256x1024xf32>
    %jit3A_60 = arith.constant 0x7F800000 : f32
    %broadcast_in_dim3A_61 = vector.broadcast %jit3A_60 : f32 to vector<256x1024xf32>
    %select_n3A_62 = arith.select %eq3A_59, %broadcast_in_dim3A_61, %select_n3A_40 : vector<256x1024xi1>, vector<256x1024xf32>
    %reduce_min3A_63 = arith.constant dense<0x7F800000> : vector<256xf32>
    %reduce_min3A_64 = vector.multi_reduction <minimumf>, %select_n3A_62, %reduce_min3A_63 [1] : vector<256x1024xf32> to vector<256xf32>
    %broadcast_in_dim3A_65 = vector.shape_cast %reduce_min3A_64 : vector<256xf32> to vector<256x1xf32>
    %eq3A_66 = vector.broadcast %broadcast_in_dim3A_65 : vector<256x1xf32> to vector<256x1024xf32>
    %eq3A_67 = arith.cmpf oeq, %select_n3A_62, %eq3A_66 : vector<256x1024xf32>
    %jit3A_68 = arith.constant 1.024000e+03 : f32
    %broadcast_in_dim3A_69 = vector.broadcast %jit3A_68 : f32 to vector<256x1024xf32>
    %select_n3A_70 = arith.select %eq3A_67, %convert_element_type3A, %broadcast_in_dim3A_69 : vector<256x1024xi1>, vector<256x1024xf32>
    %reduce_min3A_71 = arith.constant dense<0x7F800000> : vector<256xf32>
    %reduce_min3A_72 = vector.multi_reduction <minimumf>, %select_n3A_70, %reduce_min3A_71 [1] : vector<256x1024xf32> to vector<256xf32>
    %broadcast_in_dim3A_73 = vector.shape_cast %reduce_min3A_72 : vector<256xf32> to vector<256x1xf32>
    %eq3A_74 = arith.constant 2 : i32
    %eq3A_75 = vector.broadcast %eq3A_74 : i32 to vector<256x32xi32>
    %eq3A_76 = arith.cmpi eq, %iota3A_21, %eq3A_75 : vector<256x32xi32>
    %broadcast_in_dim3A_77 = vector.shape_cast %broadcast_in_dim3A_73 : vector<256x1xf32> to vector<256x1xf32>
    %broadcast_in_dim3A_78 = vector.broadcast %broadcast_in_dim3A_77 : vector<256x1xf32> to vector<256x32xf32>
    %select_n3A_79 = arith.select %eq3A_76, %broadcast_in_dim3A_78, %select_n3A_57 : vector<256x32xi1>, vector<256x32xf32>
    %eq3A_80 = vector.broadcast %broadcast_in_dim3A_73 : vector<256x1xf32> to vector<256x1024xf32>
    %eq3A_81 = arith.cmpf oeq, %convert_element_type3A, %eq3A_80 : vector<256x1024xf32>
    %jit3A_82 = arith.constant 0x7F800000 : f32
    %broadcast_in_dim3A_83 = vector.broadcast %jit3A_82 : f32 to vector<256x1024xf32>
    %select_n3A_84 = arith.select %eq3A_81, %broadcast_in_dim3A_83, %select_n3A_62 : vector<256x1024xi1>, vector<256x1024xf32>
    %reduce_min3A_85 = arith.constant dense<0x7F800000> : vector<256xf32>
    %reduce_min3A_86 = vector.multi_reduction <minimumf>, %select_n3A_84, %reduce_min3A_85 [1] : vector<256x1024xf32> to vector<256xf32>
    %broadcast_in_dim3A_87 = vector.shape_cast %reduce_min3A_86 : vector<256xf32> to vector<256x1xf32>
    %eq3A_88 = vector.broadcast %broadcast_in_dim3A_87 : vector<256x1xf32> to vector<256x1024xf32>
    %eq3A_89 = arith.cmpf oeq, %select_n3A_84, %eq3A_88 : vector<256x1024xf32>
    %jit3A_90 = arith.constant 1.024000e+03 : f32
    %broadcast_in_dim3A_91 = vector.broadcast %jit3A_90 : f32 to vector<256x1024xf32>
    %select_n3A_92 = arith.select %eq3A_89, %convert_element_type3A, %broadcast_in_dim3A_91 : vector<256x1024xi1>, vector<256x1024xf32>
    %reduce_min3A_93 = arith.constant dense<0x7F800000> : vector<256xf32>
    %reduce_min3A_94 = vector.multi_reduction <minimumf>, %select_n3A_92, %reduce_min3A_93 [1] : vector<256x1024xf32> to vector<256xf32>
    %broadcast_in_dim3A_95 = vector.shape_cast %reduce_min3A_94 : vector<256xf32> to vector<256x1xf32>
    %eq3A_96 = arith.constant 3 : i32
    %eq3A_97 = vector.broadcast %eq3A_96 : i32 to vector<256x32xi32>
    %eq3A_98 = arith.cmpi eq, %iota3A_21, %eq3A_97 : vector<256x32xi32>
    %broadcast_in_dim3A_99 = vector.shape_cast %broadcast_in_dim3A_95 : vector<256x1xf32> to vector<256x1xf32>
    %broadcast_in_dim3A_100 = vector.broadcast %broadcast_in_dim3A_99 : vector<256x1xf32> to vector<256x32xf32>
    %select_n3A_101 = arith.select %eq3A_98, %broadcast_in_dim3A_100, %select_n3A_79 : vector<256x32xi1>, vector<256x32xf32>
    %eq3A_102 = vector.broadcast %broadcast_in_dim3A_95 : vector<256x1xf32> to vector<256x1024xf32>
    %eq3A_103 = arith.cmpf oeq, %convert_element_type3A, %eq3A_102 : vector<256x1024xf32>
    %jit3A_104 = arith.constant 0x7F800000 : f32
    %broadcast_in_dim3A_105 = vector.broadcast %jit3A_104 : f32 to vector<256x1024xf32>
    %select_n3A_106 = arith.select %eq3A_103, %broadcast_in_dim3A_105, %select_n3A_84 : vector<256x1024xi1>, vector<256x1024xf32>
    %reduce_min3A_107 = arith.constant dense<0x7F800000> : vector<256xf32>
    %reduce_min3A_108 = vector.multi_reduction <minimumf>, %select_n3A_106, %reduce_min3A_107 [1] : vector<256x1024xf32> to vector<256xf32>
    %broadcast_in_dim3A_109 = vector.shape_cast %reduce_min3A_108 : vector<256xf32> to vector<256x1xf32>
    %eq3A_110 = vector.broadcast %broadcast_in_dim3A_109 : vector<256x1xf32> to vector<256x1024xf32>
    %eq3A_111 = arith.cmpf oeq, %select_n3A_106, %eq3A_110 : vector<256x1024xf32>
    %jit3A_112 = arith.constant 1.024000e+03 : f32
    %broadcast_in_dim3A_113 = vector.broadcast %jit3A_112 : f32 to vector<256x1024xf32>
    %select_n3A_114 = arith.select %eq3A_111, %convert_element_type3A, %broadcast_in_dim3A_113 : vector<256x1024xi1>, vector<256x1024xf32>
    %reduce_min3A_115 = arith.constant dense<0x7F800000> : vector<256xf32>
    %reduce_min3A_116 = vector.multi_reduction <minimumf>, %select_n3A_114, %reduce_min3A_115 [1] : vector<256x1024xf32> to vector<256xf32>
    %broadcast_in_dim3A_117 = vector.shape_cast %reduce_min3A_116 : vector<256xf32> to vector<256x1xf32>
    %eq3A_118 = arith.constant 4 : i32
    %eq3A_119 = vector.broadcast %eq3A_118 : i32 to vector<256x32xi32>
    %eq3A_120 = arith.cmpi eq, %iota3A_21, %eq3A_119 : vector<256x32xi32>
    %broadcast_in_dim3A_121 = vector.shape_cast %broadcast_in_dim3A_117 : vector<256x1xf32> to vector<256x1xf32>
    %broadcast_in_dim3A_122 = vector.broadcast %broadcast_in_dim3A_121 : vector<256x1xf32> to vector<256x32xf32>
    %select_n3A_123 = arith.select %eq3A_120, %broadcast_in_dim3A_122, %select_n3A_101 : vector<256x32xi1>, vector<256x32xf32>
    %eq3A_124 = vector.broadcast %broadcast_in_dim3A_117 : vector<256x1xf32> to vector<256x1024xf32>
    %eq3A_125 = arith.cmpf oeq, %convert_element_type3A, %eq3A_124 : vector<256x1024xf32>
    %jit3A_126 = arith.constant 0x7F800000 : f32
    %broadcast_in_dim3A_127 = vector.broadcast %jit3A_126 : f32 to vector<256x1024xf32>
    %select_n3A_128 = arith.select %eq3A_125, %broadcast_in_dim3A_127, %select_n3A_106 : vector<256x1024xi1>, vector<256x1024xf32>
    %reduce_min3A_129 = arith.constant dense<0x7F800000> : vector<256xf32>
    %reduce_min3A_130 = vector.multi_reduction <minimumf>, %select_n3A_128, %reduce_min3A_129 [1] : vector<256x1024xf32> to vector<256xf32>
    %broadcast_in_dim3A_131 = vector.shape_cast %reduce_min3A_130 : vector<256xf32> to vector<256x1xf32>
    %eq3A_132 = vector.broadcast %broadcast_in_dim3A_131 : vector<256x1xf32> to vector<256x1024xf32>
    %eq3A_133 = arith.cmpf oeq, %select_n3A_128, %eq3A_132 : vector<256x1024xf32>
    %jit3A_134 = arith.constant 1.024000e+03 : f32
    %broadcast_in_dim3A_135 = vector.broadcast %jit3A_134 : f32 to vector<256x1024xf32>
    %select_n3A_136 = arith.select %eq3A_133, %convert_element_type3A, %broadcast_in_dim3A_135 : vector<256x1024xi1>, vector<256x1024xf32>
    %reduce_min3A_137 = arith.constant dense<0x7F800000> : vector<256xf32>
    %reduce_min3A_138 = vector.multi_reduction <minimumf>, %select_n3A_136, %reduce_min3A_137 [1] : vector<256x1024xf32> to vector<256xf32>
    %broadcast_in_dim3A_139 = vector.shape_cast %reduce_min3A_138 : vector<256xf32> to vector<256x1xf32>
    %eq3A_140 = arith.constant 5 : i32
    %eq3A_141 = vector.broadcast %eq3A_140 : i32 to vector<256x32xi32>
    %eq3A_142 = arith.cmpi eq, %iota3A_21, %eq3A_141 : vector<256x32xi32>
    %broadcast_in_dim3A_143 = vector.shape_cast %broadcast_in_dim3A_139 : vector<256x1xf32> to vector<256x1xf32>
    %broadcast_in_dim3A_144 = vector.broadcast %broadcast_in_dim3A_143 : vector<256x1xf32> to vector<256x32xf32>
    %select_n3A_145 = arith.select %eq3A_142, %broadcast_in_dim3A_144, %select_n3A_123 : vector<256x32xi1>, vector<256x32xf32>
    %eq3A_146 = vector.broadcast %broadcast_in_dim3A_139 : vector<256x1xf32> to vector<256x1024xf32>
    %eq3A_147 = arith.cmpf oeq, %convert_element_type3A, %eq3A_146 : vector<256x1024xf32>
    %jit3A_148 = arith.constant 0x7F800000 : f32
    %broadcast_in_dim3A_149 = vector.broadcast %jit3A_148 : f32 to vector<256x1024xf32>
    %select_n3A_150 = arith.select %eq3A_147, %broadcast_in_dim3A_149, %select_n3A_128 : vector<256x1024xi1>, vector<256x1024xf32>
    %reduce_min3A_151 = arith.constant dense<0x7F800000> : vector<256xf32>
    %reduce_min3A_152 = vector.multi_reduction <minimumf>, %select_n3A_150, %reduce_min3A_151 [1] : vector<256x1024xf32> to vector<256xf32>
    %broadcast_in_dim3A_153 = vector.shape_cast %reduce_min3A_152 : vector<256xf32> to vector<256x1xf32>
    %eq3A_154 = vector.broadcast %broadcast_in_dim3A_153 : vector<256x1xf32> to vector<256x1024xf32>
    %eq3A_155 = arith.cmpf oeq, %select_n3A_150, %eq3A_154 : vector<256x1024xf32>
    %jit3A_156 = arith.constant 1.024000e+03 : f32
    %broadcast_in_dim3A_157 = vector.broadcast %jit3A_156 : f32 to vector<256x1024xf32>
    %select_n3A_158 = arith.select %eq3A_155, %convert_element_type3A, %broadcast_in_dim3A_157 : vector<256x1024xi1>, vector<256x1024xf32>
    %reduce_min3A_159 = arith.constant dense<0x7F800000> : vector<256xf32>
    %reduce_min3A_160 = vector.multi_reduction <minimumf>, %select_n3A_158, %reduce_min3A_159 [1] : vector<256x1024xf32> to vector<256xf32>
    %broadcast_in_dim3A_161 = vector.shape_cast %reduce_min3A_160 : vector<256xf32> to vector<256x1xf32>
    %eq3A_162 = arith.constant 6 : i32
    %eq3A_163 = vector.broadcast %eq3A_162 : i32 to vector<256x32xi32>
    %eq3A_164 = arith.cmpi eq, %iota3A_21, %eq3A_163 : vector<256x32xi32>
    %broadcast_in_dim3A_165 = vector.shape_cast %broadcast_in_dim3A_161 : vector<256x1xf32> to vector<256x1xf32>
    %broadcast_in_dim3A_166 = vector.broadcast %broadcast_in_dim3A_165 : vector<256x1xf32> to vector<256x32xf32>
    %select_n3A_167 = arith.select %eq3A_164, %broadcast_in_dim3A_166, %select_n3A_145 : vector<256x32xi1>, vector<256x32xf32>
    %eq3A_168 = vector.broadcast %broadcast_in_dim3A_161 : vector<256x1xf32> to vector<256x1024xf32>
    %eq3A_169 = arith.cmpf oeq, %convert_element_type3A, %eq3A_168 : vector<256x1024xf32>
    %jit3A_170 = arith.constant 0x7F800000 : f32
    %broadcast_in_dim3A_171 = vector.broadcast %jit3A_170 : f32 to vector<256x1024xf32>
    %select_n3A_172 = arith.select %eq3A_169, %broadcast_in_dim3A_171, %select_n3A_150 : vector<256x1024xi1>, vector<256x1024xf32>
    %reduce_min3A_173 = arith.constant dense<0x7F800000> : vector<256xf32>
    %reduce_min3A_174 = vector.multi_reduction <minimumf>, %select_n3A_172, %reduce_min3A_173 [1] : vector<256x1024xf32> to vector<256xf32>
    %broadcast_in_dim3A_175 = vector.shape_cast %reduce_min3A_174 : vector<256xf32> to vector<256x1xf32>
    %eq3A_176 = vector.broadcast %broadcast_in_dim3A_175 : vector<256x1xf32> to vector<256x1024xf32>
    %eq3A_177 = arith.cmpf oeq, %select_n3A_172, %eq3A_176 : vector<256x1024xf32>
    %jit3A_178 = arith.constant 1.024000e+03 : f32
    %broadcast_in_dim3A_179 = vector.broadcast %jit3A_178 : f32 to vector<256x1024xf32>
    %select_n3A_180 = arith.select %eq3A_177, %convert_element_type3A, %broadcast_in_dim3A_179 : vector<256x1024xi1>, vector<256x1024xf32>
    %reduce_min3A_181 = arith.constant dense<0x7F800000> : vector<256xf32>
    %reduce_min3A_182 = vector.multi_reduction <minimumf>, %select_n3A_180, %reduce_min3A_181 [1] : vector<256x1024xf32> to vector<256xf32>
    %broadcast_in_dim3A_183 = vector.shape_cast %reduce_min3A_182 : vector<256xf32> to vector<256x1xf32>
    %eq3A_184 = arith.constant 7 : i32
    %eq3A_185 = vector.broadcast %eq3A_184 : i32 to vector<256x32xi32>
    %eq3A_186 = arith.cmpi eq, %iota3A_21, %eq3A_185 : vector<256x32xi32>
    %broadcast_in_dim3A_187 = vector.shape_cast %broadcast_in_dim3A_183 : vector<256x1xf32> to vector<256x1xf32>
    %broadcast_in_dim3A_188 = vector.broadcast %broadcast_in_dim3A_187 : vector<256x1xf32> to vector<256x32xf32>
    %select_n3A_189 = arith.select %eq3A_186, %broadcast_in_dim3A_188, %select_n3A_167 : vector<256x32xi1>, vector<256x32xf32>
    %eq3A_190 = vector.broadcast %broadcast_in_dim3A_183 : vector<256x1xf32> to vector<256x1024xf32>
    %eq3A_191 = arith.cmpf oeq, %convert_element_type3A, %eq3A_190 : vector<256x1024xf32>
    %jit3A_192 = arith.constant 0x7F800000 : f32
    %broadcast_in_dim3A_193 = vector.broadcast %jit3A_192 : f32 to vector<256x1024xf32>
    %select_n3A_194 = arith.select %eq3A_191, %broadcast_in_dim3A_193, %select_n3A_172 : vector<256x1024xi1>, vector<256x1024xf32>
    %reduce_min3A_195 = arith.constant dense<0x7F800000> : vector<256xf32>
    %reduce_min3A_196 = vector.multi_reduction <minimumf>, %select_n3A_194, %reduce_min3A_195 [1] : vector<256x1024xf32> to vector<256xf32>
    %broadcast_in_dim3A_197 = vector.shape_cast %reduce_min3A_196 : vector<256xf32> to vector<256x1xf32>
    %eq3A_198 = vector.broadcast %broadcast_in_dim3A_197 : vector<256x1xf32> to vector<256x1024xf32>
    %eq3A_199 = arith.cmpf oeq, %select_n3A_194, %eq3A_198 : vector<256x1024xf32>
    %jit3A_200 = arith.constant 1.024000e+03 : f32
    %broadcast_in_dim3A_201 = vector.broadcast %jit3A_200 : f32 to vector<256x1024xf32>
    %select_n3A_202 = arith.select %eq3A_199, %convert_element_type3A, %broadcast_in_dim3A_201 : vector<256x1024xi1>, vector<256x1024xf32>
    %reduce_min3A_203 = arith.constant dense<0x7F800000> : vector<256xf32>
    %reduce_min3A_204 = vector.multi_reduction <minimumf>, %select_n3A_202, %reduce_min3A_203 [1] : vector<256x1024xf32> to vector<256xf32>
    %broadcast_in_dim3A_205 = vector.shape_cast %reduce_min3A_204 : vector<256xf32> to vector<256x1xf32>
    %eq3A_206 = arith.constant 8 : i32
    %eq3A_207 = vector.broadcast %eq3A_206 : i32 to vector<256x32xi32>
    %eq3A_208 = arith.cmpi eq, %iota3A_21, %eq3A_207 : vector<256x32xi32>
    %broadcast_in_dim3A_209 = vector.shape_cast %broadcast_in_dim3A_205 : vector<256x1xf32> to vector<256x1xf32>
    %broadcast_in_dim3A_210 = vector.broadcast %broadcast_in_dim3A_209 : vector<256x1xf32> to vector<256x32xf32>
    %select_n3A_211 = arith.select %eq3A_208, %broadcast_in_dim3A_210, %select_n3A_189 : vector<256x32xi1>, vector<256x32xf32>
    %eq3A_212 = vector.broadcast %broadcast_in_dim3A_205 : vector<256x1xf32> to vector<256x1024xf32>
    %eq3A_213 = arith.cmpf oeq, %convert_element_type3A, %eq3A_212 : vector<256x1024xf32>
    %jit3A_214 = arith.constant 0x7F800000 : f32
    %broadcast_in_dim3A_215 = vector.broadcast %jit3A_214 : f32 to vector<256x1024xf32>
    %select_n3A_216 = arith.select %eq3A_213, %broadcast_in_dim3A_215, %select_n3A_194 : vector<256x1024xi1>, vector<256x1024xf32>
    %reduce_min3A_217 = arith.constant dense<0x7F800000> : vector<256xf32>
    %reduce_min3A_218 = vector.multi_reduction <minimumf>, %select_n3A_216, %reduce_min3A_217 [1] : vector<256x1024xf32> to vector<256xf32>
    %broadcast_in_dim3A_219 = vector.shape_cast %reduce_min3A_218 : vector<256xf32> to vector<256x1xf32>
    %eq3A_220 = vector.broadcast %broadcast_in_dim3A_219 : vector<256x1xf32> to vector<256x1024xf32>
    %eq3A_221 = arith.cmpf oeq, %select_n3A_216, %eq3A_220 : vector<256x1024xf32>
    %jit3A_222 = arith.constant 1.024000e+03 : f32
    %broadcast_in_dim3A_223 = vector.broadcast %jit3A_222 : f32 to vector<256x1024xf32>
    %select_n3A_224 = arith.select %eq3A_221, %convert_element_type3A, %broadcast_in_dim3A_223 : vector<256x1024xi1>, vector<256x1024xf32>
    %reduce_min3A_225 = arith.constant dense<0x7F800000> : vector<256xf32>
    %reduce_min3A_226 = vector.multi_reduction <minimumf>, %select_n3A_224, %reduce_min3A_225 [1] : vector<256x1024xf32> to vector<256xf32>
    %broadcast_in_dim3A_227 = vector.shape_cast %reduce_min3A_226 : vector<256xf32> to vector<256x1xf32>
    %eq3A_228 = arith.constant 9 : i32
    %eq3A_229 = vector.broadcast %eq3A_228 : i32 to vector<256x32xi32>
    %eq3A_230 = arith.cmpi eq, %iota3A_21, %eq3A_229 : vector<256x32xi32>
    %broadcast_in_dim3A_231 = vector.shape_cast %broadcast_in_dim3A_227 : vector<256x1xf32> to vector<256x1xf32>
    %broadcast_in_dim3A_232 = vector.broadcast %broadcast_in_dim3A_231 : vector<256x1xf32> to vector<256x32xf32>
    %select_n3A_233 = arith.select %eq3A_230, %broadcast_in_dim3A_232, %select_n3A_211 : vector<256x32xi1>, vector<256x32xf32>
    %eq3A_234 = vector.broadcast %broadcast_in_dim3A_227 : vector<256x1xf32> to vector<256x1024xf32>
    %eq3A_235 = arith.cmpf oeq, %convert_element_type3A, %eq3A_234 : vector<256x1024xf32>
    %jit3A_236 = arith.constant 0x7F800000 : f32
    %broadcast_in_dim3A_237 = vector.broadcast %jit3A_236 : f32 to vector<256x1024xf32>
    %select_n3A_238 = arith.select %eq3A_235, %broadcast_in_dim3A_237, %select_n3A_216 : vector<256x1024xi1>, vector<256x1024xf32>
    %reduce_min3A_239 = arith.constant dense<0x7F800000> : vector<256xf32>
    %reduce_min3A_240 = vector.multi_reduction <minimumf>, %select_n3A_238, %reduce_min3A_239 [1] : vector<256x1024xf32> to vector<256xf32>
    %broadcast_in_dim3A_241 = vector.shape_cast %reduce_min3A_240 : vector<256xf32> to vector<256x1xf32>
    %eq3A_242 = vector.broadcast %broadcast_in_dim3A_241 : vector<256x1xf32> to vector<256x1024xf32>
    %eq3A_243 = arith.cmpf oeq, %select_n3A_238, %eq3A_242 : vector<256x1024xf32>
    %jit3A_244 = arith.constant 1.024000e+03 : f32
    %broadcast_in_dim3A_245 = vector.broadcast %jit3A_244 : f32 to vector<256x1024xf32>
    %select_n3A_246 = arith.select %eq3A_243, %convert_element_type3A, %broadcast_in_dim3A_245 : vector<256x1024xi1>, vector<256x1024xf32>
    %reduce_min3A_247 = arith.constant dense<0x7F800000> : vector<256xf32>
    %reduce_min3A_248 = vector.multi_reduction <minimumf>, %select_n3A_246, %reduce_min3A_247 [1] : vector<256x1024xf32> to vector<256xf32>
    %broadcast_in_dim3A_249 = vector.shape_cast %reduce_min3A_248 : vector<256xf32> to vector<256x1xf32>
    %eq3A_250 = arith.constant 10 : i32
    %eq3A_251 = vector.broadcast %eq3A_250 : i32 to vector<256x32xi32>
    %eq3A_252 = arith.cmpi eq, %iota3A_21, %eq3A_251 : vector<256x32xi32>
    %broadcast_in_dim3A_253 = vector.shape_cast %broadcast_in_dim3A_249 : vector<256x1xf32> to vector<256x1xf32>
    %broadcast_in_dim3A_254 = vector.broadcast %broadcast_in_dim3A_253 : vector<256x1xf32> to vector<256x32xf32>
    %select_n3A_255 = arith.select %eq3A_252, %broadcast_in_dim3A_254, %select_n3A_233 : vector<256x32xi1>, vector<256x32xf32>
    %eq3A_256 = vector.broadcast %broadcast_in_dim3A_249 : vector<256x1xf32> to vector<256x1024xf32>
    %eq3A_257 = arith.cmpf oeq, %convert_element_type3A, %eq3A_256 : vector<256x1024xf32>
    %jit3A_258 = arith.constant 0x7F800000 : f32
    %broadcast_in_dim3A_259 = vector.broadcast %jit3A_258 : f32 to vector<256x1024xf32>
    %select_n3A_260 = arith.select %eq3A_257, %broadcast_in_dim3A_259, %select_n3A_238 : vector<256x1024xi1>, vector<256x1024xf32>
    %reduce_min3A_261 = arith.constant dense<0x7F800000> : vector<256xf32>
    %reduce_min3A_262 = vector.multi_reduction <minimumf>, %select_n3A_260, %reduce_min3A_261 [1] : vector<256x1024xf32> to vector<256xf32>
    %broadcast_in_dim3A_263 = vector.shape_cast %reduce_min3A_262 : vector<256xf32> to vector<256x1xf32>
    %eq3A_264 = vector.broadcast %broadcast_in_dim3A_263 : vector<256x1xf32> to vector<256x1024xf32>
    %eq3A_265 = arith.cmpf oeq, %select_n3A_260, %eq3A_264 : vector<256x1024xf32>
    %jit3A_266 = arith.constant 1.024000e+03 : f32
    %broadcast_in_dim3A_267 = vector.broadcast %jit3A_266 : f32 to vector<256x1024xf32>
    %select_n3A_268 = arith.select %eq3A_265, %convert_element_type3A, %broadcast_in_dim3A_267 : vector<256x1024xi1>, vector<256x1024xf32>
    %reduce_min3A_269 = arith.constant dense<0x7F800000> : vector<256xf32>
    %reduce_min3A_270 = vector.multi_reduction <minimumf>, %select_n3A_268, %reduce_min3A_269 [1] : vector<256x1024xf32> to vector<256xf32>
    %broadcast_in_dim3A_271 = vector.shape_cast %reduce_min3A_270 : vector<256xf32> to vector<256x1xf32>
    %eq3A_272 = arith.constant 11 : i32
    %eq3A_273 = vector.broadcast %eq3A_272 : i32 to vector<256x32xi32>
    %eq3A_274 = arith.cmpi eq, %iota3A_21, %eq3A_273 : vector<256x32xi32>
    %broadcast_in_dim3A_275 = vector.shape_cast %broadcast_in_dim3A_271 : vector<256x1xf32> to vector<256x1xf32>
    %broadcast_in_dim3A_276 = vector.broadcast %broadcast_in_dim3A_275 : vector<256x1xf32> to vector<256x32xf32>
    %select_n3A_277 = arith.select %eq3A_274, %broadcast_in_dim3A_276, %select_n3A_255 : vector<256x32xi1>, vector<256x32xf32>
    %eq3A_278 = vector.broadcast %broadcast_in_dim3A_271 : vector<256x1xf32> to vector<256x1024xf32>
    %eq3A_279 = arith.cmpf oeq, %convert_element_type3A, %eq3A_278 : vector<256x1024xf32>
    %jit3A_280 = arith.constant 0x7F800000 : f32
    %broadcast_in_dim3A_281 = vector.broadcast %jit3A_280 : f32 to vector<256x1024xf32>
    %select_n3A_282 = arith.select %eq3A_279, %broadcast_in_dim3A_281, %select_n3A_260 : vector<256x1024xi1>, vector<256x1024xf32>
    %reduce_min3A_283 = arith.constant dense<0x7F800000> : vector<256xf32>
    %reduce_min3A_284 = vector.multi_reduction <minimumf>, %select_n3A_282, %reduce_min3A_283 [1] : vector<256x1024xf32> to vector<256xf32>
    %broadcast_in_dim3A_285 = vector.shape_cast %reduce_min3A_284 : vector<256xf32> to vector<256x1xf32>
    %eq3A_286 = vector.broadcast %broadcast_in_dim3A_285 : vector<256x1xf32> to vector<256x1024xf32>
    %eq3A_287 = arith.cmpf oeq, %select_n3A_282, %eq3A_286 : vector<256x1024xf32>
    %jit3A_288 = arith.constant 1.024000e+03 : f32
    %broadcast_in_dim3A_289 = vector.broadcast %jit3A_288 : f32 to vector<256x1024xf32>
    %select_n3A_290 = arith.select %eq3A_287, %convert_element_type3A, %broadcast_in_dim3A_289 : vector<256x1024xi1>, vector<256x1024xf32>
    %reduce_min3A_291 = arith.constant dense<0x7F800000> : vector<256xf32>
    %reduce_min3A_292 = vector.multi_reduction <minimumf>, %select_n3A_290, %reduce_min3A_291 [1] : vector<256x1024xf32> to vector<256xf32>
    %broadcast_in_dim3A_293 = vector.shape_cast %reduce_min3A_292 : vector<256xf32> to vector<256x1xf32>
    %eq3A_294 = arith.constant 12 : i32
    %eq3A_295 = vector.broadcast %eq3A_294 : i32 to vector<256x32xi32>
    %eq3A_296 = arith.cmpi eq, %iota3A_21, %eq3A_295 : vector<256x32xi32>
    %broadcast_in_dim3A_297 = vector.shape_cast %broadcast_in_dim3A_293 : vector<256x1xf32> to vector<256x1xf32>
    %broadcast_in_dim3A_298 = vector.broadcast %broadcast_in_dim3A_297 : vector<256x1xf32> to vector<256x32xf32>
    %select_n3A_299 = arith.select %eq3A_296, %broadcast_in_dim3A_298, %select_n3A_277 : vector<256x32xi1>, vector<256x32xf32>
    %eq3A_300 = vector.broadcast %broadcast_in_dim3A_293 : vector<256x1xf32> to vector<256x1024xf32>
    %eq3A_301 = arith.cmpf oeq, %convert_element_type3A, %eq3A_300 : vector<256x1024xf32>
    %jit3A_302 = arith.constant 0x7F800000 : f32
    %broadcast_in_dim3A_303 = vector.broadcast %jit3A_302 : f32 to vector<256x1024xf32>
    %select_n3A_304 = arith.select %eq3A_301, %broadcast_in_dim3A_303, %select_n3A_282 : vector<256x1024xi1>, vector<256x1024xf32>
    %reduce_min3A_305 = arith.constant dense<0x7F800000> : vector<256xf32>
    %reduce_min3A_306 = vector.multi_reduction <minimumf>, %select_n3A_304, %reduce_min3A_305 [1] : vector<256x1024xf32> to vector<256xf32>
    %broadcast_in_dim3A_307 = vector.shape_cast %reduce_min3A_306 : vector<256xf32> to vector<256x1xf32>
    %eq3A_308 = vector.broadcast %broadcast_in_dim3A_307 : vector<256x1xf32> to vector<256x1024xf32>
    %eq3A_309 = arith.cmpf oeq, %select_n3A_304, %eq3A_308 : vector<256x1024xf32>
    %jit3A_310 = arith.constant 1.024000e+03 : f32
    %broadcast_in_dim3A_311 = vector.broadcast %jit3A_310 : f32 to vector<256x1024xf32>
    %select_n3A_312 = arith.select %eq3A_309, %convert_element_type3A, %broadcast_in_dim3A_311 : vector<256x1024xi1>, vector<256x1024xf32>
    %reduce_min3A_313 = arith.constant dense<0x7F800000> : vector<256xf32>
    %reduce_min3A_314 = vector.multi_reduction <minimumf>, %select_n3A_312, %reduce_min3A_313 [1] : vector<256x1024xf32> to vector<256xf32>
    %broadcast_in_dim3A_315 = vector.shape_cast %reduce_min3A_314 : vector<256xf32> to vector<256x1xf32>
    %eq3A_316 = arith.constant 13 : i32
    %eq3A_317 = vector.broadcast %eq3A_316 : i32 to vector<256x32xi32>
    %eq3A_318 = arith.cmpi eq, %iota3A_21, %eq3A_317 : vector<256x32xi32>
    %broadcast_in_dim3A_319 = vector.shape_cast %broadcast_in_dim3A_315 : vector<256x1xf32> to vector<256x1xf32>
    %broadcast_in_dim3A_320 = vector.broadcast %broadcast_in_dim3A_319 : vector<256x1xf32> to vector<256x32xf32>
    %select_n3A_321 = arith.select %eq3A_318, %broadcast_in_dim3A_320, %select_n3A_299 : vector<256x32xi1>, vector<256x32xf32>
    %eq3A_322 = vector.broadcast %broadcast_in_dim3A_315 : vector<256x1xf32> to vector<256x1024xf32>
    %eq3A_323 = arith.cmpf oeq, %convert_element_type3A, %eq3A_322 : vector<256x1024xf32>
    %jit3A_324 = arith.constant 0x7F800000 : f32
    %broadcast_in_dim3A_325 = vector.broadcast %jit3A_324 : f32 to vector<256x1024xf32>
    %select_n3A_326 = arith.select %eq3A_323, %broadcast_in_dim3A_325, %select_n3A_304 : vector<256x1024xi1>, vector<256x1024xf32>
    %reduce_min3A_327 = arith.constant dense<0x7F800000> : vector<256xf32>
    %reduce_min3A_328 = vector.multi_reduction <minimumf>, %select_n3A_326, %reduce_min3A_327 [1] : vector<256x1024xf32> to vector<256xf32>
    %broadcast_in_dim3A_329 = vector.shape_cast %reduce_min3A_328 : vector<256xf32> to vector<256x1xf32>
    %eq3A_330 = vector.broadcast %broadcast_in_dim3A_329 : vector<256x1xf32> to vector<256x1024xf32>
    %eq3A_331 = arith.cmpf oeq, %select_n3A_326, %eq3A_330 : vector<256x1024xf32>
    %jit3A_332 = arith.constant 1.024000e+03 : f32
    %broadcast_in_dim3A_333 = vector.broadcast %jit3A_332 : f32 to vector<256x1024xf32>
    %select_n3A_334 = arith.select %eq3A_331, %convert_element_type3A, %broadcast_in_dim3A_333 : vector<256x1024xi1>, vector<256x1024xf32>
    %reduce_min3A_335 = arith.constant dense<0x7F800000> : vector<256xf32>
    %reduce_min3A_336 = vector.multi_reduction <minimumf>, %select_n3A_334, %reduce_min3A_335 [1] : vector<256x1024xf32> to vector<256xf32>
    %broadcast_in_dim3A_337 = vector.shape_cast %reduce_min3A_336 : vector<256xf32> to vector<256x1xf32>
    %eq3A_338 = arith.constant 14 : i32
    %eq3A_339 = vector.broadcast %eq3A_338 : i32 to vector<256x32xi32>
    %eq3A_340 = arith.cmpi eq, %iota3A_21, %eq3A_339 : vector<256x32xi32>
    %broadcast_in_dim3A_341 = vector.shape_cast %broadcast_in_dim3A_337 : vector<256x1xf32> to vector<256x1xf32>
    %broadcast_in_dim3A_342 = vector.broadcast %broadcast_in_dim3A_341 : vector<256x1xf32> to vector<256x32xf32>
    %select_n3A_343 = arith.select %eq3A_340, %broadcast_in_dim3A_342, %select_n3A_321 : vector<256x32xi1>, vector<256x32xf32>
    %eq3A_344 = vector.broadcast %broadcast_in_dim3A_337 : vector<256x1xf32> to vector<256x1024xf32>
    %eq3A_345 = arith.cmpf oeq, %convert_element_type3A, %eq3A_344 : vector<256x1024xf32>
    %jit3A_346 = arith.constant 0x7F800000 : f32
    %broadcast_in_dim3A_347 = vector.broadcast %jit3A_346 : f32 to vector<256x1024xf32>
    %select_n3A_348 = arith.select %eq3A_345, %broadcast_in_dim3A_347, %select_n3A_326 : vector<256x1024xi1>, vector<256x1024xf32>
    %reduce_min3A_349 = arith.constant dense<0x7F800000> : vector<256xf32>
    %reduce_min3A_350 = vector.multi_reduction <minimumf>, %select_n3A_348, %reduce_min3A_349 [1] : vector<256x1024xf32> to vector<256xf32>
    %broadcast_in_dim3A_351 = vector.shape_cast %reduce_min3A_350 : vector<256xf32> to vector<256x1xf32>
    %eq3A_352 = vector.broadcast %broadcast_in_dim3A_351 : vector<256x1xf32> to vector<256x1024xf32>
    %eq3A_353 = arith.cmpf oeq, %select_n3A_348, %eq3A_352 : vector<256x1024xf32>
    %jit3A_354 = arith.constant 1.024000e+03 : f32
    %broadcast_in_dim3A_355 = vector.broadcast %jit3A_354 : f32 to vector<256x1024xf32>
    %select_n3A_356 = arith.select %eq3A_353, %convert_element_type3A, %broadcast_in_dim3A_355 : vector<256x1024xi1>, vector<256x1024xf32>
    %reduce_min3A_357 = arith.constant dense<0x7F800000> : vector<256xf32>
    %reduce_min3A_358 = vector.multi_reduction <minimumf>, %select_n3A_356, %reduce_min3A_357 [1] : vector<256x1024xf32> to vector<256xf32>
    %broadcast_in_dim3A_359 = vector.shape_cast %reduce_min3A_358 : vector<256xf32> to vector<256x1xf32>
    %eq3A_360 = arith.constant 15 : i32
    %eq3A_361 = vector.broadcast %eq3A_360 : i32 to vector<256x32xi32>
    %eq3A_362 = arith.cmpi eq, %iota3A_21, %eq3A_361 : vector<256x32xi32>
    %broadcast_in_dim3A_363 = vector.shape_cast %broadcast_in_dim3A_359 : vector<256x1xf32> to vector<256x1xf32>
    %broadcast_in_dim3A_364 = vector.broadcast %broadcast_in_dim3A_363 : vector<256x1xf32> to vector<256x32xf32>
    %select_n3A_365 = arith.select %eq3A_362, %broadcast_in_dim3A_364, %select_n3A_343 : vector<256x32xi1>, vector<256x32xf32>
    %eq3A_366 = vector.broadcast %broadcast_in_dim3A_359 : vector<256x1xf32> to vector<256x1024xf32>
    %eq3A_367 = arith.cmpf oeq, %convert_element_type3A, %eq3A_366 : vector<256x1024xf32>
    %jit3A_368 = arith.constant 0x7F800000 : f32
    %broadcast_in_dim3A_369 = vector.broadcast %jit3A_368 : f32 to vector<256x1024xf32>
    %select_n3A_370 = arith.select %eq3A_367, %broadcast_in_dim3A_369, %select_n3A_348 : vector<256x1024xi1>, vector<256x1024xf32>
    %reduce_min3A_371 = arith.constant dense<0x7F800000> : vector<256xf32>
    %reduce_min3A_372 = vector.multi_reduction <minimumf>, %select_n3A_370, %reduce_min3A_371 [1] : vector<256x1024xf32> to vector<256xf32>
    %broadcast_in_dim3A_373 = vector.shape_cast %reduce_min3A_372 : vector<256xf32> to vector<256x1xf32>
    %eq3A_374 = vector.broadcast %broadcast_in_dim3A_373 : vector<256x1xf32> to vector<256x1024xf32>
    %eq3A_375 = arith.cmpf oeq, %select_n3A_370, %eq3A_374 : vector<256x1024xf32>
    %jit3A_376 = arith.constant 1.024000e+03 : f32
    %broadcast_in_dim3A_377 = vector.broadcast %jit3A_376 : f32 to vector<256x1024xf32>
    %select_n3A_378 = arith.select %eq3A_375, %convert_element_type3A, %broadcast_in_dim3A_377 : vector<256x1024xi1>, vector<256x1024xf32>
    %reduce_min3A_379 = arith.constant dense<0x7F800000> : vector<256xf32>
    %reduce_min3A_380 = vector.multi_reduction <minimumf>, %select_n3A_378, %reduce_min3A_379 [1] : vector<256x1024xf32> to vector<256xf32>
    %broadcast_in_dim3A_381 = vector.shape_cast %reduce_min3A_380 : vector<256xf32> to vector<256x1xf32>
    %eq3A_382 = arith.constant 16 : i32
    %eq3A_383 = vector.broadcast %eq3A_382 : i32 to vector<256x32xi32>
    %eq3A_384 = arith.cmpi eq, %iota3A_21, %eq3A_383 : vector<256x32xi32>
    %broadcast_in_dim3A_385 = vector.shape_cast %broadcast_in_dim3A_381 : vector<256x1xf32> to vector<256x1xf32>
    %broadcast_in_dim3A_386 = vector.broadcast %broadcast_in_dim3A_385 : vector<256x1xf32> to vector<256x32xf32>
    %select_n3A_387 = arith.select %eq3A_384, %broadcast_in_dim3A_386, %select_n3A_365 : vector<256x32xi1>, vector<256x32xf32>
    %eq3A_388 = vector.broadcast %broadcast_in_dim3A_381 : vector<256x1xf32> to vector<256x1024xf32>
    %eq3A_389 = arith.cmpf oeq, %convert_element_type3A, %eq3A_388 : vector<256x1024xf32>
    %jit3A_390 = arith.constant 0x7F800000 : f32
    %broadcast_in_dim3A_391 = vector.broadcast %jit3A_390 : f32 to vector<256x1024xf32>
    %select_n3A_392 = arith.select %eq3A_389, %broadcast_in_dim3A_391, %select_n3A_370 : vector<256x1024xi1>, vector<256x1024xf32>
    %reduce_min3A_393 = arith.constant dense<0x7F800000> : vector<256xf32>
    %reduce_min3A_394 = vector.multi_reduction <minimumf>, %select_n3A_392, %reduce_min3A_393 [1] : vector<256x1024xf32> to vector<256xf32>
    %broadcast_in_dim3A_395 = vector.shape_cast %reduce_min3A_394 : vector<256xf32> to vector<256x1xf32>
    %eq3A_396 = vector.broadcast %broadcast_in_dim3A_395 : vector<256x1xf32> to vector<256x1024xf32>
    %eq3A_397 = arith.cmpf oeq, %select_n3A_392, %eq3A_396 : vector<256x1024xf32>
    %jit3A_398 = arith.constant 1.024000e+03 : f32
    %broadcast_in_dim3A_399 = vector.broadcast %jit3A_398 : f32 to vector<256x1024xf32>
    %select_n3A_400 = arith.select %eq3A_397, %convert_element_type3A, %broadcast_in_dim3A_399 : vector<256x1024xi1>, vector<256x1024xf32>
    %reduce_min3A_401 = arith.constant dense<0x7F800000> : vector<256xf32>
    %reduce_min3A_402 = vector.multi_reduction <minimumf>, %select_n3A_400, %reduce_min3A_401 [1] : vector<256x1024xf32> to vector<256xf32>
    %broadcast_in_dim3A_403 = vector.shape_cast %reduce_min3A_402 : vector<256xf32> to vector<256x1xf32>
    %eq3A_404 = arith.constant 17 : i32
    %eq3A_405 = vector.broadcast %eq3A_404 : i32 to vector<256x32xi32>
    %eq3A_406 = arith.cmpi eq, %iota3A_21, %eq3A_405 : vector<256x32xi32>
    %broadcast_in_dim3A_407 = vector.shape_cast %broadcast_in_dim3A_403 : vector<256x1xf32> to vector<256x1xf32>
    %broadcast_in_dim3A_408 = vector.broadcast %broadcast_in_dim3A_407 : vector<256x1xf32> to vector<256x32xf32>
    %select_n3A_409 = arith.select %eq3A_406, %broadcast_in_dim3A_408, %select_n3A_387 : vector<256x32xi1>, vector<256x32xf32>
    %eq3A_410 = vector.broadcast %broadcast_in_dim3A_403 : vector<256x1xf32> to vector<256x1024xf32>
    %eq3A_411 = arith.cmpf oeq, %convert_element_type3A, %eq3A_410 : vector<256x1024xf32>
    %jit3A_412 = arith.constant 0x7F800000 : f32
    %broadcast_in_dim3A_413 = vector.broadcast %jit3A_412 : f32 to vector<256x1024xf32>
    %select_n3A_414 = arith.select %eq3A_411, %broadcast_in_dim3A_413, %select_n3A_392 : vector<256x1024xi1>, vector<256x1024xf32>
    %reduce_min3A_415 = arith.constant dense<0x7F800000> : vector<256xf32>
    %reduce_min3A_416 = vector.multi_reduction <minimumf>, %select_n3A_414, %reduce_min3A_415 [1] : vector<256x1024xf32> to vector<256xf32>
    %broadcast_in_dim3A_417 = vector.shape_cast %reduce_min3A_416 : vector<256xf32> to vector<256x1xf32>
    %eq3A_418 = vector.broadcast %broadcast_in_dim3A_417 : vector<256x1xf32> to vector<256x1024xf32>
    %eq3A_419 = arith.cmpf oeq, %select_n3A_414, %eq3A_418 : vector<256x1024xf32>
    %jit3A_420 = arith.constant 1.024000e+03 : f32
    %broadcast_in_dim3A_421 = vector.broadcast %jit3A_420 : f32 to vector<256x1024xf32>
    %select_n3A_422 = arith.select %eq3A_419, %convert_element_type3A, %broadcast_in_dim3A_421 : vector<256x1024xi1>, vector<256x1024xf32>
    %reduce_min3A_423 = arith.constant dense<0x7F800000> : vector<256xf32>
    %reduce_min3A_424 = vector.multi_reduction <minimumf>, %select_n3A_422, %reduce_min3A_423 [1] : vector<256x1024xf32> to vector<256xf32>
    %broadcast_in_dim3A_425 = vector.shape_cast %reduce_min3A_424 : vector<256xf32> to vector<256x1xf32>
    %eq3A_426 = arith.constant 18 : i32
    %eq3A_427 = vector.broadcast %eq3A_426 : i32 to vector<256x32xi32>
    %eq3A_428 = arith.cmpi eq, %iota3A_21, %eq3A_427 : vector<256x32xi32>
    %broadcast_in_dim3A_429 = vector.shape_cast %broadcast_in_dim3A_425 : vector<256x1xf32> to vector<256x1xf32>
    %broadcast_in_dim3A_430 = vector.broadcast %broadcast_in_dim3A_429 : vector<256x1xf32> to vector<256x32xf32>
    %select_n3A_431 = arith.select %eq3A_428, %broadcast_in_dim3A_430, %select_n3A_409 : vector<256x32xi1>, vector<256x32xf32>
    %eq3A_432 = vector.broadcast %broadcast_in_dim3A_425 : vector<256x1xf32> to vector<256x1024xf32>
    %eq3A_433 = arith.cmpf oeq, %convert_element_type3A, %eq3A_432 : vector<256x1024xf32>
    %jit3A_434 = arith.constant 0x7F800000 : f32
    %broadcast_in_dim3A_435 = vector.broadcast %jit3A_434 : f32 to vector<256x1024xf32>
    %select_n3A_436 = arith.select %eq3A_433, %broadcast_in_dim3A_435, %select_n3A_414 : vector<256x1024xi1>, vector<256x1024xf32>
    %reduce_min3A_437 = arith.constant dense<0x7F800000> : vector<256xf32>
    %reduce_min3A_438 = vector.multi_reduction <minimumf>, %select_n3A_436, %reduce_min3A_437 [1] : vector<256x1024xf32> to vector<256xf32>
    %broadcast_in_dim3A_439 = vector.shape_cast %reduce_min3A_438 : vector<256xf32> to vector<256x1xf32>
    %eq3A_440 = vector.broadcast %broadcast_in_dim3A_439 : vector<256x1xf32> to vector<256x1024xf32>
    %eq3A_441 = arith.cmpf oeq, %select_n3A_436, %eq3A_440 : vector<256x1024xf32>
    %jit3A_442 = arith.constant 1.024000e+03 : f32
    %broadcast_in_dim3A_443 = vector.broadcast %jit3A_442 : f32 to vector<256x1024xf32>
    %select_n3A_444 = arith.select %eq3A_441, %convert_element_type3A, %broadcast_in_dim3A_443 : vector<256x1024xi1>, vector<256x1024xf32>
    %reduce_min3A_445 = arith.constant dense<0x7F800000> : vector<256xf32>
    %reduce_min3A_446 = vector.multi_reduction <minimumf>, %select_n3A_444, %reduce_min3A_445 [1] : vector<256x1024xf32> to vector<256xf32>
    %broadcast_in_dim3A_447 = vector.shape_cast %reduce_min3A_446 : vector<256xf32> to vector<256x1xf32>
    %eq3A_448 = arith.constant 19 : i32
    %eq3A_449 = vector.broadcast %eq3A_448 : i32 to vector<256x32xi32>
    %eq3A_450 = arith.cmpi eq, %iota3A_21, %eq3A_449 : vector<256x32xi32>
    %broadcast_in_dim3A_451 = vector.shape_cast %broadcast_in_dim3A_447 : vector<256x1xf32> to vector<256x1xf32>
    %broadcast_in_dim3A_452 = vector.broadcast %broadcast_in_dim3A_451 : vector<256x1xf32> to vector<256x32xf32>
    %select_n3A_453 = arith.select %eq3A_450, %broadcast_in_dim3A_452, %select_n3A_431 : vector<256x32xi1>, vector<256x32xf32>
    %eq3A_454 = vector.broadcast %broadcast_in_dim3A_447 : vector<256x1xf32> to vector<256x1024xf32>
    %eq3A_455 = arith.cmpf oeq, %convert_element_type3A, %eq3A_454 : vector<256x1024xf32>
    %jit3A_456 = arith.constant 0x7F800000 : f32
    %broadcast_in_dim3A_457 = vector.broadcast %jit3A_456 : f32 to vector<256x1024xf32>
    %select_n3A_458 = arith.select %eq3A_455, %broadcast_in_dim3A_457, %select_n3A_436 : vector<256x1024xi1>, vector<256x1024xf32>
    %reduce_min3A_459 = arith.constant dense<0x7F800000> : vector<256xf32>
    %reduce_min3A_460 = vector.multi_reduction <minimumf>, %select_n3A_458, %reduce_min3A_459 [1] : vector<256x1024xf32> to vector<256xf32>
    %broadcast_in_dim3A_461 = vector.shape_cast %reduce_min3A_460 : vector<256xf32> to vector<256x1xf32>
    %eq3A_462 = vector.broadcast %broadcast_in_dim3A_461 : vector<256x1xf32> to vector<256x1024xf32>
    %eq3A_463 = arith.cmpf oeq, %select_n3A_458, %eq3A_462 : vector<256x1024xf32>
    %jit3A_464 = arith.constant 1.024000e+03 : f32
    %broadcast_in_dim3A_465 = vector.broadcast %jit3A_464 : f32 to vector<256x1024xf32>
    %select_n3A_466 = arith.select %eq3A_463, %convert_element_type3A, %broadcast_in_dim3A_465 : vector<256x1024xi1>, vector<256x1024xf32>
    %reduce_min3A_467 = arith.constant dense<0x7F800000> : vector<256xf32>
    %reduce_min3A_468 = vector.multi_reduction <minimumf>, %select_n3A_466, %reduce_min3A_467 [1] : vector<256x1024xf32> to vector<256xf32>
    %broadcast_in_dim3A_469 = vector.shape_cast %reduce_min3A_468 : vector<256xf32> to vector<256x1xf32>
    %eq3A_470 = arith.constant 20 : i32
    %eq3A_471 = vector.broadcast %eq3A_470 : i32 to vector<256x32xi32>
    %eq3A_472 = arith.cmpi eq, %iota3A_21, %eq3A_471 : vector<256x32xi32>
    %broadcast_in_dim3A_473 = vector.shape_cast %broadcast_in_dim3A_469 : vector<256x1xf32> to vector<256x1xf32>
    %broadcast_in_dim3A_474 = vector.broadcast %broadcast_in_dim3A_473 : vector<256x1xf32> to vector<256x32xf32>
    %select_n3A_475 = arith.select %eq3A_472, %broadcast_in_dim3A_474, %select_n3A_453 : vector<256x32xi1>, vector<256x32xf32>
    %eq3A_476 = vector.broadcast %broadcast_in_dim3A_469 : vector<256x1xf32> to vector<256x1024xf32>
    %eq3A_477 = arith.cmpf oeq, %convert_element_type3A, %eq3A_476 : vector<256x1024xf32>
    %jit3A_478 = arith.constant 0x7F800000 : f32
    %broadcast_in_dim3A_479 = vector.broadcast %jit3A_478 : f32 to vector<256x1024xf32>
    %select_n3A_480 = arith.select %eq3A_477, %broadcast_in_dim3A_479, %select_n3A_458 : vector<256x1024xi1>, vector<256x1024xf32>
    %reduce_min3A_481 = arith.constant dense<0x7F800000> : vector<256xf32>
    %reduce_min3A_482 = vector.multi_reduction <minimumf>, %select_n3A_480, %reduce_min3A_481 [1] : vector<256x1024xf32> to vector<256xf32>
    %broadcast_in_dim3A_483 = vector.shape_cast %reduce_min3A_482 : vector<256xf32> to vector<256x1xf32>
    %eq3A_484 = vector.broadcast %broadcast_in_dim3A_483 : vector<256x1xf32> to vector<256x1024xf32>
    %eq3A_485 = arith.cmpf oeq, %select_n3A_480, %eq3A_484 : vector<256x1024xf32>
    %jit3A_486 = arith.constant 1.024000e+03 : f32
    %broadcast_in_dim3A_487 = vector.broadcast %jit3A_486 : f32 to vector<256x1024xf32>
    %select_n3A_488 = arith.select %eq3A_485, %convert_element_type3A, %broadcast_in_dim3A_487 : vector<256x1024xi1>, vector<256x1024xf32>
    %reduce_min3A_489 = arith.constant dense<0x7F800000> : vector<256xf32>
    %reduce_min3A_490 = vector.multi_reduction <minimumf>, %select_n3A_488, %reduce_min3A_489 [1] : vector<256x1024xf32> to vector<256xf32>
    %broadcast_in_dim3A_491 = vector.shape_cast %reduce_min3A_490 : vector<256xf32> to vector<256x1xf32>
    %eq3A_492 = arith.constant 21 : i32
    %eq3A_493 = vector.broadcast %eq3A_492 : i32 to vector<256x32xi32>
    %eq3A_494 = arith.cmpi eq, %iota3A_21, %eq3A_493 : vector<256x32xi32>
    %broadcast_in_dim3A_495 = vector.shape_cast %broadcast_in_dim3A_491 : vector<256x1xf32> to vector<256x1xf32>
    %broadcast_in_dim3A_496 = vector.broadcast %broadcast_in_dim3A_495 : vector<256x1xf32> to vector<256x32xf32>
    %select_n3A_497 = arith.select %eq3A_494, %broadcast_in_dim3A_496, %select_n3A_475 : vector<256x32xi1>, vector<256x32xf32>
    %eq3A_498 = vector.broadcast %broadcast_in_dim3A_491 : vector<256x1xf32> to vector<256x1024xf32>
    %eq3A_499 = arith.cmpf oeq, %convert_element_type3A, %eq3A_498 : vector<256x1024xf32>
    %jit3A_500 = arith.constant 0x7F800000 : f32
    %broadcast_in_dim3A_501 = vector.broadcast %jit3A_500 : f32 to vector<256x1024xf32>
    %select_n3A_502 = arith.select %eq3A_499, %broadcast_in_dim3A_501, %select_n3A_480 : vector<256x1024xi1>, vector<256x1024xf32>
    %reduce_min3A_503 = arith.constant dense<0x7F800000> : vector<256xf32>
    %reduce_min3A_504 = vector.multi_reduction <minimumf>, %select_n3A_502, %reduce_min3A_503 [1] : vector<256x1024xf32> to vector<256xf32>
    %broadcast_in_dim3A_505 = vector.shape_cast %reduce_min3A_504 : vector<256xf32> to vector<256x1xf32>
    %eq3A_506 = vector.broadcast %broadcast_in_dim3A_505 : vector<256x1xf32> to vector<256x1024xf32>
    %eq3A_507 = arith.cmpf oeq, %select_n3A_502, %eq3A_506 : vector<256x1024xf32>
    %jit3A_508 = arith.constant 1.024000e+03 : f32
    %broadcast_in_dim3A_509 = vector.broadcast %jit3A_508 : f32 to vector<256x1024xf32>
    %select_n3A_510 = arith.select %eq3A_507, %convert_element_type3A, %broadcast_in_dim3A_509 : vector<256x1024xi1>, vector<256x1024xf32>
    %reduce_min3A_511 = arith.constant dense<0x7F800000> : vector<256xf32>
    %reduce_min3A_512 = vector.multi_reduction <minimumf>, %select_n3A_510, %reduce_min3A_511 [1] : vector<256x1024xf32> to vector<256xf32>
    %broadcast_in_dim3A_513 = vector.shape_cast %reduce_min3A_512 : vector<256xf32> to vector<256x1xf32>
    %eq3A_514 = arith.constant 22 : i32
    %eq3A_515 = vector.broadcast %eq3A_514 : i32 to vector<256x32xi32>
    %eq3A_516 = arith.cmpi eq, %iota3A_21, %eq3A_515 : vector<256x32xi32>
    %broadcast_in_dim3A_517 = vector.shape_cast %broadcast_in_dim3A_513 : vector<256x1xf32> to vector<256x1xf32>
    %broadcast_in_dim3A_518 = vector.broadcast %broadcast_in_dim3A_517 : vector<256x1xf32> to vector<256x32xf32>
    %select_n3A_519 = arith.select %eq3A_516, %broadcast_in_dim3A_518, %select_n3A_497 : vector<256x32xi1>, vector<256x32xf32>
    %eq3A_520 = vector.broadcast %broadcast_in_dim3A_513 : vector<256x1xf32> to vector<256x1024xf32>
    %eq3A_521 = arith.cmpf oeq, %convert_element_type3A, %eq3A_520 : vector<256x1024xf32>
    %jit3A_522 = arith.constant 0x7F800000 : f32
    %broadcast_in_dim3A_523 = vector.broadcast %jit3A_522 : f32 to vector<256x1024xf32>
    %select_n3A_524 = arith.select %eq3A_521, %broadcast_in_dim3A_523, %select_n3A_502 : vector<256x1024xi1>, vector<256x1024xf32>
    %reduce_min3A_525 = arith.constant dense<0x7F800000> : vector<256xf32>
    %reduce_min3A_526 = vector.multi_reduction <minimumf>, %select_n3A_524, %reduce_min3A_525 [1] : vector<256x1024xf32> to vector<256xf32>
    %broadcast_in_dim3A_527 = vector.shape_cast %reduce_min3A_526 : vector<256xf32> to vector<256x1xf32>
    %eq3A_528 = vector.broadcast %broadcast_in_dim3A_527 : vector<256x1xf32> to vector<256x1024xf32>
    %eq3A_529 = arith.cmpf oeq, %select_n3A_524, %eq3A_528 : vector<256x1024xf32>
    %jit3A_530 = arith.constant 1.024000e+03 : f32
    %broadcast_in_dim3A_531 = vector.broadcast %jit3A_530 : f32 to vector<256x1024xf32>
    %select_n3A_532 = arith.select %eq3A_529, %convert_element_type3A, %broadcast_in_dim3A_531 : vector<256x1024xi1>, vector<256x1024xf32>
    %reduce_min3A_533 = arith.constant dense<0x7F800000> : vector<256xf32>
    %reduce_min3A_534 = vector.multi_reduction <minimumf>, %select_n3A_532, %reduce_min3A_533 [1] : vector<256x1024xf32> to vector<256xf32>
    %broadcast_in_dim3A_535 = vector.shape_cast %reduce_min3A_534 : vector<256xf32> to vector<256x1xf32>
    %eq3A_536 = arith.constant 23 : i32
    %eq3A_537 = vector.broadcast %eq3A_536 : i32 to vector<256x32xi32>
    %eq3A_538 = arith.cmpi eq, %iota3A_21, %eq3A_537 : vector<256x32xi32>
    %broadcast_in_dim3A_539 = vector.shape_cast %broadcast_in_dim3A_535 : vector<256x1xf32> to vector<256x1xf32>
    %broadcast_in_dim3A_540 = vector.broadcast %broadcast_in_dim3A_539 : vector<256x1xf32> to vector<256x32xf32>
    %select_n3A_541 = arith.select %eq3A_538, %broadcast_in_dim3A_540, %select_n3A_519 : vector<256x32xi1>, vector<256x32xf32>
    %eq3A_542 = vector.broadcast %broadcast_in_dim3A_535 : vector<256x1xf32> to vector<256x1024xf32>
    %eq3A_543 = arith.cmpf oeq, %convert_element_type3A, %eq3A_542 : vector<256x1024xf32>
    %jit3A_544 = arith.constant 0x7F800000 : f32
    %broadcast_in_dim3A_545 = vector.broadcast %jit3A_544 : f32 to vector<256x1024xf32>
    %select_n3A_546 = arith.select %eq3A_543, %broadcast_in_dim3A_545, %select_n3A_524 : vector<256x1024xi1>, vector<256x1024xf32>
    %reduce_min3A_547 = arith.constant dense<0x7F800000> : vector<256xf32>
    %reduce_min3A_548 = vector.multi_reduction <minimumf>, %select_n3A_546, %reduce_min3A_547 [1] : vector<256x1024xf32> to vector<256xf32>
    %broadcast_in_dim3A_549 = vector.shape_cast %reduce_min3A_548 : vector<256xf32> to vector<256x1xf32>
    %eq3A_550 = vector.broadcast %broadcast_in_dim3A_549 : vector<256x1xf32> to vector<256x1024xf32>
    %eq3A_551 = arith.cmpf oeq, %select_n3A_546, %eq3A_550 : vector<256x1024xf32>
    %jit3A_552 = arith.constant 1.024000e+03 : f32
    %broadcast_in_dim3A_553 = vector.broadcast %jit3A_552 : f32 to vector<256x1024xf32>
    %select_n3A_554 = arith.select %eq3A_551, %convert_element_type3A, %broadcast_in_dim3A_553 : vector<256x1024xi1>, vector<256x1024xf32>
    %reduce_min3A_555 = arith.constant dense<0x7F800000> : vector<256xf32>
    %reduce_min3A_556 = vector.multi_reduction <minimumf>, %select_n3A_554, %reduce_min3A_555 [1] : vector<256x1024xf32> to vector<256xf32>
    %broadcast_in_dim3A_557 = vector.shape_cast %reduce_min3A_556 : vector<256xf32> to vector<256x1xf32>
    %eq3A_558 = arith.constant 24 : i32
    %eq3A_559 = vector.broadcast %eq3A_558 : i32 to vector<256x32xi32>
    %eq3A_560 = arith.cmpi eq, %iota3A_21, %eq3A_559 : vector<256x32xi32>
    %broadcast_in_dim3A_561 = vector.shape_cast %broadcast_in_dim3A_557 : vector<256x1xf32> to vector<256x1xf32>
    %broadcast_in_dim3A_562 = vector.broadcast %broadcast_in_dim3A_561 : vector<256x1xf32> to vector<256x32xf32>
    %select_n3A_563 = arith.select %eq3A_560, %broadcast_in_dim3A_562, %select_n3A_541 : vector<256x32xi1>, vector<256x32xf32>
    %eq3A_564 = vector.broadcast %broadcast_in_dim3A_557 : vector<256x1xf32> to vector<256x1024xf32>
    %eq3A_565 = arith.cmpf oeq, %convert_element_type3A, %eq3A_564 : vector<256x1024xf32>
    %jit3A_566 = arith.constant 0x7F800000 : f32
    %broadcast_in_dim3A_567 = vector.broadcast %jit3A_566 : f32 to vector<256x1024xf32>
    %select_n3A_568 = arith.select %eq3A_565, %broadcast_in_dim3A_567, %select_n3A_546 : vector<256x1024xi1>, vector<256x1024xf32>
    %reduce_min3A_569 = arith.constant dense<0x7F800000> : vector<256xf32>
    %reduce_min3A_570 = vector.multi_reduction <minimumf>, %select_n3A_568, %reduce_min3A_569 [1] : vector<256x1024xf32> to vector<256xf32>
    %broadcast_in_dim3A_571 = vector.shape_cast %reduce_min3A_570 : vector<256xf32> to vector<256x1xf32>
    %eq3A_572 = vector.broadcast %broadcast_in_dim3A_571 : vector<256x1xf32> to vector<256x1024xf32>
    %eq3A_573 = arith.cmpf oeq, %select_n3A_568, %eq3A_572 : vector<256x1024xf32>
    %jit3A_574 = arith.constant 1.024000e+03 : f32
    %broadcast_in_dim3A_575 = vector.broadcast %jit3A_574 : f32 to vector<256x1024xf32>
    %select_n3A_576 = arith.select %eq3A_573, %convert_element_type3A, %broadcast_in_dim3A_575 : vector<256x1024xi1>, vector<256x1024xf32>
    %reduce_min3A_577 = arith.constant dense<0x7F800000> : vector<256xf32>
    %reduce_min3A_578 = vector.multi_reduction <minimumf>, %select_n3A_576, %reduce_min3A_577 [1] : vector<256x1024xf32> to vector<256xf32>
    %broadcast_in_dim3A_579 = vector.shape_cast %reduce_min3A_578 : vector<256xf32> to vector<256x1xf32>
    %eq3A_580 = arith.constant 25 : i32
    %eq3A_581 = vector.broadcast %eq3A_580 : i32 to vector<256x32xi32>
    %eq3A_582 = arith.cmpi eq, %iota3A_21, %eq3A_581 : vector<256x32xi32>
    %broadcast_in_dim3A_583 = vector.shape_cast %broadcast_in_dim3A_579 : vector<256x1xf32> to vector<256x1xf32>
    %broadcast_in_dim3A_584 = vector.broadcast %broadcast_in_dim3A_583 : vector<256x1xf32> to vector<256x32xf32>
    %select_n3A_585 = arith.select %eq3A_582, %broadcast_in_dim3A_584, %select_n3A_563 : vector<256x32xi1>, vector<256x32xf32>
    %eq3A_586 = vector.broadcast %broadcast_in_dim3A_579 : vector<256x1xf32> to vector<256x1024xf32>
    %eq3A_587 = arith.cmpf oeq, %convert_element_type3A, %eq3A_586 : vector<256x1024xf32>
    %jit3A_588 = arith.constant 0x7F800000 : f32
    %broadcast_in_dim3A_589 = vector.broadcast %jit3A_588 : f32 to vector<256x1024xf32>
    %select_n3A_590 = arith.select %eq3A_587, %broadcast_in_dim3A_589, %select_n3A_568 : vector<256x1024xi1>, vector<256x1024xf32>
    %reduce_min3A_591 = arith.constant dense<0x7F800000> : vector<256xf32>
    %reduce_min3A_592 = vector.multi_reduction <minimumf>, %select_n3A_590, %reduce_min3A_591 [1] : vector<256x1024xf32> to vector<256xf32>
    %broadcast_in_dim3A_593 = vector.shape_cast %reduce_min3A_592 : vector<256xf32> to vector<256x1xf32>
    %eq3A_594 = vector.broadcast %broadcast_in_dim3A_593 : vector<256x1xf32> to vector<256x1024xf32>
    %eq3A_595 = arith.cmpf oeq, %select_n3A_590, %eq3A_594 : vector<256x1024xf32>
    %jit3A_596 = arith.constant 1.024000e+03 : f32
    %broadcast_in_dim3A_597 = vector.broadcast %jit3A_596 : f32 to vector<256x1024xf32>
    %select_n3A_598 = arith.select %eq3A_595, %convert_element_type3A, %broadcast_in_dim3A_597 : vector<256x1024xi1>, vector<256x1024xf32>
    %reduce_min3A_599 = arith.constant dense<0x7F800000> : vector<256xf32>
    %reduce_min3A_600 = vector.multi_reduction <minimumf>, %select_n3A_598, %reduce_min3A_599 [1] : vector<256x1024xf32> to vector<256xf32>
    %broadcast_in_dim3A_601 = vector.shape_cast %reduce_min3A_600 : vector<256xf32> to vector<256x1xf32>
    %eq3A_602 = arith.constant 26 : i32
    %eq3A_603 = vector.broadcast %eq3A_602 : i32 to vector<256x32xi32>
    %eq3A_604 = arith.cmpi eq, %iota3A_21, %eq3A_603 : vector<256x32xi32>
    %broadcast_in_dim3A_605 = vector.shape_cast %broadcast_in_dim3A_601 : vector<256x1xf32> to vector<256x1xf32>
    %broadcast_in_dim3A_606 = vector.broadcast %broadcast_in_dim3A_605 : vector<256x1xf32> to vector<256x32xf32>
    %select_n3A_607 = arith.select %eq3A_604, %broadcast_in_dim3A_606, %select_n3A_585 : vector<256x32xi1>, vector<256x32xf32>
    %eq3A_608 = vector.broadcast %broadcast_in_dim3A_601 : vector<256x1xf32> to vector<256x1024xf32>
    %eq3A_609 = arith.cmpf oeq, %convert_element_type3A, %eq3A_608 : vector<256x1024xf32>
    %jit3A_610 = arith.constant 0x7F800000 : f32
    %broadcast_in_dim3A_611 = vector.broadcast %jit3A_610 : f32 to vector<256x1024xf32>
    %select_n3A_612 = arith.select %eq3A_609, %broadcast_in_dim3A_611, %select_n3A_590 : vector<256x1024xi1>, vector<256x1024xf32>
    %reduce_min3A_613 = arith.constant dense<0x7F800000> : vector<256xf32>
    %reduce_min3A_614 = vector.multi_reduction <minimumf>, %select_n3A_612, %reduce_min3A_613 [1] : vector<256x1024xf32> to vector<256xf32>
    %broadcast_in_dim3A_615 = vector.shape_cast %reduce_min3A_614 : vector<256xf32> to vector<256x1xf32>
    %eq3A_616 = vector.broadcast %broadcast_in_dim3A_615 : vector<256x1xf32> to vector<256x1024xf32>
    %eq3A_617 = arith.cmpf oeq, %select_n3A_612, %eq3A_616 : vector<256x1024xf32>
    %jit3A_618 = arith.constant 1.024000e+03 : f32
    %broadcast_in_dim3A_619 = vector.broadcast %jit3A_618 : f32 to vector<256x1024xf32>
    %select_n3A_620 = arith.select %eq3A_617, %convert_element_type3A, %broadcast_in_dim3A_619 : vector<256x1024xi1>, vector<256x1024xf32>
    %reduce_min3A_621 = arith.constant dense<0x7F800000> : vector<256xf32>
    %reduce_min3A_622 = vector.multi_reduction <minimumf>, %select_n3A_620, %reduce_min3A_621 [1] : vector<256x1024xf32> to vector<256xf32>
    %broadcast_in_dim3A_623 = vector.shape_cast %reduce_min3A_622 : vector<256xf32> to vector<256x1xf32>
    %eq3A_624 = arith.constant 27 : i32
    %eq3A_625 = vector.broadcast %eq3A_624 : i32 to vector<256x32xi32>
    %eq3A_626 = arith.cmpi eq, %iota3A_21, %eq3A_625 : vector<256x32xi32>
    %broadcast_in_dim3A_627 = vector.shape_cast %broadcast_in_dim3A_623 : vector<256x1xf32> to vector<256x1xf32>
    %broadcast_in_dim3A_628 = vector.broadcast %broadcast_in_dim3A_627 : vector<256x1xf32> to vector<256x32xf32>
    %select_n3A_629 = arith.select %eq3A_626, %broadcast_in_dim3A_628, %select_n3A_607 : vector<256x32xi1>, vector<256x32xf32>
    %eq3A_630 = vector.broadcast %broadcast_in_dim3A_623 : vector<256x1xf32> to vector<256x1024xf32>
    %eq3A_631 = arith.cmpf oeq, %convert_element_type3A, %eq3A_630 : vector<256x1024xf32>
    %jit3A_632 = arith.constant 0x7F800000 : f32
    %broadcast_in_dim3A_633 = vector.broadcast %jit3A_632 : f32 to vector<256x1024xf32>
    %select_n3A_634 = arith.select %eq3A_631, %broadcast_in_dim3A_633, %select_n3A_612 : vector<256x1024xi1>, vector<256x1024xf32>
    %reduce_min3A_635 = arith.constant dense<0x7F800000> : vector<256xf32>
    %reduce_min3A_636 = vector.multi_reduction <minimumf>, %select_n3A_634, %reduce_min3A_635 [1] : vector<256x1024xf32> to vector<256xf32>
    %broadcast_in_dim3A_637 = vector.shape_cast %reduce_min3A_636 : vector<256xf32> to vector<256x1xf32>
    %eq3A_638 = vector.broadcast %broadcast_in_dim3A_637 : vector<256x1xf32> to vector<256x1024xf32>
    %eq3A_639 = arith.cmpf oeq, %select_n3A_634, %eq3A_638 : vector<256x1024xf32>
    %jit3A_640 = arith.constant 1.024000e+03 : f32
    %broadcast_in_dim3A_641 = vector.broadcast %jit3A_640 : f32 to vector<256x1024xf32>
    %select_n3A_642 = arith.select %eq3A_639, %convert_element_type3A, %broadcast_in_dim3A_641 : vector<256x1024xi1>, vector<256x1024xf32>
    %reduce_min3A_643 = arith.constant dense<0x7F800000> : vector<256xf32>
    %reduce_min3A_644 = vector.multi_reduction <minimumf>, %select_n3A_642, %reduce_min3A_643 [1] : vector<256x1024xf32> to vector<256xf32>
    %broadcast_in_dim3A_645 = vector.shape_cast %reduce_min3A_644 : vector<256xf32> to vector<256x1xf32>
    %eq3A_646 = arith.constant 28 : i32
    %eq3A_647 = vector.broadcast %eq3A_646 : i32 to vector<256x32xi32>
    %eq3A_648 = arith.cmpi eq, %iota3A_21, %eq3A_647 : vector<256x32xi32>
    %broadcast_in_dim3A_649 = vector.shape_cast %broadcast_in_dim3A_645 : vector<256x1xf32> to vector<256x1xf32>
    %broadcast_in_dim3A_650 = vector.broadcast %broadcast_in_dim3A_649 : vector<256x1xf32> to vector<256x32xf32>
    %select_n3A_651 = arith.select %eq3A_648, %broadcast_in_dim3A_650, %select_n3A_629 : vector<256x32xi1>, vector<256x32xf32>
    %eq3A_652 = vector.broadcast %broadcast_in_dim3A_645 : vector<256x1xf32> to vector<256x1024xf32>
    %eq3A_653 = arith.cmpf oeq, %convert_element_type3A, %eq3A_652 : vector<256x1024xf32>
    %jit3A_654 = arith.constant 0x7F800000 : f32
    %broadcast_in_dim3A_655 = vector.broadcast %jit3A_654 : f32 to vector<256x1024xf32>
    %select_n3A_656 = arith.select %eq3A_653, %broadcast_in_dim3A_655, %select_n3A_634 : vector<256x1024xi1>, vector<256x1024xf32>
    %reduce_min3A_657 = arith.constant dense<0x7F800000> : vector<256xf32>
    %reduce_min3A_658 = vector.multi_reduction <minimumf>, %select_n3A_656, %reduce_min3A_657 [1] : vector<256x1024xf32> to vector<256xf32>
    %broadcast_in_dim3A_659 = vector.shape_cast %reduce_min3A_658 : vector<256xf32> to vector<256x1xf32>
    %eq3A_660 = vector.broadcast %broadcast_in_dim3A_659 : vector<256x1xf32> to vector<256x1024xf32>
    %eq3A_661 = arith.cmpf oeq, %select_n3A_656, %eq3A_660 : vector<256x1024xf32>
    %jit3A_662 = arith.constant 1.024000e+03 : f32
    %broadcast_in_dim3A_663 = vector.broadcast %jit3A_662 : f32 to vector<256x1024xf32>
    %select_n3A_664 = arith.select %eq3A_661, %convert_element_type3A, %broadcast_in_dim3A_663 : vector<256x1024xi1>, vector<256x1024xf32>
    %reduce_min3A_665 = arith.constant dense<0x7F800000> : vector<256xf32>
    %reduce_min3A_666 = vector.multi_reduction <minimumf>, %select_n3A_664, %reduce_min3A_665 [1] : vector<256x1024xf32> to vector<256xf32>
    %broadcast_in_dim3A_667 = vector.shape_cast %reduce_min3A_666 : vector<256xf32> to vector<256x1xf32>
    %eq3A_668 = arith.constant 29 : i32
    %eq3A_669 = vector.broadcast %eq3A_668 : i32 to vector<256x32xi32>
    %eq3A_670 = arith.cmpi eq, %iota3A_21, %eq3A_669 : vector<256x32xi32>
    %broadcast_in_dim3A_671 = vector.shape_cast %broadcast_in_dim3A_667 : vector<256x1xf32> to vector<256x1xf32>
    %broadcast_in_dim3A_672 = vector.broadcast %broadcast_in_dim3A_671 : vector<256x1xf32> to vector<256x32xf32>
    %select_n3A_673 = arith.select %eq3A_670, %broadcast_in_dim3A_672, %select_n3A_651 : vector<256x32xi1>, vector<256x32xf32>
    %eq3A_674 = vector.broadcast %broadcast_in_dim3A_667 : vector<256x1xf32> to vector<256x1024xf32>
    %eq3A_675 = arith.cmpf oeq, %convert_element_type3A, %eq3A_674 : vector<256x1024xf32>
    %jit3A_676 = arith.constant 0x7F800000 : f32
    %broadcast_in_dim3A_677 = vector.broadcast %jit3A_676 : f32 to vector<256x1024xf32>
    %select_n3A_678 = arith.select %eq3A_675, %broadcast_in_dim3A_677, %select_n3A_656 : vector<256x1024xi1>, vector<256x1024xf32>
    %reduce_min3A_679 = arith.constant dense<0x7F800000> : vector<256xf32>
    %reduce_min3A_680 = vector.multi_reduction <minimumf>, %select_n3A_678, %reduce_min3A_679 [1] : vector<256x1024xf32> to vector<256xf32>
    %broadcast_in_dim3A_681 = vector.shape_cast %reduce_min3A_680 : vector<256xf32> to vector<256x1xf32>
    %eq3A_682 = vector.broadcast %broadcast_in_dim3A_681 : vector<256x1xf32> to vector<256x1024xf32>
    %eq3A_683 = arith.cmpf oeq, %select_n3A_678, %eq3A_682 : vector<256x1024xf32>
    %jit3A_684 = arith.constant 1.024000e+03 : f32
    %broadcast_in_dim3A_685 = vector.broadcast %jit3A_684 : f32 to vector<256x1024xf32>
    %select_n3A_686 = arith.select %eq3A_683, %convert_element_type3A, %broadcast_in_dim3A_685 : vector<256x1024xi1>, vector<256x1024xf32>
    %reduce_min3A_687 = arith.constant dense<0x7F800000> : vector<256xf32>
    %reduce_min3A_688 = vector.multi_reduction <minimumf>, %select_n3A_686, %reduce_min3A_687 [1] : vector<256x1024xf32> to vector<256xf32>
    %broadcast_in_dim3A_689 = vector.shape_cast %reduce_min3A_688 : vector<256xf32> to vector<256x1xf32>
    %eq3A_690 = arith.constant 30 : i32
    %eq3A_691 = vector.broadcast %eq3A_690 : i32 to vector<256x32xi32>
    %eq3A_692 = arith.cmpi eq, %iota3A_21, %eq3A_691 : vector<256x32xi32>
    %broadcast_in_dim3A_693 = vector.shape_cast %broadcast_in_dim3A_689 : vector<256x1xf32> to vector<256x1xf32>
    %broadcast_in_dim3A_694 = vector.broadcast %broadcast_in_dim3A_693 : vector<256x1xf32> to vector<256x32xf32>
    %select_n3A_695 = arith.select %eq3A_692, %broadcast_in_dim3A_694, %select_n3A_673 : vector<256x32xi1>, vector<256x32xf32>
    %eq3A_696 = vector.broadcast %broadcast_in_dim3A_689 : vector<256x1xf32> to vector<256x1024xf32>
    %eq3A_697 = arith.cmpf oeq, %convert_element_type3A, %eq3A_696 : vector<256x1024xf32>
    %jit3A_698 = arith.constant 0x7F800000 : f32
    %broadcast_in_dim3A_699 = vector.broadcast %jit3A_698 : f32 to vector<256x1024xf32>
    %select_n3A_700 = arith.select %eq3A_697, %broadcast_in_dim3A_699, %select_n3A_678 : vector<256x1024xi1>, vector<256x1024xf32>
    %reduce_min3A_701 = arith.constant dense<0x7F800000> : vector<256xf32>
    %reduce_min3A_702 = vector.multi_reduction <minimumf>, %select_n3A_700, %reduce_min3A_701 [1] : vector<256x1024xf32> to vector<256xf32>
    %broadcast_in_dim3A_703 = vector.shape_cast %reduce_min3A_702 : vector<256xf32> to vector<256x1xf32>
    %eq3A_704 = vector.broadcast %broadcast_in_dim3A_703 : vector<256x1xf32> to vector<256x1024xf32>
    %eq3A_705 = arith.cmpf oeq, %select_n3A_700, %eq3A_704 : vector<256x1024xf32>
    %jit3A_706 = arith.constant 1.024000e+03 : f32
    %broadcast_in_dim3A_707 = vector.broadcast %jit3A_706 : f32 to vector<256x1024xf32>
    %select_n3A_708 = arith.select %eq3A_705, %convert_element_type3A, %broadcast_in_dim3A_707 : vector<256x1024xi1>, vector<256x1024xf32>
    %reduce_min3A_709 = arith.constant dense<0x7F800000> : vector<256xf32>
    %reduce_min3A_710 = vector.multi_reduction <minimumf>, %select_n3A_708, %reduce_min3A_709 [1] : vector<256x1024xf32> to vector<256xf32>
    %broadcast_in_dim3A_711 = vector.shape_cast %reduce_min3A_710 : vector<256xf32> to vector<256x1xf32>
    %eq3A_712 = arith.constant 31 : i32
    %eq3A_713 = vector.broadcast %eq3A_712 : i32 to vector<256x32xi32>
    %eq3A_714 = arith.cmpi eq, %iota3A_21, %eq3A_713 : vector<256x32xi32>
    %broadcast_in_dim3A_715 = vector.shape_cast %broadcast_in_dim3A_711 : vector<256x1xf32> to vector<256x1xf32>
    %broadcast_in_dim3A_716 = vector.broadcast %broadcast_in_dim3A_715 : vector<256x1xf32> to vector<256x32xf32>
    %select_n3A_717 = arith.select %eq3A_714, %broadcast_in_dim3A_716, %select_n3A_695 : vector<256x32xi1>, vector<256x32xf32>
    %convert_element_type3A_718 = arith.fptosi %select_n3A_717 : vector<256x32xf32> to vector<256x32xi32>
    %add3A_719 = arith.constant 0 : i32
    %add3A_720 = vector.broadcast %add3A_719 : i32 to vector<256x32xi32>
    %add3A_721 = arith.addi %convert_element_type3A_718, %add3A_720 : vector<256x32xi32>
    %swap3A = arith.constant 0 : index
    %swap3A_722 = arith.constant 0 : index
    %swap3A_723 = vector.load %arg3[%swap3A, %swap3A_722] : memref<256x32xi32, #tpu.memory_space<vmem>>, vector<256x32xi32>
    tpu.vector_store %arg3[%swap3A, %swap3A_722], %add3A_721 {strides = array<i32>} : memref<256x32xi32, #tpu.memory_space<vmem>>, vector<256x32xi32>,
    return
  }
  func.func @transform_0(%arg0: i32) -> (i32, i32) {
    %c0_i32 = arith.constant 0 : i32
    %c0_i32_0 = arith.constant 0 : i32
    return %arg0, %c0_i32 : i32, i32
  }
  func.func @transform_1(%arg0: i32) -> (i32, i32) {
    %c0_i32 = arith.constant 0 : i32
    %c0_i32_0 = arith.constant 0 : i32
    %c0_i32_1 = arith.constant 0 : i32
    return %c0_i32, %c0_i32_0 : i32, i32
  }
  func.func @transform_2(%arg0: i32) -> (i32, i32) {
    %c0_i32 = arith.constant 0 : i32
    %c0_i32_0 = arith.constant 0 : i32
    return %arg0, %c0_i32 : i32, i32
  }
}

module attributes {stable_mosaic.version = 14 : i64} {
  func.func @_attn_body(%arg0: i32, %arg1: memref<32x512xf32, #tpu.memory_space<vmem>>, %arg2: memref<1024x512xi32, #tpu.memory_space<vmem>>, %arg3: memref<1024x128xf32, #tpu.memory_space<vmem>>, %arg4: memref<32x3xf32, #tpu.memory_space<vmem>>, %arg5: memref<512x8xf32, #tpu.memory_space<vmem>>, %arg6: memref<8x512xf32, #tpu.memory_space<vmem>>, %arg7: memref<16x1xf32, #tpu.memory_space<vmem>>, %arg8: memref<64x1024xf32, #tpu.memory_space<vmem>>, %arg9: memref<1x512xf32, #tpu.memory_space<vmem>>, %arg10: memref<8x16xf32, #tpu.memory_space<vmem>>, %arg11: memref<1x16xf32, #tpu.memory_space<vmem>>, %arg12: memref<16x1xf32, #tpu.memory_space<vmem>>, %arg13: memref<1x1xf32, #tpu.memory_space<vmem>>, %arg14: memref<1x1xf32, #tpu.memory_space<vmem>>, %arg15: memref<1024x512xf32, #tpu.memory_space<vmem>>, %arg16: memref<1x512xf32, #tpu.memory_space<vmem>>, %arg17: memref<32x512xf32, #tpu.memory_space<vmem>>, %arg18: memref<32x3xf32, #tpu.memory_space<vmem>>) attributes {dimension_semantics = [#tpu.dimension_semantics<arbitrary>], iteration_bounds = array<i64: 32>, scalar_prefetch = 0 : i64, scratch_operands = 0 : i64, tpu.core_type = #tpu.core_type<tc>, window_params = [{transform_indices = @transform_0, window_bounds = array<i64: 32, 512>}, {transform_indices = @transform_1, window_bounds = array<i64: 1024, 512>}, {transform_indices = @transform_2, window_bounds = array<i64: 1024, 128>}, {transform_indices = @transform_3, window_bounds = array<i64: 32, 3>}, {pipeline_mode = #tpu.pipeline_mode<synchronous>, transform_indices = @transform_4, window_bounds = array<i64: 512, 8>}, {pipeline_mode = #tpu.pipeline_mode<synchronous>, transform_indices = @transform_5, window_bounds = array<i64: 8, 512>}, {pipeline_mode = #tpu.pipeline_mode<synchronous>, transform_indices = @transform_6, window_bounds = array<i64: 16, 1>}, {pipeline_mode = #tpu.pipeline_mode<synchronous>, transform_indices = @transform_7, window_bounds = array<i64: 64, 1024>}, {pipeline_mode = #tpu.pipeline_mode<synchronous>, transform_indices = @transform_8, window_bounds = array<i64: 1, 512>}, {pipeline_mode = #tpu.pipeline_mode<synchronous>, transform_indices = @transform_9, window_bounds = array<i64: 8, 16>}, {pipeline_mode = #tpu.pipeline_mode<synchronous>, transform_indices = @transform_10, window_bounds = array<i64: 1, 16>}, {pipeline_mode = #tpu.pipeline_mode<synchronous>, transform_indices = @transform_11, window_bounds = array<i64: 16, 1>}, {pipeline_mode = #tpu.pipeline_mode<synchronous>, transform_indices = @transform_12, window_bounds = array<i64: 1, 1>}, {pipeline_mode = #tpu.pipeline_mode<synchronous>, transform_indices = @transform_13, window_bounds = array<i64: 1, 1>}, {pipeline_mode = #tpu.pipeline_mode<synchronous>, transform_indices = @transform_14, window_bounds = array<i64: 1024, 512>}, {pipeline_mode = #tpu.pipeline_mode<synchronous>, transform_indices = @transform_15, window_bounds = array<i64: 1, 512>}, {transform_indices = @transform_16, window_bounds = array<i64: 32, 512>}, {transform_indices = @transform_17, window_bounds = array<i64: 32, 3>}]} {
    %get3A = arith.constant 0 : index
    %get3A_0 = arith.constant 0 : index
    %get3A_1 = vector.load %arg2[%get3A, %get3A_0] : memref<1024x512xi32, #tpu.memory_space<vmem>>, vector<1024x512xi32>
    %and3A = arith.constant -65536 : i32
    %and3A_2 = vector.broadcast %and3A : i32 to vector<1024x512xi32>
    %and3A_3 = arith.andi %get3A_1, %and3A_2 : vector<1024x512xi32>
    %bitcast_convert_type3A = tpu.bitcast %and3A_3 : vector<1024x512xi32> -> vector<1024x512xf32>
    %shift_left3A = arith.constant 16 : i32
    %shift_left3A_4 = vector.broadcast %shift_left3A : i32 to vector<1024x512xi32>
    %shift_left3A_5 = arith.shli %get3A_1, %shift_left3A_4 : vector<1024x512xi32>
    %bitcast_convert_type3A_6 = tpu.bitcast %shift_left3A_5 : vector<1024x512xi32> -> vector<1024x512xf32>
    %get3A_7 = arith.constant 0 : index
    %get3A_8 = arith.constant 0 : index
    %get3A_9 = vector.load %arg3[%get3A_7, %get3A_8] : memref<1024x128xf32, #tpu.memory_space<vmem>>, vector<1024x128xf32>
    %slice3A = vector.extract_strided_slice %get3A_9 {offsets = [0, 0], sizes = [1024, 3], strides = [1, 1]} : vector<1024x128xf32> to vector<1024x3xf32>
    %slice3A_10 = vector.extract_strided_slice %get3A_9 {offsets = [0, 64], sizes = [1024, 3], strides = [1, 1]} : vector<1024x128xf32> to vector<1024x3xf32>
    %add3A = arith.addf %slice3A, %slice3A_10 : vector<1024x3xf32>
    %get3A_11 = arith.constant 0 : index
    %get3A_12 = arith.constant 0 : index
    %get3A_13 = vector.load %arg4[%get3A_11, %get3A_12] : memref<32x3xf32, #tpu.memory_space<vmem>>, vector<32x3xf32>
    %broadcast_in_dim3A = vector.shape_cast %get3A_13 : vector<32x3xf32> to vector<32x1x3xf32>
    %broadcast_in_dim3A_14 = vector.shape_cast %broadcast_in_dim3A : vector<32x1x3xf32> to vector<32x1x3xf32>
    %broadcast_in_dim3A_15 = vector.broadcast %broadcast_in_dim3A_14 : vector<32x1x3xf32> to vector<32x32x3xf32>
    %reshape3A = vector.shape_cast %broadcast_in_dim3A_15 : vector<32x32x3xf32> to vector<1024x3xf32>
    %sub3A = arith.subf %reshape3A, %add3A : vector<1024x3xf32>
    %mul3A = arith.mulf %sub3A, %sub3A : vector<1024x3xf32>
    %reduce_sum3A = arith.constant dense<0.000000e+00> : vector<1024xf32>
    %reduce_sum3A_16 = vector.multi_reduction <add>, %mul3A, %reduce_sum3A [1] : vector<1024x3xf32> to vector<1024xf32>
    %broadcast_in_dim3A_17 = vector.shape_cast %reduce_sum3A_16 : vector<1024xf32> to vector<1024x1xf32>
    %add3A_18 = arith.constant 9.99999996E-13 : f32
    %add3A_19 = vector.broadcast %add3A_18 : f32 to vector<1024x1xf32>
    %add3A_20 = arith.addf %broadcast_in_dim3A_17, %add3A_19 : vector<1024x1xf32>
    %sqrt3A = math.sqrt %add3A_20 : vector<1024x1xf32>
    %reshape3A_21 = vector.shape_cast %sqrt3A : vector<1024x1xf32> to vector<1x1024xf32>
    %get3A_22 = arith.constant 0 : index
    %get3A_23 = arith.constant 0 : index
    %get3A_24 = vector.load %arg7[%get3A_22, %get3A_23] : memref<16x1xf32, #tpu.memory_space<vmem>>, vector<16x1xf32>
    %mul3A_25 = vector.broadcast %get3A_24 : vector<16x1xf32> to vector<16x1024xf32>
    %mul3A_26 = vector.broadcast %reshape3A_21 : vector<1x1024xf32> to vector<16x1024xf32>
    %mul3A_27 = arith.mulf %mul3A_25, %mul3A_26 : vector<16x1024xf32>
    %cos3A = math.cos %mul3A_27 : vector<16x1024xf32>
    %sin3A = math.sin %mul3A_27 : vector<16x1024xf32>
    %convert_element_type3A = arith.truncf %cos3A : vector<16x1024xf32> to vector<16x1024xbf16>
    %convert_element_type3A_28 = arith.extf %convert_element_type3A : vector<16x1024xbf16> to vector<16x1024xf32>
    %convert_element_type3A_29 = arith.truncf %sin3A : vector<16x1024xf32> to vector<16x1024xbf16>
    %convert_element_type3A_30 = arith.extf %convert_element_type3A_29 : vector<16x1024xbf16> to vector<16x1024xf32>
    %sub3A_31 = arith.subf %cos3A, %convert_element_type3A_28 : vector<16x1024xf32>
    %sub3A_32 = arith.subf %sin3A, %convert_element_type3A_30 : vector<16x1024xf32>
    %concatenate3A = tpu.concatenate %convert_element_type3A_28, %sub3A_31, %convert_element_type3A_30, %sub3A_32 in 0 : vector<16x1024xf32>, vector<16x1024xf32>, vector<16x1024xf32>, vector<16x1024xf32> -> vector<64x1024xf32>
    %get3A_33 = arith.constant 0 : index
    %get3A_34 = arith.constant 0 : index
    %get3A_35 = vector.load %arg8[%get3A_33, %get3A_34] : memref<64x1024xf32, #tpu.memory_space<vmem>>, vector<64x1024xf32>
    %dot_general3A = arith.constant dense<0.000000e+00> : vector<1024x1024xf32>
    %dot_general3A_36 = tpu.matmul %concatenate3A, %get3A_35, %dot_general3A {dimension_numbers = #tpu.dot_dimension_numbers<[0], [0], [1], [1], [0, 1, 1, 1], [], []>, transpose_lhs_hint = false} : vector<64x1024xf32>, vector<64x1024xf32>, vector<1024x1024xf32> -> vector<1024x1024xf32>
    %slice3A_37 = vector.extract_strided_slice %dot_general3A_36 {offsets = [0, 0], sizes = [1024, 512], strides = [1, 1]} : vector<1024x1024xf32> to vector<1024x512xf32>
    %get3A_38 = arith.constant 0 : index
    %get3A_39 = arith.constant 0 : index
    %get3A_40 = vector.load %arg9[%get3A_38, %get3A_39] : memref<1x512xf32, #tpu.memory_space<vmem>>, vector<1x512xf32>
    %add3A_41 = vector.broadcast %get3A_40 : vector<1x512xf32> to vector<1024x512xf32>
    %add3A_42 = arith.addf %slice3A_37, %add3A_41 : vector<1024x512xf32>
    %slice3A_43 = vector.extract_strided_slice %dot_general3A_36 {offsets = [0, 512], sizes = [1024, 512], strides = [1, 1]} : vector<1024x1024xf32> to vector<1024x512xf32>
    %iota3A = tpu.iota {dimensions = array<i32: 1>} : vector<1x512xi32>
    %jit3A = arith.constant 2 : i32
    %eq3A = arith.constant 0 : i32
    %eq3A_44 = arith.cmpi eq, %jit3A, %eq3A : i32
    %jit3A_45 = arith.constant 1 : i32
    %select_n3A = arith.select %eq3A_44, %jit3A_45, %jit3A : i32
    %rem3A = vector.broadcast %select_n3A : i32 to vector<1x512xi32>
    %rem3A_46 = arith.remsi %iota3A, %rem3A : vector<1x512xi32>
    %ne3A = arith.constant 0 : i32
    %ne3A_47 = vector.broadcast %ne3A : i32 to vector<1x512xi32>
    %ne3A_48 = arith.cmpi ne, %rem3A_46, %ne3A_47 : vector<1x512xi32>
    %lt3A = arith.constant 0 : i32
    %lt3A_49 = vector.broadcast %lt3A : i32 to vector<1x512xi32>
    %lt3A_50 = arith.cmpi slt, %rem3A_46, %lt3A_49 : vector<1x512xi32>
    %lt3A_51 = arith.constant 0 : i32
    %lt3A_52 = arith.cmpi slt, %select_n3A, %lt3A_51 : i32
    %ne3A_53 = vector.broadcast %lt3A_52 : i1 to vector<1x512xi1>
    %ne3A_54 = vector.broadcast %ne3A_53 : vector<1x512xi1> to vector<1x512xi1>
    %ne3A_55 = arith.xori %lt3A_50, %ne3A_54 : vector<1x512xi1>
    %and3A_56 = arith.andi %ne3A_55, %ne3A_48 : vector<1x512xi1>
    %add3A_57 = vector.broadcast %select_n3A : i32 to vector<1x512xi32>
    %add3A_58 = arith.addi %rem3A_46, %add3A_57 : vector<1x512xi32>
    %select_n3A_59 = arith.select %and3A_56, %add3A_58, %rem3A_46 : vector<1x512xi1>, vector<1x512xi32>
    %eq3A_60 = arith.constant 0 : i32
    %eq3A_61 = vector.broadcast %eq3A_60 : i32 to vector<1x512xi32>
    %eq3A_62 = arith.cmpi eq, %select_n3A_59, %eq3A_61 : vector<1x512xi32>
    %mul3A_63 = arith.mulf %bitcast_convert_type3A, %add3A_42 : vector<1024x512xf32>
    %slice3A_64 = vector.extract_strided_slice %bitcast_convert_type3A {offsets = [0, 1], sizes = [1024, 511], strides = [1, 1]} : vector<1024x512xf32> to vector<1024x511xf32>
    %slice3A_65 = vector.extract_strided_slice %bitcast_convert_type3A {offsets = [0, 0], sizes = [1024, 1], strides = [1, 1]} : vector<1024x512xf32> to vector<1024x1xf32>
    %concatenate3A_66 = tpu.concatenate %slice3A_64, %slice3A_65 in 1 : vector<1024x511xf32>, vector<1024x1xf32> -> vector<1024x512xf32>
    %slice3A_67 = vector.extract_strided_slice %bitcast_convert_type3A {offsets = [0, 511], sizes = [1024, 1], strides = [1, 1]} : vector<1024x512xf32> to vector<1024x1xf32>
    %slice3A_68 = vector.extract_strided_slice %bitcast_convert_type3A {offsets = [0, 0], sizes = [1024, 511], strides = [1, 1]} : vector<1024x512xf32> to vector<1024x511xf32>
    %concatenate3A_69 = tpu.concatenate %slice3A_67, %slice3A_68 in 1 : vector<1024x1xf32>, vector<1024x511xf32> -> vector<1024x512xf32>
    %neg3A = arith.constant 0.000000e+00 : f32
    %neg3A_70 = vector.broadcast %neg3A : f32 to vector<1024x512xf32>
    %neg3A_71 = arith.subf %neg3A_70, %concatenate3A_66 : vector<1024x512xf32>
    %broadcast_in_dim3A_72 = vector.shape_cast %eq3A_62 : vector<1x512xi1> to vector<1x512xi1>
    %broadcast_in_dim3A_73 = vector.broadcast %broadcast_in_dim3A_72 : vector<1x512xi1> to vector<1024x512xi1>
    %select_n3A_74 = arith.select %broadcast_in_dim3A_73, %neg3A_71, %concatenate3A_69 : vector<1024x512xi1>, vector<1024x512xf32>
    %mul3A_75 = arith.mulf %select_n3A_74, %slice3A_43 : vector<1024x512xf32>
    %add3A_76 = arith.addf %mul3A_63, %mul3A_75 : vector<1024x512xf32>
    %mul3A_77 = arith.mulf %bitcast_convert_type3A_6, %add3A_42 : vector<1024x512xf32>
    %slice3A_78 = vector.extract_strided_slice %bitcast_convert_type3A_6 {offsets = [0, 1], sizes = [1024, 511], strides = [1, 1]} : vector<1024x512xf32> to vector<1024x511xf32>
    %slice3A_79 = vector.extract_strided_slice %bitcast_convert_type3A_6 {offsets = [0, 0], sizes = [1024, 1], strides = [1, 1]} : vector<1024x512xf32> to vector<1024x1xf32>
    %concatenate3A_80 = tpu.concatenate %slice3A_78, %slice3A_79 in 1 : vector<1024x511xf32>, vector<1024x1xf32> -> vector<1024x512xf32>
    %slice3A_81 = vector.extract_strided_slice %bitcast_convert_type3A_6 {offsets = [0, 511], sizes = [1024, 1], strides = [1, 1]} : vector<1024x512xf32> to vector<1024x1xf32>
    %slice3A_82 = vector.extract_strided_slice %bitcast_convert_type3A_6 {offsets = [0, 0], sizes = [1024, 511], strides = [1, 1]} : vector<1024x512xf32> to vector<1024x511xf32>
    %concatenate3A_83 = tpu.concatenate %slice3A_81, %slice3A_82 in 1 : vector<1024x1xf32>, vector<1024x511xf32> -> vector<1024x512xf32>
    %neg3A_84 = arith.constant 0.000000e+00 : f32
    %neg3A_85 = vector.broadcast %neg3A_84 : f32 to vector<1024x512xf32>
    %neg3A_86 = arith.subf %neg3A_85, %concatenate3A_80 : vector<1024x512xf32>
    %broadcast_in_dim3A_87 = vector.shape_cast %eq3A_62 : vector<1x512xi1> to vector<1x512xi1>
    %broadcast_in_dim3A_88 = vector.broadcast %broadcast_in_dim3A_87 : vector<1x512xi1> to vector<1024x512xi1>
    %select_n3A_89 = arith.select %broadcast_in_dim3A_88, %neg3A_86, %concatenate3A_83 : vector<1024x512xi1>, vector<1024x512xf32>
    %mul3A_90 = arith.mulf %select_n3A_89, %slice3A_43 : vector<1024x512xf32>
    %add3A_91 = arith.addf %mul3A_77, %mul3A_90 : vector<1024x512xf32>
    %get3A_92 = arith.constant 0 : index
    %get3A_93 = arith.constant 0 : index
    %get3A_94 = vector.load %arg1[%get3A_92, %get3A_93] : memref<32x512xf32, #tpu.memory_space<vmem>>, vector<32x512xf32>
    %broadcast_in_dim3A_95 = vector.shape_cast %get3A_94 : vector<32x512xf32> to vector<32x1x512xf32>
    %broadcast_in_dim3A_96 = vector.shape_cast %broadcast_in_dim3A_95 : vector<32x1x512xf32> to vector<32x1x512xf32>
    %broadcast_in_dim3A_97 = vector.broadcast %broadcast_in_dim3A_96 : vector<32x1x512xf32> to vector<32x32x512xf32>
    %reshape3A_98 = vector.shape_cast %broadcast_in_dim3A_97 : vector<32x32x512xf32> to vector<1024x512xf32>
    %mul3A_99 = arith.mulf %reshape3A_98, %add3A_76 : vector<1024x512xf32>
    %get3A_100 = arith.constant 0 : index
    %get3A_101 = arith.constant 0 : index
    %get3A_102 = vector.load %arg5[%get3A_100, %get3A_101] : memref<512x8xf32, #tpu.memory_space<vmem>>, vector<512x8xf32>
    %dot_general3A_103 = arith.constant dense<0.000000e+00> : vector<1024x8xf32>
    %dot_general3A_104 = tpu.matmul %mul3A_99, %get3A_102, %dot_general3A_103 {dimension_numbers = #tpu.dot_dimension_numbers<[1], [0], [0], [1], [0, 0, 1, 1], [], []>, transpose_lhs_hint = false} : vector<1024x512xf32>, vector<512x8xf32>, vector<1024x8xf32> -> vector<1024x8xf32>
    %mul3A_105 = arith.constant 1.250000e-01 : f32
    %mul3A_106 = vector.broadcast %mul3A_105 : f32 to vector<1024x8xf32>
    %mul3A_107 = arith.mulf %dot_general3A_104, %mul3A_106 : vector<1024x8xf32>
    %get3A_108 = arith.constant 0 : index
    %get3A_109 = arith.constant 0 : index
    %get3A_110 = vector.load %arg10[%get3A_108, %get3A_109] : memref<8x16xf32, #tpu.memory_space<vmem>>, vector<8x16xf32>
    %dot_general3A_111 = arith.constant dense<0.000000e+00> : vector<1024x16xf32>
    %dot_general3A_112 = tpu.matmul %mul3A_107, %get3A_110, %dot_general3A_111 {dimension_numbers = #tpu.dot_dimension_numbers<[1], [0], [0], [1], [0, 0, 1, 1], [], []>, transpose_lhs_hint = false} : vector<1024x8xf32>, vector<8x16xf32>, vector<1024x16xf32> -> vector<1024x16xf32>
    %get3A_113 = arith.constant 0 : index
    %get3A_114 = arith.constant 0 : index
    %get3A_115 = vector.load %arg11[%get3A_113, %get3A_114] : memref<1x16xf32, #tpu.memory_space<vmem>>, vector<1x16xf32>
    %add3A_116 = vector.broadcast %get3A_115 : vector<1x16xf32> to vector<1024x16xf32>
    %add3A_117 = arith.addf %dot_general3A_112, %add3A_116 : vector<1024x16xf32>
    %mul3A_118 = arith.constant 5.000000e-01 : f32
    %mul3A_119 = vector.broadcast %mul3A_118 : f32 to vector<1024x16xf32>
    %mul3A_120 = arith.mulf %mul3A_119, %add3A_117 : vector<1024x16xf32>
    %mul3A_121 = arith.constant 0.707106769 : f32
    %mul3A_122 = vector.broadcast %mul3A_121 : f32 to vector<1024x16xf32>
    %mul3A_123 = arith.mulf %add3A_117, %mul3A_122 : vector<1024x16xf32>
    %erf3A = math.erf %mul3A_123 : vector<1024x16xf32>
    %add3A_124 = arith.constant 1.000000e+00 : f32
    %add3A_125 = vector.broadcast %add3A_124 : f32 to vector<1024x16xf32>
    %add3A_126 = arith.addf %add3A_125, %erf3A : vector<1024x16xf32>
    %mul3A_127 = arith.mulf %mul3A_120, %add3A_126 : vector<1024x16xf32>
    %get3A_128 = arith.constant 0 : index
    %get3A_129 = arith.constant 0 : index
    %get3A_130 = vector.load %arg12[%get3A_128, %get3A_129] : memref<16x1xf32, #tpu.memory_space<vmem>>, vector<16x1xf32>
    %dot_general3A_131 = arith.constant dense<0.000000e+00> : vector<1024x1xf32>
    %dot_general3A_132 = tpu.matmul %mul3A_127, %get3A_130, %dot_general3A_131 {dimension_numbers = #tpu.dot_dimension_numbers<[1], [0], [0], [1], [0, 0, 1, 1], [], []>, transpose_lhs_hint = false} : vector<1024x16xf32>, vector<16x1xf32>, vector<1024x1xf32> -> vector<1024x1xf32>
    %get3A_133 = arith.constant 0 : index
    %get3A_134 = arith.constant 0 : index
    %get3A_135 = vector.load %arg13[%get3A_133, %get3A_134] : memref<1x1xf32, #tpu.memory_space<vmem>>, vector<1x1xf32>
    %add3A_136 = vector.broadcast %get3A_135 : vector<1x1xf32> to vector<1024x1xf32>
    %add3A_137 = arith.addf %dot_general3A_132, %add3A_136 : vector<1024x1xf32>
    %max3A = arith.constant 9.99999993E-9 : f32
    %max3A_138 = vector.broadcast %max3A : f32 to vector<1024x1xf32>
    %max3A_139 = arith.maximumf %sqrt3A, %max3A_138 : vector<1024x1xf32>
    %div3A = vector.broadcast %max3A_139 : vector<1024x1xf32> to vector<1024x3xf32>
    %div3A_140 = arith.divf %sub3A, %div3A : vector<1024x3xf32>
    %get3A_141 = arith.constant 0 : index
    %get3A_142 = arith.constant 0 : index
    %get3A_143 = vector.load %arg14[%get3A_141, %get3A_142] : memref<1x1xf32, #tpu.memory_space<vmem>>, vector<1x1xf32>
    %get3A_144 = vector.extract %get3A_143[0, 0] : f32 from vector<1x1xf32>
    %mul3A_145 = vector.broadcast %get3A_144 : f32 to vector<1024x3xf32>
    %mul3A_146 = arith.mulf %mul3A_145, %div3A_140 : vector<1024x3xf32>
    %mul3A_147 = vector.broadcast %add3A_137 : vector<1024x1xf32> to vector<1024x3xf32>
    %mul3A_148 = arith.mulf %mul3A_147, %mul3A_146 : vector<1024x3xf32>
    %reshape3A_149 = vector.shape_cast %mul3A_148 : vector<1024x3xf32> to vector<32x32x3xf32>
    %reduce_sum3A_150 = arith.constant dense<0.000000e+00> : vector<32x3xf32>
    %reduce_sum3A_151 = vector.multi_reduction <add>, %reshape3A_149, %reduce_sum3A_150 [1] : vector<32x32x3xf32> to vector<32x3xf32>
    %swap3A = arith.constant 0 : index
    %swap3A_152 = arith.constant 0 : index
    %swap3A_153 = vector.load %arg18[%swap3A, %swap3A_152] : memref<32x3xf32, #tpu.memory_space<vmem>>, vector<32x3xf32>
    tpu.vector_store %arg18[%swap3A, %swap3A_152], %reduce_sum3A_151 {strides = array<i32>} : memref<32x3xf32, #tpu.memory_space<vmem>>, vector<32x3xf32>,
    %reshape3A_154 = vector.shape_cast %mul3A_107 : vector<1024x8xf32> to vector<32x32x8xf32>
    %reduce_max3A = arith.constant dense<0xFF800000> : vector<32x8xf32>
    %reduce_max3A_155 = vector.multi_reduction <maximumf>, %reshape3A_154, %reduce_max3A [1] : vector<32x32x8xf32> to vector<32x8xf32>
    %broadcast_in_dim3A_156 = vector.shape_cast %reduce_max3A_155 : vector<32x8xf32> to vector<32x1x8xf32>
    %sub3A_157 = vector.broadcast %broadcast_in_dim3A_156 : vector<32x1x8xf32> to vector<32x32x8xf32>
    %sub3A_158 = arith.subf %reshape3A_154, %sub3A_157 : vector<32x32x8xf32>
    %exp3A = math.exp %sub3A_158 : vector<32x32x8xf32>
    %reduce_sum3A_159 = arith.constant dense<0.000000e+00> : vector<32x8xf32>
    %reduce_sum3A_160 = vector.multi_reduction <add>, %exp3A, %reduce_sum3A_159 [1] : vector<32x32x8xf32> to vector<32x8xf32>
    %broadcast_in_dim3A_161 = vector.shape_cast %reduce_sum3A_160 : vector<32x8xf32> to vector<32x1x8xf32>
    %div3A_162 = vector.broadcast %broadcast_in_dim3A_161 : vector<32x1x8xf32> to vector<32x32x8xf32>
    %div3A_163 = arith.divf %exp3A, %div3A_162 : vector<32x32x8xf32>
    %reshape3A_164 = vector.shape_cast %div3A_163 : vector<32x32x8xf32> to vector<1024x8xf32>
    %get3A_165 = arith.constant 0 : index
    %get3A_166 = arith.constant 0 : index
    %get3A_167 = vector.load %arg6[%get3A_165, %get3A_166] : memref<8x512xf32, #tpu.memory_space<vmem>>, vector<8x512xf32>
    %dot_general3A_168 = arith.constant dense<0.000000e+00> : vector<1024x512xf32>
    %dot_general3A_169 = tpu.matmul %reshape3A_164, %get3A_167, %dot_general3A_168 {dimension_numbers = #tpu.dot_dimension_numbers<[1], [0], [0], [1], [0, 0, 1, 1], [], []>, transpose_lhs_hint = false} : vector<1024x8xf32>, vector<8x512xf32>, vector<1024x512xf32> -> vector<1024x512xf32>
    %mul3A_170 = arith.mulf %dot_general3A_169, %add3A_91 : vector<1024x512xf32>
    %reshape3A_171 = vector.shape_cast %mul3A_170 : vector<1024x512xf32> to vector<32x32x512xf32>
    %reduce_sum3A_172 = arith.constant dense<0.000000e+00> : vector<32x512xf32>
    %reduce_sum3A_173 = vector.multi_reduction <add>, %reshape3A_171, %reduce_sum3A_172 [1] : vector<32x32x512xf32> to vector<32x512xf32>
    %concatenate3A_174 = tpu.concatenate %reduce_sum3A_173, %reduce_sum3A_173 in 1 : vector<32x512xf32>, vector<32x512xf32> -> vector<32x1024xf32>
    %get3A_175 = arith.constant 0 : index
    %get3A_176 = arith.constant 0 : index
    %get3A_177 = vector.load %arg15[%get3A_175, %get3A_176] : memref<1024x512xf32, #tpu.memory_space<vmem>>, vector<1024x512xf32>
    %dot_general3A_178 = arith.constant dense<0.000000e+00> : vector<32x512xf32>
    %dot_general3A_179 = tpu.matmul %concatenate3A_174, %get3A_177, %dot_general3A_178 {dimension_numbers = #tpu.dot_dimension_numbers<[1], [0], [0], [1], [0, 0, 1, 1], [], []>, transpose_lhs_hint = false} : vector<32x1024xf32>, vector<1024x512xf32>, vector<32x512xf32> -> vector<32x512xf32>
    %get3A_180 = arith.constant 0 : index
    %get3A_181 = arith.constant 0 : index
    %get3A_182 = vector.load %arg16[%get3A_180, %get3A_181] : memref<1x512xf32, #tpu.memory_space<vmem>>, vector<1x512xf32>
    %add3A_183 = vector.broadcast %get3A_182 : vector<1x512xf32> to vector<32x512xf32>
    %add3A_184 = arith.addf %dot_general3A_179, %add3A_183 : vector<32x512xf32>
    %swap3A_185 = arith.constant 0 : index
    %swap3A_186 = arith.constant 0 : index
    %swap3A_187 = vector.load %arg17[%swap3A_185, %swap3A_186] : memref<32x512xf32, #tpu.memory_space<vmem>>, vector<32x512xf32>
    tpu.vector_store %arg17[%swap3A_185, %swap3A_186], %add3A_184 {strides = array<i32>} : memref<32x512xf32, #tpu.memory_space<vmem>>, vector<32x512xf32>,
    return
  }
  func.func @transform_0(%arg0: i32) -> (i32, i32) {
    %c0_i32 = arith.constant 0 : i32
    %c0_i32_0 = arith.constant 0 : i32
    return %arg0, %c0_i32 : i32, i32
  }
  func.func @transform_1(%arg0: i32) -> (i32, i32) {
    %c0_i32 = arith.constant 0 : i32
    %c0_i32_0 = arith.constant 0 : i32
    return %arg0, %c0_i32 : i32, i32
  }
  func.func @transform_2(%arg0: i32) -> (i32, i32) {
    %c0_i32 = arith.constant 0 : i32
    %c0_i32_0 = arith.constant 0 : i32
    return %arg0, %c0_i32 : i32, i32
  }
  func.func @transform_3(%arg0: i32) -> (i32, i32) {
    %c0_i32 = arith.constant 0 : i32
    %c0_i32_0 = arith.constant 0 : i32
    return %arg0, %c0_i32 : i32, i32
  }
  func.func @transform_4(%arg0: i32) -> (i32, i32) {
    %c0_i32 = arith.constant 0 : i32
    %c0_i32_0 = arith.constant 0 : i32
    %c0_i32_1 = arith.constant 0 : i32
    return %c0_i32, %c0_i32_0 : i32, i32
  }
  func.func @transform_5(%arg0: i32) -> (i32, i32) {
    %c0_i32 = arith.constant 0 : i32
    %c0_i32_0 = arith.constant 0 : i32
    %c0_i32_1 = arith.constant 0 : i32
    return %c0_i32, %c0_i32_0 : i32, i32
  }
  func.func @transform_6(%arg0: i32) -> (i32, i32) {
    %c0_i32 = arith.constant 0 : i32
    %c0_i32_0 = arith.constant 0 : i32
    %c0_i32_1 = arith.constant 0 : i32
    return %c0_i32, %c0_i32_0 : i32, i32
  }
  func.func @transform_7(%arg0: i32) -> (i32, i32) {
    %c0_i32 = arith.constant 0 : i32
    %c0_i32_0 = arith.constant 0 : i32
    %c0_i32_1 = arith.constant 0 : i32
    return %c0_i32, %c0_i32_0 : i32, i32
  }
  func.func @transform_8(%arg0: i32) -> (i32, i32) {
    %c0_i32 = arith.constant 0 : i32
    %c0_i32_0 = arith.constant 0 : i32
    %c0_i32_1 = arith.constant 0 : i32
    return %c0_i32, %c0_i32_0 : i32, i32
  }
  func.func @transform_9(%arg0: i32) -> (i32, i32) {
    %c0_i32 = arith.constant 0 : i32
    %c0_i32_0 = arith.constant 0 : i32
    %c0_i32_1 = arith.constant 0 : i32
    return %c0_i32, %c0_i32_0 : i32, i32
  }
  func.func @transform_10(%arg0: i32) -> (i32, i32) {
    %c0_i32 = arith.constant 0 : i32
    %c0_i32_0 = arith.constant 0 : i32
    %c0_i32_1 = arith.constant 0 : i32
    return %c0_i32, %c0_i32_0 : i32, i32
  }
  func.func @transform_11(%arg0: i32) -> (i32, i32) {
    %c0_i32 = arith.constant 0 : i32
    %c0_i32_0 = arith.constant 0 : i32
    %c0_i32_1 = arith.constant 0 : i32
    return %c0_i32, %c0_i32_0 : i32, i32
  }
  func.func @transform_12(%arg0: i32) -> (i32, i32) {
    %c0_i32 = arith.constant 0 : i32
    %c0_i32_0 = arith.constant 0 : i32
    %c0_i32_1 = arith.constant 0 : i32
    return %c0_i32, %c0_i32_0 : i32, i32
  }
  func.func @transform_13(%arg0: i32) -> (i32, i32) {
    %c0_i32 = arith.constant 0 : i32
    %c0_i32_0 = arith.constant 0 : i32
    %c0_i32_1 = arith.constant 0 : i32
    return %c0_i32, %c0_i32_0 : i32, i32
  }
  func.func @transform_14(%arg0: i32) -> (i32, i32) {
    %c0_i32 = arith.constant 0 : i32
    %c0_i32_0 = arith.constant 0 : i32
    %c0_i32_1 = arith.constant 0 : i32
    return %c0_i32, %c0_i32_0 : i32, i32
  }
  func.func @transform_15(%arg0: i32) -> (i32, i32) {
    %c0_i32 = arith.constant 0 : i32
    %c0_i32_0 = arith.constant 0 : i32
    %c0_i32_1 = arith.constant 0 : i32
    return %c0_i32, %c0_i32_0 : i32, i32
  }
  func.func @transform_16(%arg0: i32) -> (i32, i32) {
    %c0_i32 = arith.constant 0 : i32
    %c0_i32_0 = arith.constant 0 : i32
    return %arg0, %c0_i32 : i32, i32
  }
  func.func @transform_17(%arg0: i32) -> (i32, i32) {
    %c0_i32 = arith.constant 0 : i32
    %c0_i32_0 = arith.constant 0 : i32
    return %arg0, %c0_i32 : i32, i32
  }
}

</mosaic_0001>

<sc_bundles>
// kernel: kernel.12.cloned.1.call-start
scs
__scs_entry_jumppad:
0x0: {  	(pc) =	sbr.rel $0x88, $3  }
0x1: {  	(tag) =	ssettag $0x0;
	lr =	simm.s32 $0x1  }
0x2: {  	[smem:$0x3F97] =	sst lr;
	_ =	strace $0xD0000000  }
0x3: {  	_ = 	snop  }
0x4: {  	_ = 	snop  }
0x5: {  	_ = 	snop  }
0x6: {  	_ = 	snop  }
0x7: {  	_ = 	snop  }
__scs_overlays_trampoline_lowered:
0x8: {  	[smem:$0x3FA6] =	sst s0  }
0x9: {  	[smem:$0x3FA7] =	sst s1  }
0xa: {  	[smem:$0x3FA8] =	sst s2  }
0xb: {  	[smem:$0x3FA9] =	sst s3  }
0xc: {  	[smem:$0x3FAA] =	sst s4  }
0xd: {  	[smem:$0x3FAB] =	sst s5  }
0xe: {  	[smem:$0x3FAC] =	sst s6  }
0xf: {  	[smem:$0x3FAD] =	sst s7  }
0x10: {  	[smem:$0x3FAE] =	sst s8  }
0x11: {  	[smem:$0x3FAF] =	sst s9;
	s0 =	simm.s32 @!p0 $0x0  }
0x12: {  	s1 =	sld [smem:$0x3F95];
	s0 =	simm.s32 @p0 $0x1  }
0x13: {  	[smem:$0x3FB0] =	sst s0;
	s0 =	simm.s32 @!p1 $0x0  }
0x14: {  	s2 =	sld [smem:$0x3F94];
	s0 =	simm.s32 @p1 $0x1  }
0x15: {  	[smem:$0x3FB1] =	sst s0;
	s0 =	simm.s32 @!p2 $0x0  }
0x16: {  	s3 =	sld [smem:$0x3FDB];
	s0 =	simm.s32 @p2 $0x1  }
0x17: {  	s4 =	simm.s32 $0x1BF5;
	[smem:$0x3FB3] =	sst s0  }
0x18: {  	s0 =	sld [smem:$0x3F96];
	_ =	swait.ge [sflag:s4], $0x0  }
0x19: {  	s7 =	sld [smem:$0x3F97]  }
0x1a: {  	s8 =	sadd.s32 $0xFFFFE003, lr  }
0x1b: {  	s9 =	sadd.s32 $0xFFFFFEF7, lr;
	s5 =	simm.s32 $0xFFFFFFFF;
	p2 =	slt.u32 s8, $0xFFFFF086  }
0x1c: {  	p1 =	slt.u32 s9, $0xF7A;
	s5 =	simm.s32 @!p2 $0x0  }
0x1d: {  	s5 =	simm.s32 @p1 $0x1;
	p0 =	seq.s32 s7, s2  }
0x1e: {  	s7 =	smul.u32 @!p0 $0xF7A, s2;
	p2 =	seq.s32 @!p0 s5, $0x0  }
0x1f: {  	s9 =	smul.u32 $0xF7A, s1;
	s8 =	simm.s32 @!p0 $0x1BF5;
	p2 =	por !p2, p0  }
0x20: {  	[sflag:s8] =	ssyncset.s32 @!p0 $0xFFFFF086;
	s6 =	sadd.s32 @!p0 s3, s7;
	s7 =	simm.s32 @!p0 $0x108  }
0x21: {  	s3 =	sadd.s32 s3, s9;
	s6 =	sadd.s32 @!p0 $0x88, s6;
	s7 =	simm.s32 @p2 $0x1082  }
0x22: {  	[simem:s7], [sflag:s8] =	dma.local @!p0 [hbm:s6], $0xF7A  }
0x23: {  	s9 =	sor.u32 $0xD0000000, s2;
	s6 =	simm.s32 $0x108;
	_ =	swait.ge @!p0 [sflag:s8], $0x0  }
0x24: {  	s3 =	sadd.s32 $0x88, s3;
	s6 =	simm.s32 @!p1 $0x1082;
	[sflag:s4] =	ssyncset.s32 $0xFFFFF086  }
0x25: {  	[simem:s6], [sflag:s4] =	dma.local [hbm:s3], $0xF7A  }
0x26: {  	[smem:$0x3F97] =	sst s1;
	(tag) =	ssettag s2;
	_ =	strace s9  }
0x27: {  	s1 =	sld [smem:$0x3FA7]  }
0x28: {  	s2 =	sld [smem:$0x3FA8]  }
0x29: {  	s4 =	sld [smem:$0x3FAA]  }
0x2a: {  	p0 =	seq.s32 s5, $0x0;
	s5 =	sld [smem:$0x3FAB]  }
0x2b: {  	s6 =	sld [smem:$0x3FAC]  }
0x2c: {  	s7 =	sld [smem:$0x3FAD]  }
0x2d: {  	s3 =	simm.s32 $0x108;
	s8 =	sld [smem:$0x3FAE]  }
0x2e: {  	s3 =	simm.s32 @!p0 $0x1082;
	s9 =	sld [smem:$0x3FAF]  }
0x2f: {  	lr =	sadd.s32 s0, s3;
	s0 =	sld [smem:$0x3FA6]  }
0x30: {  	s3 =	sld [smem:$0x3FA9]  }
0x31: {  	[smem:$0x3FB2] =	sst s10  }
0x32: {  	s10 =	sld [smem:$0x3FB0];
	_ =	sdelay $0x3  }
0x33: {  	p0 =	seq.s32 s10, $0x1;
	s10 =	sld [smem:$0x3FB2];
	_ =	sdelay $0x3  }
0x34: {  	[smem:$0x3FB2] =	sst s10  }
0x35: {  	s10 =	sld [smem:$0x3FB1];
	_ =	sdelay $0x3  }
0x36: {  	p1 =	seq.s32 s10, $0x1;
	s10 =	sld [smem:$0x3FB2];
	_ =	sdelay $0x3  }
0x37: {  	[smem:$0x3FB2] =	sst s10  }
0x38: {  	s10 =	sld [smem:$0x3FB3]  }
0x39: {  	_ = 	snop;
	(pc) =	sbr.ind lr, $3  }
0x3a: {  	_ = 	snop  }
0x3b: {  	_ = 	snop  }
0x3c: {  	p2 =	seq.s32 s10, $0x1;
	s10 =	sld [smem:$0x3FB2]  }
0x3d: {  	_ =	shalt  }
0x3e: {  	_ =	shalt  }
0x3f: {  	_ =	shalt  }
0x40: {  	_ =	shalt  }
0x41: {  	_ =	shalt  }
0x42: {  	_ =	shalt  }
0x43: {  	_ =	shalt  }
0x44: {  	_ =	shalt  }
0x45: {  	_ =	shalt  }
0x46: {  	_ =	shalt  }
0x47: {  	_ =	shalt  }
0x48: {  	_ =	shalt  }
0x49: {  	_ =	shalt  }
0x4a: {  	_ =	shalt  }
0x4b: {  	_ =	shalt  }
0x4c: {  	_ =	shalt  }
0x4d: {  	_ =	shalt  }
0x4e: {  	_ =	shalt  }
0x4f: {  	_ =	shalt  }
0x50: {  	_ =	shalt  }
0x51: {  	_ =	shalt  }
0x52: {  	_ =	shalt  }
0x53: {  	_ =	shalt  }
0x54: {  	_ =	shalt  }
0x55: {  	_ =	shalt  }
0x56: {  	_ =	shalt  }
0x57: {  	_ =	shalt  }
0x58: {  	_ =	shalt  }
0x59: {  	_ =	shalt  }
0x5a: {  	_ =	shalt  }
0x5b: {  	_ =	shalt  }
0x5c: {  	_ =	shalt  }
0x5d: {  	_ =	shalt  }
0x5e: {  	_ =	shalt  }
0x5f: {  	_ =	shalt  }
0x60: {  	_ =	shalt  }
0x61: {  	_ =	shalt  }
0x62: {  	_ =	shalt  }
0x63: {  	_ =	shalt  }
0x64: {  	_ =	shalt  }
0x65: {  	_ =	shalt  }
0x66: {  	_ =	shalt  }
0x67: {  	_ =	shalt  }
0x68: {  	_ =	shalt  }
0x69: {  	_ =	shalt  }
0x6a: {  	_ =	shalt  }
0x6b: {  	_ =	shalt  }
0x6c: {  	_ =	shalt  }
0x6d: {  	_ =	shalt  }
0x6e: {  	_ =	shalt  }
0x6f: {  	_ =	shalt  }
0x70: {  	_ =	shalt  }
0x71: {  	_ =	shalt  }
0x72: {  	_ =	shalt  }
0x73: {  	_ =	shalt  }
0x74: {  	_ =	shalt  }
0x75: {  	_ =	shalt  }
0x76: {  	_ =	shalt  }
0x77: {  	_ =	shalt  }
0x78: {  	_ =	shalt  }
0x79: {  	_ =	shalt  }
0x7a: {  	_ =	shalt  }
0x7b: {  	_ =	shalt  }
0x7c: {  	_ =	shalt  }
0x7d: {  	_ =	shalt  }
0x7e: {  	_ =	shalt  }
0x7f: {  	_ =	shalt  }
0x80: {  	_ =	shalt  }
0x81: {  	_ =	shalt  }
0x82: {  	_ =	shalt  }
0x83: {  	_ =	shalt  }
0x84: {  	_ =	shalt  }
0x85: {  	_ =	shalt  }
0x86: {  	_ =	shalt  }
0x87: {  	_ =	shalt  }
.Lfunc_end0:
.L_simem_size_0:
called_computation.1_lowered:
.L_overlay_start_0:
0x88: {  	s2 =	sld [smem:$0x3FD9]  }
0x89: {  	s3 =	sld [smem:$0x3FFE];
	_ =	sdelay $0x1  }
0x8a: {  	s1 =	srdreg.scid  }
0x8b: {  	s0 =	sand.u32 $0x1, s1  }
0x8c: {  	s14 =	sshll.u32 s0, $0xA;
	s2 =	sadd.s32 s3, s2  }
0x8d: {  	s2 =	sadd.s32 s2, s14  }
0x8e: {  	[smem:$0x3FBE] =	sst s2  }
0x8f: {  	_ = 	snop  }
0x90: {  	s2 =	sld [smem:$0x3FD0];
	_ =	sdelay $0x2  }
0x91: {  	s15 =	simm.s32 $0xB;
	s4 =	simm.s32 $0x10  }
0x92: {  	[smem:s4], [sflag:s15] =	dma.local [hbm:s2], $0x1  }
0x93: {  	_ =	swait.eq [sflag:s15], $0x1  }
0x94: {  	[sflag:s15] =	ssyncset.done $0x0  }
0x95: {  	[sflag:s15] =	ssyncadd.s32 $0xFFFFFFFF  }
0x96: {  	s16 =	sld [smem:$0x10];
	(tm) =	ssettm $0x1  }
0x97: {  	s17 =	sld [smem:$0x3FFB];
	_ =	sdelay $0x3  }
0x98: {  	_ =	strace s17  }
0x99: {  	s3 =	sld [smem:$0x3FFC];
	_ =	sdelay $0x3  }
0x9a: {  	_ =	strace s3  }
0x9b: {  	s3 =	sld [smem:$0x3FFD];
	_ =	sdelay $0x3  }
0x9c: {  	_ =	strace s3  }
0x9d: {  	_ =	strace $0x8FFFFFFF  }
0x9e: {  	s18 =	sld [smem:$0x3FDB];
	_ =	sdelay $0x1  }
0x9f: {  	s19 =	simm.s32 $_scs_section_size  }
0xa0: {  	s5 =	simm.s32 $_size__tile_overlayer_lowered;
	s6 =	simm.s32 $_tile_overlayer_lowered  }
0xa1: {  	s22 =	simm.s32 $0x1BFF;
	s21 =	sshll.u32 s6, $0x1;
	s3 =	sadd.s32 s19, s18  }
0xa2: {  	s7 =	simm.s32 $0x0;
	s20 =	sshll.u32 s5, $0x1;
	s5 =	sadd.s32 s21, s3  }
0xa3: {  	[timem:s7], [sflag:s22] =	dma.local [hbm:s5], s20  }
0xa4: {  	_ =	swait.ge [sflag:s22], s20  }
0xa5: {  	s4 =	ssub.s32 $0x0, s20;
	[sflag:s22] =	ssyncset.done $0x0  }
0xa6: {  	[sflag:s22] =	ssyncadd.s32 s4;
	_ =	sdelay $0x1  }
0xa7: {  	s23 =	simm.s32 $0x1B8B  }
0xa8: {  	_ =	swait.ge [sflag:s23], $0x1  }
0xa9: {  	[sflag:s23] =	ssyncset.done $0x0  }
0xaa: {  	s25 =	simm.s32 $0x1B8E;
	s24 =	sld [smem:$0x3FFE];
	[sflag:s23] =	ssyncadd.s32 $0xFFFFFFFF  }
0xab: {  	s26 =	simm.s32 $execute0_lowered;
	[smem:$0x3FD2] =	sst s25  }
0xac: {  	s5 =	sshll.u32 s26, $0x1;
	_ =	strace $0x80000046;
	[dreg:$0x1] =	wrdreg $0xFFFFFFFF  }
0xad: {  	s28 =	simm.s32 $_size_execute0_lowered;
	s3 =	sadd.s32 s3, s5;
	[dreg:$0x0] =	wrdreg $0x0  }
0xae: {  	s5 =	sshll.u32 s28, $0x1;
	[dreg:$0x2] =	wrdreg s3  }
0xaf: {  	[dreg:$0x3] =	wrdreg s5  }
0xb0: {  	[dreg:$0x4] =	wrdreg $0xC0  }
0xb1: {  	_ =	task [dreg:s7], $0x5FFFF  }
0xb2: {  	[dreg:$0x1] =	wrdreg $0xFFFFFFFF  }
0xb3: {  	[dreg:$0x0] =	wrdreg $0x60  }
0xb4: {  	[dreg:$0x2] =	wrdreg s16  }
0xb5: {  	[dreg:$0x3] =	wrdreg s24  }
0xb6: {  	[dreg:$0x4] =	wrdreg $0xA  }
0xb7: {  	_ =	task.clear_ibuf [dreg:s7], $0x5FFFF;
	_ =	strace $0x90000046  }
0xb8: {  	s29 =	simm.s32 $0xA;
	_ =	strace $0x80000048  }
0xb9: {  	_ =	swait.ge [sflag:s29], $0x1  }
0xba: {  	[sflag:s29] =	ssyncadd.s32 $0xFFFFFFFF  }
0xbb: {  	_ =	strace $0x90000048  }
0xbc: {  	_ =	sfence  }
0xbd: {  	s30 =	sld [smem:$0x0];
	_ =	sdelay $0x2  }
0xbe: {  	s31 =	sshll.u32 s1, $0xD;
	s1 =	sshrl.u32 s1, $0x2  }
0xbf: {  	s3 =	sand.u32 $0x4000, s31;
	s1 =	sadd.s32 s1, s30  }
0xc0: {  	s0 =	sor.u32 s3, s0;
	s1 =	sshll.u32 s1, $0x11  }
0xc1: {  	s0 =	sor.u32 s1, s0  }
0xc2: {  	s0 =	sadd.s32 $0x8F2B, s0  }
0xc3: {  	[sflag:s0] =	ssyncadd.remote.s32 $0x1  }
0xc4: {  	_ =	sfence.sel $0xFFFF  }
0xc5: {  	[dreg:$0x0] =	wrdreg $0xFFFFFFFF;
	(pc) =	sbr.abs _section_cstart, $3  }
0xc6: {  	[dreg:$0x1] =	wrdreg $0xFFFFFFFF  }
0xc7: {  	_ =	task.clear_ibuf [dreg:s7], $0x2FFFF;
	_ =	strace $0x9FFFFFFF  }
0xc8: {  	(tm) =	ssettm $0x7FFFFFFF  }
0xc9: {  	_ =	shalt  }
tec
execute0_lowered:
.L_overlay_start_1:
0x0: {  	(tag) =	ssettag $0x1  }
0x1: {  	s2 =	rddreg [dreg:$0x0]  }
0x2: {  	s0 =	rddreg [dreg:$0x1];
	s1 =	stileid.u32;
	s3 =	simm.s32 $0x0  }
0x3: {  	s4 =	srdreg.scid;
	s26 =	simm.s32 $0x900;
	[smem:$0x7FF] =	sst s3  }
0x4: {  	s29 =	simm.s32 $0x1100;
	_ =	strace $0x80000047;
	[dreg:$0x4] =	wrdreg s26  }
0x5: {  	s31 =	simm.s32 $0x1900;
	s10 =	simm.s32 $0x2100;
	[dreg:$0x5] =	wrdreg s29  }
0x6: {  	s11 =	simm.s32 $0x2900;
	s13 =	simm.s32 $0x3100;
	[dreg:$0x6] =	wrdreg s31  }
0x7: {  	s14 =	simm.s32 $0x4100;
	s16 =	simm.s32 $0x4900;
	[dreg:$0x7] =	wrdreg s10  }
0x8: {  	s17 =	simm.s32 $0x5100;
	s18 =	simm.s32 $0x5900;
	[dreg:$0x8] =	wrdreg s11  }
0x9: {  	s19 =	simm.s32 $0x6100;
	s20 =	simm.s32 $0x6900;
	[dreg:$0x9] =	wrdreg s13  }
0xa: {  	s21 =	simm.s32 $0x7100;
	s22 =	simm.s32 $0x7900;
	[dreg:$0xb] =	wrdreg s14  }
0xb: {  	s23 =	simm.s32 $0x8900;
	s28 =	simm.s32 $0x0;
	[dreg:$0xc] =	wrdreg s16  }
0xc: {  	s5 =	sshll.u32 s1, $0xF;
	s7 =	sand.u32 $0x1, s4;
	[dreg:$0xd] =	wrdreg s17  }
0xd: {  	s4 =	sadd.s32 $0x4000, s0;
	s9 =	sadd.s32 $0x3000, s0;
	[dreg:$0xe] =	wrdreg s18  }
0xe: {  	s6 =	sshll.u32 s1, $0x11;
	s12 =	sshll.u32 s1, $0xB;
	[dreg:$0xf] =	wrdreg s19  }
0xf: {  	s24 =	sadd.s32 s5, s0;
	s25 =	sshll.u32 s7, $0xE;
	[dreg:$0x10] =	wrdreg s20  }
0x10: {  	s0 =	sadd.s32 s6, s0;
	s30 =	ssub.s32 $0x2, s7;
	[dreg:$0x11] =	wrdreg s21  }
0x11: {  	s10 =	sshll.u32 s7, $0xA;
	s11 =	simm.s32 $0x3900;
	[dreg:$0x12] =	wrdreg s22  }
0x12: {  	s7 =	sshll.u32 s7, $0x10;
	[dreg:$0x13] =	wrdreg s23;
	s26 =	simm.s32 $0xA100  }
0x13: {  	s29 =	simm.s32 $0xA900;
	s13 =	simm.s32 $0x10100;
	s31 =	simm.s32 $0xB900  }
0x14: {  	s14 =	simm.s32 $0x80;
	s16 =	simm.s32 $0xC100;
	s17 =	simm.s32 $0xC900  }
0x15: {  	s18 =	simm.s32 $0xD100;
	s19 =	simm.s32 $0xD900;
	s20 =	simm.s32 $0xE100  }
0x16: {  	s21 =	simm.s32 $0xE900;
	s22 =	simm.s32 $0xF100;
	s23 =	simm.s32 $0xF900  }
0x17: {  	s5 =	sadd.s32 s25, s24;
	s8 =	sshrl.u32 s30, $0x1;
	[dreg:$0xa] =	wrdreg s11  }
0x18: {  	s0 =	sadd.s32 s7, s0;
	s10 =	sor.u32 s10, s12;
	[dreg:$0x16] =	wrdreg s26  }
0x19: {  	s24 =	simm.s32 $0x9100;
	s25 =	simm.s32 $0x9900;
	[dreg:$0x17] =	wrdreg s29  }
0x1a: {  	s11 =	simm.s32 $0x100;
	s12 =	simm.s32 $0x40;
	[dreg:$0x19] =	wrdreg s31  }
0x1b: {  	s26 =	simm.s32 $0x2;
	s5 =	sadd.s32 $0x20C000, s5;
	s6 =	ssub.s32 s30, s8  }
0x1c: {  	s7 =	sadd.s32 $0xC000, s0;
	s8 =	sor.u32 $0x40, s10;
	[dreg:$0x14] =	wrdreg s24  }
0x1d: {  	s10 =	sshrl.u32 s10, $0x3;
	[dreg:$0x15] =	wrdreg s25;
	s30 =	simm.s32 $0xB100  }
0x1e: {  	s24 =	simm.s32 $0x12100;
	s25 =	simm.s32 $0x1;
	[dreg:$0x3] =	wrdreg s5  }
0x1f: {  	v2 =	vlaneseq.u32;
	s15 =	smax.u32 s6, $0x1;
	s8 =	sshrl.u32 s8, $0x3;
	[dreg:$0x18] =	wrdreg s30  }
0x20: {  	vm0 =	vmmov $0xffff;
	v1 =	vshrl.u32 v2, $0x3;
	s5 =	sadd.s32 $0x100, s2;
	[dreg:$0x1a] =	wrdreg s15;
	s8 =	sadd.s32 s8, s9  }
0x21: {  	v0 =	vand.u32 $0x7, v2;
	v2 =	vor.u32 $0x8, v2;
	v1 =	vmul.u32 $0x8, v1;
	s9 =	sadd.s32 s10, s9;
	s10 =	simm.s32 $0x3;
	s15 =	simm.s32 $0x8100  }
.LBB2_1:
0x22: {  	s29 =	smov.u32 s9  }
0x23: {  	s30 =	smov.u32 s8;
	s31 =	smov.u32 s7;
	s0 =	simm.s32 $0x0  }
.LBB2_2:
0x24: {  	[tilespmem:s3], [sflag:$0x3] =	stream.linear.gather [hbm4b:s29+s3], $0x40, $0x38;
	[tilespmem:$0x14100] =	vst v63  }
0x25: {  	_ =	swait.ge [sflag:s10], $0x40  }
0x26: {  	[sflag:s10] =	ssyncset.done $0x0  }
0x27: {  	[sflag:s10] =	ssyncadd.s32 $0xFFFFFFC0  }
0x28: {  	v3 =	vld [tilespmem:$0x0];
	_ =	sdelay $0x4  }
0x29: {  	v4 =	vshll.u32 v3, $0x2  }
0x2a: {  	v3 =	vand.u32 $0x7, v3;
	v4 =	vand.u32 $0xFFFFFFE0, v4  }
0x2b: {  	v3 =	vor.u32 v3, v4  }
0x2c: {  	v4 =	vperm.xlane v3, v0;
	_ =	sdelay $0x1  }
0x2d: {  	v4 =	vadd.s32 v1, v4;
	_ =	sdelay $0x1  }
0x2e: {  	v3 =	vperm.xlane v3, v2;
	_ =	sdelay $0x1  }
0x2f: {  	v3 =	vadd.s32 v1, v3  }
0x30: {  	[tilespmem:s11], [sflag:$0x1] =	stream.indirect_vreg.gather [hbm4b:s2+s3], $0x80, v4, vm0, $0xb8;
	[tilespmem:$0x14100] =	vst v63  }
0x31: {  	s1 =	rddreg [dreg:$0x4]  }
0x32: {  	[tilespmem:s1], [sflag:$0x1] =	stream.indirect_vreg.gather [hbm4b:s5+s3], $0x80, v4, vm0, $0xb8;
	[tilespmem:$0x14100] =	vst v63  }
0x33: {  	s6 =	rddreg [dreg:$0x5]  }
0x34: {  	[tilespmem:s6], [sflag:$0x1] =	stream.indirect_vreg.gather [hbm4b:s2+s3], $0x80, v3, vm0, $0xb8;
	[tilespmem:$0x14100] =	vst v63  }
0x35: {  	s1 =	rddreg [dreg:$0x6]  }
0x36: {  	[tilespmem:s1], [sflag:$0x1] =	stream.indirect_vreg.gather [hbm4b:s5+s3], $0x80, v3, vm0, $0xb8;
	[tilespmem:$0x14100] =	vst v63  }
0x37: {  	v3 =	vld [tilespmem:$0x10];
	_ =	sdelay $0x4  }
0x38: {  	v57 =	vshll.u32 v3, $0x2  }
0x39: {  	v3 =	vand.u32 $0x7, v3;
	v4 =	vand.u32 $0xFFFFFFE0, v57  }
0x3a: {  	v3 =	vor.u32 v3, v4  }
0x3b: {  	v4 =	vperm.xlane v3, v0;
	_ =	sdelay $0x1  }
0x3c: {  	v4 =	vadd.s32 v1, v4;
	_ =	sdelay $0x1  }
0x3d: {  	v3 =	vperm.xlane v3, v2;
	_ =	sdelay $0x1  }
0x3e: {  	s1 =	rddreg [dreg:$0x7];
	v3 =	vadd.s32 v1, v3  }
0x3f: {  	[tilespmem:s1], [sflag:$0x1] =	stream.indirect_vreg.gather [hbm4b:s2+s3], $0x80, v4, vm0, $0xb8;
	[tilespmem:$0x14100] =	vst v63  }
0x40: {  	s6 =	rddreg [dreg:$0x8]  }
0x41: {  	[tilespmem:s6], [sflag:$0x1] =	stream.indirect_vreg.gather [hbm4b:s5+s3], $0x80, v4, vm0, $0xb8;
	[tilespmem:$0x14100] =	vst v63  }
0x42: {  	s1 =	rddreg [dreg:$0x9]  }
0x43: {  	[tilespmem:s1], [sflag:$0x1] =	stream.indirect_vreg.gather [hbm4b:s2+s3], $0x80, v3, vm0, $0xb8;
	[tilespmem:$0x14100] =	vst v63  }
0x44: {  	s6 =	rddreg [dreg:$0xa]  }
0x45: {  	[tilespmem:s6], [sflag:$0x1] =	stream.indirect_vreg.gather [hbm4b:s5+s3], $0x80, v3, vm0, $0xb8;
	[tilespmem:$0x14100] =	vst v63  }
0x46: {  	v3 =	vld [tilespmem:$0x20];
	_ =	sdelay $0x4  }
0x47: {  	v58 =	vshll.u32 v3, $0x2  }
0x48: {  	v3 =	vand.u32 $0x7, v3;
	v4 =	vand.u32 $0xFFFFFFE0, v58  }
0x49: {  	v3 =	vor.u32 v3, v4  }
0x4a: {  	v4 =	vperm.xlane v3, v0;
	_ =	sdelay $0x1  }
0x4b: {  	v4 =	vadd.s32 v1, v4;
	_ =	sdelay $0x1  }
0x4c: {  	v3 =	vperm.xlane v3, v2;
	_ =	sdelay $0x1  }
0x4d: {  	s1 =	rddreg [dreg:$0xb];
	v3 =	vadd.s32 v1, v3  }
0x4e: {  	[tilespmem:s1], [sflag:$0x1] =	stream.indirect_vreg.gather [hbm4b:s2+s3], $0x80, v4, vm0, $0xb8;
	[tilespmem:$0x14100] =	vst v63  }
0x4f: {  	s6 =	rddreg [dreg:$0xc]  }
0x50: {  	[tilespmem:s6], [sflag:$0x1] =	stream.indirect_vreg.gather [hbm4b:s5+s3], $0x80, v4, vm0, $0xb8;
	[tilespmem:$0x14100] =	vst v63  }
0x51: {  	s1 =	rddreg [dreg:$0xd]  }
0x52: {  	[tilespmem:s1], [sflag:$0x1] =	stream.indirect_vreg.gather [hbm4b:s2+s3], $0x80, v3, vm0, $0xb8;
	[tilespmem:$0x14100] =	vst v63  }
0x53: {  	s6 =	rddreg [dreg:$0xe]  }
0x54: {  	[tilespmem:s6], [sflag:$0x1] =	stream.indirect_vreg.gather [hbm4b:s5+s3], $0x80, v3, vm0, $0xb8;
	[tilespmem:$0x14100] =	vst v63  }
0x55: {  	v3 =	vld [tilespmem:$0x30];
	_ =	sdelay $0x4  }
0x56: {  	v59 =	vshll.u32 v3, $0x2  }
0x57: {  	v3 =	vand.u32 $0x7, v3;
	v4 =	vand.u32 $0xFFFFFFE0, v59  }
0x58: {  	v3 =	vor.u32 v3, v4  }
0x59: {  	v4 =	vperm.xlane v3, v0;
	_ =	sdelay $0x1  }
0x5a: {  	v4 =	vadd.s32 v1, v4;
	_ =	sdelay $0x1  }
0x5b: {  	v3 =	vperm.xlane v3, v2;
	_ =	sdelay $0x1  }
0x5c: {  	s1 =	rddreg [dreg:$0xf];
	v3 =	vadd.s32 v1, v3  }
0x5d: {  	[tilespmem:s1], [sflag:$0x1] =	stream.indirect_vreg.gather [hbm4b:s2+s3], $0x80, v4, vm0, $0xb8;
	[tilespmem:$0x14100] =	vst v63  }
0x5e: {  	s6 =	rddreg [dreg:$0x10]  }
0x5f: {  	[tilespmem:s6], [sflag:$0x1] =	stream.indirect_vreg.gather [hbm4b:s5+s3], $0x80, v4, vm0, $0xb8;
	[tilespmem:$0x14100] =	vst v63  }
0x60: {  	s1 =	rddreg [dreg:$0x11]  }
0x61: {  	[tilespmem:s1], [sflag:$0x1] =	stream.indirect_vreg.gather [hbm4b:s2+s3], $0x80, v3, vm0, $0xb8;
	[tilespmem:$0x14100] =	vst v63  }
0x62: {  	s6 =	rddreg [dreg:$0x12]  }
0x63: {  	[tilespmem:s6], [sflag:$0x1] =	stream.indirect_vreg.gather [hbm4b:s5+s3], $0x80, v3, vm0, $0xb8;
	[tilespmem:$0x14100] =	vst v63  }
0x64: {  	_ = 	snop  }
0x65: {  	[tilespmem:s13], [sflag:$0x1] =	stream.indirect.gather [hbm4b:s4+s12], $0x80, s3, s12, $0xb8;
	[tilespmem:$0x14100] =	vst v63  }
0x66: {  	_ = 	snop  }
0x67: {  	[tilespmem:s14], [sflag:$0x3] =	stream.linear.gather [hbm4b:s30+s3], $0x40, $0x38;
	[tilespmem:$0x14100] =	vst v63  }
0x68: {  	_ =	swait.ge [sflag:s10], $0x40  }
0x69: {  	[sflag:s10] =	ssyncset.done $0x0  }
0x6a: {  	[sflag:s10] =	ssyncadd.s32 $0xFFFFFFC0  }
0x6b: {  	v3 =	vld [tilespmem:$0x80];
	_ =	sdelay $0x4  }
0x6c: {  	v60 =	vshll.u32 v3, $0x2  }
0x6d: {  	v3 =	vand.u32 $0x7, v3;
	v4 =	vand.u32 $0xFFFFFFE0, v60  }
0x6e: {  	v3 =	vor.u32 v3, v4  }
0x6f: {  	v4 =	vperm.xlane v3, v0;
	_ =	sdelay $0x1  }
0x70: {  	v4 =	vadd.s32 v1, v4;
	_ =	sdelay $0x1  }
0x71: {  	v3 =	vperm.xlane v3, v2;
	_ =	sdelay $0x1  }
0x72: {  	v3 =	vadd.s32 v1, v3  }
0x73: {  	[tilespmem:s15], [sflag:$0x2] =	stream.indirect_vreg.gather [hbm4b:s2+s3], $0x80, v4, vm0, $0xb8;
	[tilespmem:$0x14100] =	vst v63  }
0x74: {  	s1 =	rddreg [dreg:$0x13]  }
0x75: {  	[tilespmem:s1], [sflag:$0x2] =	stream.indirect_vreg.gather [hbm4b:s5+s3], $0x80, v4, vm0, $0xb8;
	[tilespmem:$0x14100] =	vst v63  }
0x76: {  	s6 =	rddreg [dreg:$0x14]  }
0x77: {  	[tilespmem:s6], [sflag:$0x2] =	stream.indirect_vreg.gather [hbm4b:s2+s3], $0x80, v3, vm0, $0xb8;
	[tilespmem:$0x14100] =	vst v63  }
0x78: {  	s1 =	rddreg [dreg:$0x15]  }
0x79: {  	[tilespmem:s1], [sflag:$0x2] =	stream.indirect_vreg.gather [hbm4b:s5+s3], $0x80, v3, vm0, $0xb8;
	[tilespmem:$0x14100] =	vst v63  }
0x7a: {  	v3 =	vld [tilespmem:$0x90];
	_ =	sdelay $0x4  }
0x7b: {  	v61 =	vshll.u32 v3, $0x2  }
0x7c: {  	v3 =	vand.u32 $0x7, v3;
	v4 =	vand.u32 $0xFFFFFFE0, v61  }
0x7d: {  	v3 =	vor.u32 v3, v4  }
0x7e: {  	v4 =	vperm.xlane v3, v0;
	_ =	sdelay $0x1  }
0x7f: {  	v4 =	vadd.s32 v1, v4;
	_ =	sdelay $0x1  }
0x80: {  	v3 =	vperm.xlane v3, v2;
	_ =	sdelay $0x1  }
0x81: {  	s1 =	rddreg [dreg:$0x16];
	v3 =	vadd.s32 v1, v3  }
0x82: {  	[tilespmem:s1], [sflag:$0x2] =	stream.indirect_vreg.gather [hbm4b:s2+s3], $0x80, v4, vm0, $0xb8;
	[tilespmem:$0x14100] =	vst v63  }
0x83: {  	s6 =	rddreg [dreg:$0x17]  }
0x84: {  	[tilespmem:s6], [sflag:$0x2] =	stream.indirect_vreg.gather [hbm4b:s5+s3], $0x80, v4, vm0, $0xb8;
	[tilespmem:$0x14100] =	vst v63  }
0x85: {  	s1 =	rddreg [dreg:$0x18]  }
0x86: {  	[tilespmem:s1], [sflag:$0x2] =	stream.indirect_vreg.gather [hbm4b:s2+s3], $0x80, v3, vm0, $0xb8;
	[tilespmem:$0x14100] =	vst v63  }
0x87: {  	s6 =	rddreg [dreg:$0x19]  }
0x88: {  	[tilespmem:s6], [sflag:$0x2] =	stream.indirect_vreg.gather [hbm4b:s5+s3], $0x80, v3, vm0, $0xb8;
	[tilespmem:$0x14100] =	vst v63  }
0x89: {  	v3 =	vld [tilespmem:$0xA0];
	_ =	sdelay $0x4  }
0x8a: {  	v62 =	vshll.u32 v3, $0x2  }
0x8b: {  	v3 =	vand.u32 $0x7, v3;
	v4 =	vand.u32 $0xFFFFFFE0, v62  }
0x8c: {  	v3 =	vor.u32 v3, v4  }
0x8d: {  	v4 =	vperm.xlane v3, v0;
	_ =	sdelay $0x1  }
0x8e: {  	v4 =	vadd.s32 v1, v4;
	_ =	sdelay $0x1  }
0x8f: {  	v3 =	vperm.xlane v3, v2;
	_ =	sdelay $0x1  }
0x90: {  	v3 =	vadd.s32 v1, v3  }
0x91: {  	[tilespmem:s16], [sflag:$0x2] =	stream.indirect_vreg.gather [hbm4b:s2+s3], $0x80, v4, vm0, $0xb8;
	[tilespmem:$0x14100] =	vst v63  }
0x92: {  	_ = 	snop  }
0x93: {  	[tilespmem:s17], [sflag:$0x2] =	stream.indirect_vreg.gather [hbm4b:s5+s3], $0x80, v4, vm0, $0xb8;
	[tilespmem:$0x14100] =	vst v63  }
0x94: {  	_ = 	snop  }
0x95: {  	[tilespmem:s18], [sflag:$0x2] =	stream.indirect_vreg.gather [hbm4b:s2+s3], $0x80, v3, vm0, $0xb8;
	[tilespmem:$0x14100] =	vst v63  }
0x96: {  	_ = 	snop  }
0x97: {  	[tilespmem:s19], [sflag:$0x2] =	stream.indirect_vreg.gather [hbm4b:s5+s3], $0x80, v3, vm0, $0xb8;
	[tilespmem:$0x14100] =	vst v63  }
0x98: {  	v3 =	vld [tilespmem:$0xB0];
	_ =	sdelay $0x4  }
0x99: {  	v63 =	vshll.u32 v3, $0x2  }
0x9a: {  	v3 =	vand.u32 $0x7, v3;
	v4 =	vand.u32 $0xFFFFFFE0, v63  }
0x9b: {  	v3 =	vor.u32 v3, v4  }
0x9c: {  	v4 =	vperm.xlane v3, v0;
	_ =	sdelay $0x1  }
0x9d: {  	v4 =	vadd.s32 v1, v4;
	_ =	sdelay $0x1  }
0x9e: {  	v3 =	vperm.xlane v3, v2;
	_ =	sdelay $0x1  }
0x9f: {  	v3 =	vadd.s32 v1, v3  }
0xa0: {  	[tilespmem:s20], [sflag:$0x2] =	stream.indirect_vreg.gather [hbm4b:s2+s3], $0x80, v4, vm0, $0xb8;
	[tilespmem:$0x14100] =	vst v63  }
0xa1: {  	_ = 	snop  }
0xa2: {  	[tilespmem:s21], [sflag:$0x2] =	stream.indirect_vreg.gather [hbm4b:s5+s3], $0x80, v4, vm0, $0xb8;
	[tilespmem:$0x14100] =	vst v63  }
0xa3: {  	_ = 	snop  }
0xa4: {  	[tilespmem:s22], [sflag:$0x2] =	stream.indirect_vreg.gather [hbm4b:s2+s3], $0x80, v3, vm0, $0xb8;
	[tilespmem:$0x14100] =	vst v63  }
0xa5: {  	_ = 	snop  }
0xa6: {  	[tilespmem:s23], [sflag:$0x2] =	stream.indirect_vreg.gather [hbm4b:s5+s3], $0x80, v3, vm0, $0xb8;
	[tilespmem:$0x14100] =	vst v63  }
0xa7: {  	_ = 	snop  }
0xa8: {  	[tilespmem:s24], [sflag:$0x2] =	stream.indirect.gather [hbm4b:s4+s12], $0x80, s14, s12, $0xb8;
	[tilespmem:$0x14100] =	vst v63  }
0xa9: {  	_ =	swait.ge [sflag:s25], $0x8000  }
0xaa: {  	[sflag:s25] =	ssyncset.done $0x0  }
0xab: {  	[sflag:s25] =	ssyncadd.s32 $0xFFFF8000  }
0xac: {  	_ =	swait.ge [sflag:s25], $0x2000  }
0xad: {  	[sflag:s25] =	ssyncset.done $0x0  }
0xae: {  	[sflag:s25] =	ssyncadd.s32 $0xFFFFE000  }
0xaf: {  	[hbm4b:s31+s3] =	stream.linear.scatter [tilespmem:s11], [sflag:$0x3], $0x8000, $0x38;
	[tilespmem:$0x14100] =	vst v63  }
0xb0: {  	_ =	swait.ge [sflag:s10], $0x8000  }
0xb1: {  	s6 =	rddreg [dreg:$0x3];
	[sflag:s10] =	ssyncset.done $0x0  }
0xb2: {  	[sflag:s10] =	ssyncadd.s32 $0xFFFF8000;
	s1 =	sadd.s32 s0, s6  }
0xb3: {  	[hbm4b:s1+s3] =	stream.linear.scatter [tilespmem:s13], [sflag:$0x3], $0x2000, $0x38;
	[tilespmem:$0x14100] =	vst v63  }
0xb4: {  	_ =	swait.ge [sflag:s10], $0x2000  }
0xb5: {  	[sflag:s10] =	ssyncset.done $0x0  }
0xb6: {  	[sflag:s10] =	ssyncadd.s32 $0xFFFFE000  }
0xb7: {  	_ =	swait.ge [sflag:s26], $0x8000  }
0xb8: {  	[sflag:s26] =	ssyncset.done $0x0  }
0xb9: {  	[sflag:s26] =	ssyncadd.s32 $0xFFFF8000  }
0xba: {  	_ =	swait.ge [sflag:s26], $0x2000  }
0xbb: {  	[sflag:s26] =	ssyncset.done $0x0  }
0xbc: {  	s6 =	sadd.s32 $0x1000, s31;
	[sflag:s26] =	ssyncadd.s32 $0xFFFFE000  }
0xbd: {  	[hbm4b:s6+s3] =	stream.linear.scatter [tilespmem:s15], [sflag:$0x3], $0x8000, $0x38;
	[tilespmem:$0x14100] =	vst v63  }
0xbe: {  	_ =	swait.ge [sflag:s10], $0x8000  }
0xbf: {  	p0 =	sne.s32 s0, $0x3800;
	[sflag:s10] =	ssyncset.done $0x0  }
.Ltmp0:
0xc0: {  	s1 =	sadd.s32 $0x400, s1;
	[sflag:s10] =	ssyncadd.s32 $0xFFFF8000;
	(pc) =	sbr.rel @p0 .LBB2_2-.Ltmp0, $4  }
0xc1: {  	[hbm4b:s1+s3] =	stream.linear.scatter [tilespmem:s24], [sflag:$0x3], $0x2000, $0x38;
	[tilespmem:$0x14100] =	vst v63  }
0xc2: {  	_ =	swait.ge [sflag:s10], $0x2000  }
0xc3: {  	s29 =	sadd.s32 $0x10, s29;
	s30 =	sadd.s32 $0x10, s30;
	[sflag:s10] =	ssyncset.done $0x0  }
0xc4: {  	s31 =	sadd.s32 $0x2000, s31;
	s0 =	sadd.s32 $0x800, s0;
	[sflag:s10] =	ssyncadd.s32 $0xFFFFE000  }
0xc5: {  	s28 =	sadd.s32 $0x1, s28;
	s0 =	rddreg [dreg:$0x1a]  }
0xc6: {  	p0 =	sne.s32 s28, s0  }
.Ltmp1:
0xc7: {  	_ = 	snop;
	(pc) =	sbr.rel @p0 .LBB2_1-.Ltmp1, $1  }
0xc8: {  	_ =	sdelay $0x3  }
0xc9: {  	_ =	sfence.sel $0x180000  }
0xca: {  	[bflag:$0x0] =	sbarrier.arrive $0xFFFF  }
0xcb: {  	_ =	strace $0x90000047  }
0xcc: {  	s0 =	stileid.u32;
	[bflag:$0x2] =	sbarrier.arrive $0xFFFF  }
0xcd: {  	p0 =	sne.s32 s0, $0x0;
	s0 =	rddreg [dreg:$0x2]  }
0xce: {  	s0 =	sadd.s32 @!p0 $0x100000, s0  }
0xcf: {  	[sflag:s0] =	ssyncadd.tile.s32 @!p0 $0x1;
	_ =	shalt  }
.Lfunc_end2:
_tile_overlayer_lowered:
.L_overlay_start_2:
0xd0: {  	(tag) =	ssettag $0x2  }
0xd1: {  	s0 =	rddreg [dreg:$0x0];
	s2 =	stileid.u32  }
0xd2: {  	s1 =	rddreg [dreg:$0x1];
	p0 =	sne.s32 s2, $0x0  }
0xd3: {  	s3 =	rddreg [dreg:$0x2];
	[bflag:$0x3] =	sbarrier.arrive $0xFFFF;
	s2 =	simm.s32 @!p0 $0x1C03  }
0xd4: {  	[timem:s3], [sflag:s2] =	dma.local @!p0 [hbm:s0], s1  }
0xd5: {  	s0 =	simm.s32 @!p0 $0x3  }
0xd6: {  	_ =	swait.ge @!p0 [sflag:s0], s1  }
0xd7: {  	s1 =	ssub.s32 @!p0 $0x0, s1;
	[sflag:s0] =	ssyncset.done @!p0 $0x0  }
0xd8: {  	[sflag:s0] =	ssyncadd.s32 @!p0 s1  }
0xd9: {  	[bflag:$0x3] =	sbarrier.arrive $0xFFFF  }
0xda: {  	_ =	shalt  }

// kernel: kernel.9.cloned.1.call-start
scs
__scs_entry_jumppad:
0x0: {  	(pc) =	sbr.rel $0x88, $3  }
0x1: {  	(tag) =	ssettag $0x0;
	lr =	simm.s32 $0x1  }
0x2: {  	[smem:$0x3F97] =	sst lr;
	_ =	strace $0xD0000000  }
0x3: {  	_ = 	snop  }
0x4: {  	_ = 	snop  }
0x5: {  	_ = 	snop  }
0x6: {  	_ = 	snop  }
0x7: {  	_ = 	snop  }
__scs_overlays_trampoline_lowered:
0x8: {  	[smem:$0x3FA6] =	sst s0  }
0x9: {  	[smem:$0x3FA7] =	sst s1  }
0xa: {  	[smem:$0x3FA8] =	sst s2  }
0xb: {  	[smem:$0x3FA9] =	sst s3  }
0xc: {  	[smem:$0x3FAA] =	sst s4  }
0xd: {  	[smem:$0x3FAB] =	sst s5  }
0xe: {  	[smem:$0x3FAC] =	sst s6  }
0xf: {  	[smem:$0x3FAD] =	sst s7  }
0x10: {  	[smem:$0x3FAE] =	sst s8  }
0x11: {  	[smem:$0x3FAF] =	sst s9;
	s0 =	simm.s32 @!p0 $0x0  }
0x12: {  	s1 =	sld [smem:$0x3F95];
	s0 =	simm.s32 @p0 $0x1  }
0x13: {  	[smem:$0x3FB0] =	sst s0;
	s0 =	simm.s32 @!p1 $0x0  }
0x14: {  	s2 =	sld [smem:$0x3F94];
	s0 =	simm.s32 @p1 $0x1  }
0x15: {  	[smem:$0x3FB1] =	sst s0;
	s0 =	simm.s32 @!p2 $0x0  }
0x16: {  	s3 =	sld [smem:$0x3FDB];
	s0 =	simm.s32 @p2 $0x1  }
0x17: {  	s4 =	simm.s32 $0x1BF5;
	[smem:$0x3FB3] =	sst s0  }
0x18: {  	s0 =	sld [smem:$0x3F96];
	_ =	swait.ge [sflag:s4], $0x0  }
0x19: {  	s7 =	sld [smem:$0x3F97]  }
0x1a: {  	s8 =	sadd.s32 $0xFFFFE003, lr  }
0x1b: {  	s9 =	sadd.s32 $0xFFFFFEF7, lr;
	s5 =	simm.s32 $0xFFFFFFFF;
	p2 =	slt.u32 s8, $0xFFFFF086  }
0x1c: {  	p1 =	slt.u32 s9, $0xF7A;
	s5 =	simm.s32 @!p2 $0x0  }
0x1d: {  	s5 =	simm.s32 @p1 $0x1;
	p0 =	seq.s32 s7, s2  }
0x1e: {  	s7 =	smul.u32 @!p0 $0xF7A, s2;
	p2 =	seq.s32 @!p0 s5, $0x0  }
0x1f: {  	s9 =	smul.u32 $0xF7A, s1;
	s8 =	simm.s32 @!p0 $0x1BF5;
	p2 =	por !p2, p0  }
0x20: {  	[sflag:s8] =	ssyncset.s32 @!p0 $0xFFFFF086;
	s6 =	sadd.s32 @!p0 s3, s7;
	s7 =	simm.s32 @!p0 $0x108  }
0x21: {  	s3 =	sadd.s32 s3, s9;
	s6 =	sadd.s32 @!p0 $0x88, s6;
	s7 =	simm.s32 @p2 $0x1082  }
0x22: {  	[simem:s7], [sflag:s8] =	dma.local @!p0 [hbm:s6], $0xF7A  }
0x23: {  	s9 =	sor.u32 $0xD0000000, s2;
	s6 =	simm.s32 $0x108;
	_ =	swait.ge @!p0 [sflag:s8], $0x0  }
0x24: {  	s3 =	sadd.s32 $0x88, s3;
	s6 =	simm.s32 @!p1 $0x1082;
	[sflag:s4] =	ssyncset.s32 $0xFFFFF086  }
0x25: {  	[simem:s6], [sflag:s4] =	dma.local [hbm:s3], $0xF7A  }
0x26: {  	[smem:$0x3F97] =	sst s1;
	(tag) =	ssettag s2;
	_ =	strace s9  }
0x27: {  	s1 =	sld [smem:$0x3FA7]  }
0x28: {  	s2 =	sld [smem:$0x3FA8]  }
0x29: {  	s4 =	sld [smem:$0x3FAA]  }
0x2a: {  	p0 =	seq.s32 s5, $0x0;
	s5 =	sld [smem:$0x3FAB]  }
0x2b: {  	s6 =	sld [smem:$0x3FAC]  }
0x2c: {  	s7 =	sld [smem:$0x3FAD]  }
0x2d: {  	s3 =	simm.s32 $0x108;
	s8 =	sld [smem:$0x3FAE]  }
0x2e: {  	s3 =	simm.s32 @!p0 $0x1082;
	s9 =	sld [smem:$0x3FAF]  }
0x2f: {  	lr =	sadd.s32 s0, s3;
	s0 =	sld [smem:$0x3FA6]  }
0x30: {  	s3 =	sld [smem:$0x3FA9]  }
0x31: {  	[smem:$0x3FB2] =	sst s10  }
0x32: {  	s10 =	sld [smem:$0x3FB0];
	_ =	sdelay $0x3  }
0x33: {  	p0 =	seq.s32 s10, $0x1;
	s10 =	sld [smem:$0x3FB2];
	_ =	sdelay $0x3  }
0x34: {  	[smem:$0x3FB2] =	sst s10  }
0x35: {  	s10 =	sld [smem:$0x3FB1];
	_ =	sdelay $0x3  }
0x36: {  	p1 =	seq.s32 s10, $0x1;
	s10 =	sld [smem:$0x3FB2];
	_ =	sdelay $0x3  }
0x37: {  	[smem:$0x3FB2] =	sst s10  }
0x38: {  	s10 =	sld [smem:$0x3FB3]  }
0x39: {  	_ = 	snop;
	(pc) =	sbr.ind lr, $3  }
0x3a: {  	_ = 	snop  }
0x3b: {  	_ = 	snop  }
0x3c: {  	p2 =	seq.s32 s10, $0x1;
	s10 =	sld [smem:$0x3FB2]  }
0x3d: {  	_ =	shalt  }
0x3e: {  	_ =	shalt  }
0x3f: {  	_ =	shalt  }
0x40: {  	_ =	shalt  }
0x41: {  	_ =	shalt  }
0x42: {  	_ =	shalt  }
0x43: {  	_ =	shalt  }
0x44: {  	_ =	shalt  }
0x45: {  	_ =	shalt  }
0x46: {  	_ =	shalt  }
0x47: {  	_ =	shalt  }
0x48: {  	_ =	shalt  }
0x49: {  	_ =	shalt  }
0x4a: {  	_ =	shalt  }
0x4b: {  	_ =	shalt  }
0x4c: {  	_ =	shalt  }
0x4d: {  	_ =	shalt  }
0x4e: {  	_ =	shalt  }
0x4f: {  	_ =	shalt  }
0x50: {  	_ =	shalt  }
0x51: {  	_ =	shalt  }
0x52: {  	_ =	shalt  }
0x53: {  	_ =	shalt  }
0x54: {  	_ =	shalt  }
0x55: {  	_ =	shalt  }
0x56: {  	_ =	shalt  }
0x57: {  	_ =	shalt  }
0x58: {  	_ =	shalt  }
0x59: {  	_ =	shalt  }
0x5a: {  	_ =	shalt  }
0x5b: {  	_ =	shalt  }
0x5c: {  	_ =	shalt  }
0x5d: {  	_ =	shalt  }
0x5e: {  	_ =	shalt  }
0x5f: {  	_ =	shalt  }
0x60: {  	_ =	shalt  }
0x61: {  	_ =	shalt  }
0x62: {  	_ =	shalt  }
0x63: {  	_ =	shalt  }
0x64: {  	_ =	shalt  }
0x65: {  	_ =	shalt  }
0x66: {  	_ =	shalt  }
0x67: {  	_ =	shalt  }
0x68: {  	_ =	shalt  }
0x69: {  	_ =	shalt  }
0x6a: {  	_ =	shalt  }
0x6b: {  	_ =	shalt  }
0x6c: {  	_ =	shalt  }
0x6d: {  	_ =	shalt  }
0x6e: {  	_ =	shalt  }
0x6f: {  	_ =	shalt  }
0x70: {  	_ =	shalt  }
0x71: {  	_ =	shalt  }
0x72: {  	_ =	shalt  }
0x73: {  	_ =	shalt  }
0x74: {  	_ =	shalt  }
0x75: {  	_ =	shalt  }
0x76: {  	_ =	shalt  }
0x77: {  	_ =	shalt  }
0x78: {  	_ =	shalt  }
0x79: {  	_ =	shalt  }
0x7a: {  	_ =	shalt  }
0x7b: {  	_ =	shalt  }
0x7c: {  	_ =	shalt  }
0x7d: {  	_ =	shalt  }
0x7e: {  	_ =	shalt  }
0x7f: {  	_ =	shalt  }
0x80: {  	_ =	shalt  }
0x81: {  	_ =	shalt  }
0x82: {  	_ =	shalt  }
0x83: {  	_ =	shalt  }
0x84: {  	_ =	shalt  }
0x85: {  	_ =	shalt  }
0x86: {  	_ =	shalt  }
0x87: {  	_ =	shalt  }
.Lfunc_end0:
.L_simem_size_0:
called_computation_lowered:
.L_overlay_start_0:
0x88: {  	s2 =	sld [smem:$0x3FD9]  }
0x89: {  	s3 =	sld [smem:$0x3FFE];
	_ =	sdelay $0x1  }
0x8a: {  	s1 =	srdreg.scid  }
0x8b: {  	s0 =	sand.u32 $0x1, s1  }
0x8c: {  	s15 =	sshll.u32 s0, $0xA;
	s2 =	sadd.s32 s3, s2  }
0x8d: {  	s2 =	sadd.s32 s2, s15  }
0x8e: {  	[smem:$0x3FBE] =	sst s2  }
0x8f: {  	_ = 	snop  }
0x90: {  	s2 =	sld [smem:$0x3FD0];
	_ =	sdelay $0x2  }
0x91: {  	s16 =	simm.s32 $0xB;
	s4 =	simm.s32 $0x10  }
0x92: {  	[smem:s4], [sflag:s16] =	dma.local [hbm:s2], $0x1  }
0x93: {  	_ =	swait.eq [sflag:s16], $0x1  }
0x94: {  	[sflag:s16] =	ssyncset.done $0x0  }
0x95: {  	[sflag:s16] =	ssyncadd.s32 $0xFFFFFFFF  }
0x96: {  	s17 =	sld [smem:$0x10];
	(tm) =	ssettm $0x1  }
0x97: {  	s18 =	sld [smem:$0x3FFB];
	_ =	sdelay $0x3  }
0x98: {  	_ =	strace s18  }
0x99: {  	s2 =	sld [smem:$0x3FFC];
	_ =	sdelay $0x3  }
0x9a: {  	_ =	strace s2  }
0x9b: {  	s2 =	sld [smem:$0x3FFD];
	_ =	sdelay $0x3  }
0x9c: {  	_ =	strace s2  }
0x9d: {  	_ =	strace $0x8FFFFFFF  }
0x9e: {  	s19 =	sld [smem:$0x3FDB];
	_ =	sdelay $0x1  }
0x9f: {  	s20 =	simm.s32 $_scs_section_size  }
0xa0: {  	s5 =	simm.s32 $_size__tile_overlayer_lowered;
	s6 =	simm.s32 $_tile_overlayer_lowered  }
0xa1: {  	s7 =	simm.s32 $0x1BFF;
	s21 =	sshll.u32 s6, $0x1;
	s4 =	sadd.s32 s20, s19  }
0xa2: {  	s22 =	simm.s32 $0x0;
	s5 =	sshll.u32 s5, $0x1;
	s6 =	sadd.s32 s21, s4  }
0xa3: {  	[timem:s22], [sflag:s7] =	dma.local [hbm:s6], s5  }
0xa4: {  	_ =	swait.ge [sflag:s7], s5  }
0xa5: {  	s5 =	ssub.s32 $0x0, s5;
	[sflag:s7] =	ssyncset.done $0x0  }
0xa6: {  	[sflag:s7] =	ssyncadd.s32 s5;
	_ =	sdelay $0x1  }
0xa7: {  	s23 =	simm.s32 $0x1B8B  }
0xa8: {  	_ =	swait.ge [sflag:s23], $0x1  }
0xa9: {  	[sflag:s23] =	ssyncset.done $0x0  }
0xaa: {  	[sflag:s23] =	ssyncadd.s32 $0xFFFFFFFF  }
0xab: {  	s5 =	sld [smem:$0x0]  }
0xac: {  	s6 =	sand.u32 $0xFFFFFFFE, s1  }
0xad: {  	p0 =	sne.s32 s1, s6  }
0xae: {  	s6 =	sshll.u32 @p0 s6, $0xE  }
0xaf: {  	s6 =	sadd.s32 @p0 $0x11B8D, s6;
	s7 =	sshll.u32 @p0 s5, $0x11  }
0xb0: {  	s6 =	sor.u32 @p0 s7, s6  }
0xb1: {  	[sflag:s6] =	ssyncadd.remote.s32 @p0 $0x1;
	_ =	sdelay $0x1  }
0xb2: {  	s6 =	simm.s32 @p0 $0x1B8D  }
0xb3: {  	_ =	swait.eq @p0 [sflag:s6], $0x1  }
0xb4: {  	[sflag:s6] =	ssyncadd.s32 @p0 $0xFFFFFFFF  }
0xb5: {  	s7 =	sshll.u32 @!p0 s1, $0xE  }
0xb6: {  	s7 =	sor.u32 @!p0 $0x4000, s7;
	s6 =	simm.s32 @!p0 $0x1B8D  }
0xb7: {  	s5 =	sshll.u32 @!p0 s5, $0x11;
	s7 =	sadd.s32 @!p0 $0x11B8D, s7;
	_ =	swait.eq @!p0 [sflag:s6], $0x1  }
0xb8: {  	s5 =	sor.u32 @!p0 s5, s7;
	[sflag:s6] =	ssyncadd.s32 @!p0 $0xFFFFFFFF  }
0xb9: {  	s25 =	simm.s32 $0x1B8E;
	s24 =	sld [smem:$0x3FFE];
	[sflag:s5] =	ssyncadd.remote.s32 @!p0 $0x1  }
0xba: {  	s26 =	simm.s32 $execute0_lowered;
	[smem:$0x3FD2] =	sst s25  }
0xbb: {  	s6 =	sshll.u32 s26, $0x1;
	_ =	strace $0x80000049;
	[dreg:$0x1] =	wrdreg $0xFFFFFFFF  }
0xbc: {  	s28 =	simm.s32 $_size_execute0_lowered;
	s4 =	sadd.s32 s4, s6;
	[dreg:$0x0] =	wrdreg $0x0  }
0xbd: {  	s6 =	sshll.u32 s28, $0x1;
	[dreg:$0x2] =	wrdreg s4  }
0xbe: {  	[dreg:$0x3] =	wrdreg s6  }
0xbf: {  	[dreg:$0x4] =	wrdreg $0xC0  }
0xc0: {  	_ =	task [dreg:s22], $0x5FFFF  }
0xc1: {  	[dreg:$0x1] =	wrdreg $0xFFFFFFFF  }
0xc2: {  	[dreg:$0x0] =	wrdreg $0x60  }
0xc3: {  	[dreg:$0x2] =	wrdreg s17  }
0xc4: {  	[dreg:$0x3] =	wrdreg s24  }
0xc5: {  	[dreg:$0x4] =	wrdreg $0x9  }
0xc6: {  	_ =	task.clear_ibuf [dreg:s22], $0x5FFFF;
	_ =	strace $0x90000049  }
0xc7: {  	s29 =	simm.s32 $0x9;
	_ =	strace $0x8000004B  }
0xc8: {  	_ =	swait.ge [sflag:s29], $0x1  }
0xc9: {  	[sflag:s29] =	ssyncadd.s32 $0xFFFFFFFF  }
0xca: {  	_ =	strace $0x9000004B  }
0xcb: {  	_ =	sfence  }
0xcc: {  	s30 =	sld [smem:$0x0];
	_ =	sdelay $0x2  }
0xcd: {  	s31 =	sshll.u32 s1, $0xD;
	s1 =	sshrl.u32 s1, $0x2  }
0xce: {  	s4 =	sand.u32 $0x4000, s31;
	s1 =	sadd.s32 s1, s30  }
0xcf: {  	s0 =	sor.u32 s4, s0;
	s1 =	sshll.u32 s1, $0x11  }
0xd0: {  	s0 =	sor.u32 s1, s0  }
0xd1: {  	s0 =	sadd.s32 $0x8F2B, s0  }
0xd2: {  	[sflag:s0] =	ssyncadd.remote.s32 $0x1  }
0xd3: {  	_ =	sfence.sel $0xFFFF  }
0xd4: {  	[dreg:$0x0] =	wrdreg $0xFFFFFFFF;
	(pc) =	sbr.abs _section_cstart, $3  }
0xd5: {  	[dreg:$0x1] =	wrdreg $0xFFFFFFFF  }
0xd6: {  	_ =	task.clear_ibuf [dreg:s22], $0x2FFFF;
	_ =	strace $0x9FFFFFFF  }
0xd7: {  	(tm) =	ssettm $0x7FFFFFFF  }
tec
execute0_lowered:
.L_overlay_start_1:
0x0: {  	(tag) =	ssettag $0x1  }
0x1: {  	s2 =	rddreg [dreg:$0x0]  }
0x2: {  	s0 =	rddreg [dreg:$0x1];
	s1 =	stileid.u32;
	s3 =	simm.s32 $0x0  }
0x3: {  	s4 =	srdreg.scid;
	s26 =	simm.s32 $0x900;
	[smem:$0x7FF] =	sst s3  }
0x4: {  	s29 =	simm.s32 $0x1100;
	_ =	strace $0x8000004A;
	[dreg:$0x4] =	wrdreg s26  }
0x5: {  	s31 =	simm.s32 $0x1900;
	s10 =	simm.s32 $0x2100;
	[dreg:$0x5] =	wrdreg s29  }
0x6: {  	s11 =	simm.s32 $0x2900;
	s13 =	simm.s32 $0x3100;
	[dreg:$0x6] =	wrdreg s31  }
0x7: {  	s14 =	simm.s32 $0x4100;
	s16 =	simm.s32 $0x4900;
	[dreg:$0x7] =	wrdreg s10  }
0x8: {  	s17 =	simm.s32 $0x5100;
	s18 =	simm.s32 $0x5900;
	[dreg:$0x8] =	wrdreg s11  }
0x9: {  	s19 =	simm.s32 $0x6100;
	s20 =	simm.s32 $0x6900;
	[dreg:$0x9] =	wrdreg s13  }
0xa: {  	s21 =	simm.s32 $0x7100;
	s22 =	simm.s32 $0x7900;
	[dreg:$0xb] =	wrdreg s14  }
0xb: {  	s23 =	simm.s32 $0x8900;
	s28 =	simm.s32 $0x0;
	[dreg:$0xc] =	wrdreg s16  }
0xc: {  	s5 =	sshll.u32 s1, $0xF;
	s7 =	sand.u32 $0x1, s4;
	[dreg:$0xd] =	wrdreg s17  }
0xd: {  	s4 =	sadd.s32 $0x4000, s0;
	s9 =	sadd.s32 $0x28C000, s0;
	[dreg:$0xe] =	wrdreg s18  }
0xe: {  	s6 =	sshll.u32 s1, $0x11;
	s12 =	sshll.u32 s1, $0xB;
	[dreg:$0xf] =	wrdreg s19  }
0xf: {  	s24 =	sadd.s32 s5, s0;
	s25 =	sshll.u32 s7, $0xE;
	[dreg:$0x10] =	wrdreg s20  }
0x10: {  	s0 =	sadd.s32 s6, s0;
	s30 =	ssub.s32 $0x2, s7;
	[dreg:$0x11] =	wrdreg s21  }
0x11: {  	s10 =	sshll.u32 s7, $0xA;
	s11 =	simm.s32 $0x3900;
	[dreg:$0x12] =	wrdreg s22  }
0x12: {  	s7 =	sshll.u32 s7, $0x10;
	[dreg:$0x13] =	wrdreg s23;
	s26 =	simm.s32 $0xA100  }
0x13: {  	s29 =	simm.s32 $0xA900;
	s13 =	simm.s32 $0x10100;
	s31 =	simm.s32 $0xB900  }
0x14: {  	s14 =	simm.s32 $0x80;
	s16 =	simm.s32 $0xC100;
	s17 =	simm.s32 $0xC900  }
0x15: {  	s18 =	simm.s32 $0xD100;
	s19 =	simm.s32 $0xD900;
	s20 =	simm.s32 $0xE100  }
0x16: {  	s21 =	simm.s32 $0xE900;
	s22 =	simm.s32 $0xF100;
	s23 =	simm.s32 $0xF900  }
0x17: {  	s5 =	sadd.s32 s25, s24;
	s8 =	sshrl.u32 s30, $0x1;
	[dreg:$0xa] =	wrdreg s11  }
0x18: {  	s0 =	sadd.s32 s7, s0;
	s10 =	sor.u32 s10, s12;
	[dreg:$0x16] =	wrdreg s26  }
0x19: {  	s24 =	simm.s32 $0x9100;
	s25 =	simm.s32 $0x9900;
	[dreg:$0x17] =	wrdreg s29  }
0x1a: {  	s11 =	simm.s32 $0x100;
	s12 =	simm.s32 $0x40;
	[dreg:$0x19] =	wrdreg s31  }
0x1b: {  	s26 =	simm.s32 $0x2;
	s5 =	sadd.s32 $0x48D000, s5;
	s6 =	ssub.s32 s30, s8  }
0x1c: {  	s7 =	sadd.s32 $0x28D000, s0;
	s8 =	sor.u32 $0x40, s10;
	[dreg:$0x14] =	wrdreg s24  }
0x1d: {  	s10 =	sshrl.u32 s10, $0x3;
	[dreg:$0x15] =	wrdreg s25;
	s30 =	simm.s32 $0xB100  }
0x1e: {  	s24 =	simm.s32 $0x12100;
	s25 =	simm.s32 $0x1;
	[dreg:$0x3] =	wrdreg s5  }
0x1f: {  	v2 =	vlaneseq.u32;
	s15 =	smax.u32 s6, $0x1;
	s8 =	sshrl.u32 s8, $0x3;
	[dreg:$0x18] =	wrdreg s30  }
0x20: {  	vm0 =	vmmov $0xffff;
	v1 =	vshrl.u32 v2, $0x3;
	s5 =	sadd.s32 $0x100, s2;
	[dreg:$0x1a] =	wrdreg s15;
	s8 =	sadd.s32 s8, s9  }
0x21: {  	v0 =	vand.u32 $0x7, v2;
	v2 =	vor.u32 $0x8, v2;
	v1 =	vmul.u32 $0x8, v1;
	s9 =	sadd.s32 s10, s9;
	s10 =	simm.s32 $0x3;
	s15 =	simm.s32 $0x8100  }
.LBB2_1:
0x22: {  	s29 =	smov.u32 s9  }
0x23: {  	s30 =	smov.u32 s8;
	s31 =	smov.u32 s7;
	s0 =	simm.s32 $0x0  }
.LBB2_2:
0x24: {  	[tilespmem:s3], [sflag:$0x3] =	stream.linear.gather [hbm4b:s29+s3], $0x40, $0x38;
	[tilespmem:$0x14100] =	vst v63  }
0x25: {  	_ =	swait.ge [sflag:s10], $0x40  }
0x26: {  	[sflag:s10] =	ssyncset.done $0x0  }
0x27: {  	[sflag:s10] =	ssyncadd.s32 $0xFFFFFFC0  }
0x28: {  	v3 =	vld [tilespmem:$0x0];
	_ =	sdelay $0x4  }
0x29: {  	v4 =	vshll.u32 v3, $0x2  }
0x2a: {  	v3 =	vand.u32 $0x7, v3;
	v4 =	vand.u32 $0xFFFFFFE0, v4  }
0x2b: {  	v3 =	vor.u32 v3, v4  }
0x2c: {  	v4 =	vperm.xlane v3, v0;
	_ =	sdelay $0x1  }
0x2d: {  	v4 =	vadd.s32 v1, v4;
	_ =	sdelay $0x1  }
0x2e: {  	v3 =	vperm.xlane v3, v2;
	_ =	sdelay $0x1  }
0x2f: {  	v3 =	vadd.s32 v1, v3  }
0x30: {  	[tilespmem:s11], [sflag:$0x1] =	stream.indirect_vreg.gather [hbm4b:s2+s3], $0x80, v4, vm0, $0xb8;
	[tilespmem:$0x14100] =	vst v63  }
0x31: {  	s1 =	rddreg [dreg:$0x4]  }
0x32: {  	[tilespmem:s1], [sflag:$0x1] =	stream.indirect_vreg.gather [hbm4b:s5+s3], $0x80, v4, vm0, $0xb8;
	[tilespmem:$0x14100] =	vst v63  }
0x33: {  	s6 =	rddreg [dreg:$0x5]  }
0x34: {  	[tilespmem:s6], [sflag:$0x1] =	stream.indirect_vreg.gather [hbm4b:s2+s3], $0x80, v3, vm0, $0xb8;
	[tilespmem:$0x14100] =	vst v63  }
0x35: {  	s1 =	rddreg [dreg:$0x6]  }
0x36: {  	[tilespmem:s1], [sflag:$0x1] =	stream.indirect_vreg.gather [hbm4b:s5+s3], $0x80, v3, vm0, $0xb8;
	[tilespmem:$0x14100] =	vst v63  }
0x37: {  	v3 =	vld [tilespmem:$0x10];
	_ =	sdelay $0x4  }
0x38: {  	v57 =	vshll.u32 v3, $0x2  }
0x39: {  	v3 =	vand.u32 $0x7, v3;
	v4 =	vand.u32 $0xFFFFFFE0, v57  }
0x3a: {  	v3 =	vor.u32 v3, v4  }
0x3b: {  	v4 =	vperm.xlane v3, v0;
	_ =	sdelay $0x1  }
0x3c: {  	v4 =	vadd.s32 v1, v4;
	_ =	sdelay $0x1  }
0x3d: {  	v3 =	vperm.xlane v3, v2;
	_ =	sdelay $0x1  }
0x3e: {  	s1 =	rddreg [dreg:$0x7];
	v3 =	vadd.s32 v1, v3  }
0x3f: {  	[tilespmem:s1], [sflag:$0x1] =	stream.indirect_vreg.gather [hbm4b:s2+s3], $0x80, v4, vm0, $0xb8;
	[tilespmem:$0x14100] =	vst v63  }
0x40: {  	s6 =	rddreg [dreg:$0x8]  }
0x41: {  	[tilespmem:s6], [sflag:$0x1] =	stream.indirect_vreg.gather [hbm4b:s5+s3], $0x80, v4, vm0, $0xb8;
	[tilespmem:$0x14100] =	vst v63  }
0x42: {  	s1 =	rddreg [dreg:$0x9]  }
0x43: {  	[tilespmem:s1], [sflag:$0x1] =	stream.indirect_vreg.gather [hbm4b:s2+s3], $0x80, v3, vm0, $0xb8;
	[tilespmem:$0x14100] =	vst v63  }
0x44: {  	s6 =	rddreg [dreg:$0xa]  }
0x45: {  	[tilespmem:s6], [sflag:$0x1] =	stream.indirect_vreg.gather [hbm4b:s5+s3], $0x80, v3, vm0, $0xb8;
	[tilespmem:$0x14100] =	vst v63  }
0x46: {  	v3 =	vld [tilespmem:$0x20];
	_ =	sdelay $0x4  }
0x47: {  	v58 =	vshll.u32 v3, $0x2  }
0x48: {  	v3 =	vand.u32 $0x7, v3;
	v4 =	vand.u32 $0xFFFFFFE0, v58  }
0x49: {  	v3 =	vor.u32 v3, v4  }
0x4a: {  	v4 =	vperm.xlane v3, v0;
	_ =	sdelay $0x1  }
0x4b: {  	v4 =	vadd.s32 v1, v4;
	_ =	sdelay $0x1  }
0x4c: {  	v3 =	vperm.xlane v3, v2;
	_ =	sdelay $0x1  }
0x4d: {  	s1 =	rddreg [dreg:$0xb];
	v3 =	vadd.s32 v1, v3  }
0x4e: {  	[tilespmem:s1], [sflag:$0x1] =	stream.indirect_vreg.gather [hbm4b:s2+s3], $0x80, v4, vm0, $0xb8;
	[tilespmem:$0x14100] =	vst v63  }
0x4f: {  	s6 =	rddreg [dreg:$0xc]  }
0x50: {  	[tilespmem:s6], [sflag:$0x1] =	stream.indirect_vreg.gather [hbm4b:s5+s3], $0x80, v4, vm0, $0xb8;
	[tilespmem:$0x14100] =	vst v63  }
0x51: {  	s1 =	rddreg [dreg:$0xd]  }
0x52: {  	[tilespmem:s1], [sflag:$0x1] =	stream.indirect_vreg.gather [hbm4b:s2+s3], $0x80, v3, vm0, $0xb8;
	[tilespmem:$0x14100] =	vst v63  }
0x53: {  	s6 =	rddreg [dreg:$0xe]  }
0x54: {  	[tilespmem:s6], [sflag:$0x1] =	stream.indirect_vreg.gather [hbm4b:s5+s3], $0x80, v3, vm0, $0xb8;
	[tilespmem:$0x14100] =	vst v63  }
0x55: {  	v3 =	vld [tilespmem:$0x30];
	_ =	sdelay $0x4  }
0x56: {  	v59 =	vshll.u32 v3, $0x2  }
0x57: {  	v3 =	vand.u32 $0x7, v3;
	v4 =	vand.u32 $0xFFFFFFE0, v59  }
0x58: {  	v3 =	vor.u32 v3, v4  }
0x59: {  	v4 =	vperm.xlane v3, v0;
	_ =	sdelay $0x1  }
0x5a: {  	v4 =	vadd.s32 v1, v4;
	_ =	sdelay $0x1  }
0x5b: {  	v3 =	vperm.xlane v3, v2;
	_ =	sdelay $0x1  }
0x5c: {  	s1 =	rddreg [dreg:$0xf];
	v3 =	vadd.s32 v1, v3  }
0x5d: {  	[tilespmem:s1], [sflag:$0x1] =	stream.indirect_vreg.gather [hbm4b:s2+s3], $0x80, v4, vm0, $0xb8;
	[tilespmem:$0x14100] =	vst v63  }
0x5e: {  	s6 =	rddreg [dreg:$0x10]  }
0x5f: {  	[tilespmem:s6], [sflag:$0x1] =	stream.indirect_vreg.gather [hbm4b:s5+s3], $0x80, v4, vm0, $0xb8;
	[tilespmem:$0x14100] =	vst v63  }
0x60: {  	s1 =	rddreg [dreg:$0x11]  }
0x61: {  	[tilespmem:s1], [sflag:$0x1] =	stream.indirect_vreg.gather [hbm4b:s2+s3], $0x80, v3, vm0, $0xb8;
	[tilespmem:$0x14100] =	vst v63  }
0x62: {  	s6 =	rddreg [dreg:$0x12]  }
0x63: {  	[tilespmem:s6], [sflag:$0x1] =	stream.indirect_vreg.gather [hbm4b:s5+s3], $0x80, v3, vm0, $0xb8;
	[tilespmem:$0x14100] =	vst v63  }
0x64: {  	_ = 	snop  }
0x65: {  	[tilespmem:s13], [sflag:$0x1] =	stream.indirect.gather [hbm4b:s4+s12], $0x80, s3, s12, $0xb8;
	[tilespmem:$0x14100] =	vst v63  }
0x66: {  	_ = 	snop  }
0x67: {  	[tilespmem:s14], [sflag:$0x3] =	stream.linear.gather [hbm4b:s30+s3], $0x40, $0x38;
	[tilespmem:$0x14100] =	vst v63  }
0x68: {  	_ =	swait.ge [sflag:s10], $0x40  }
0x69: {  	[sflag:s10] =	ssyncset.done $0x0  }
0x6a: {  	[sflag:s10] =	ssyncadd.s32 $0xFFFFFFC0  }
0x6b: {  	v3 =	vld [tilespmem:$0x80];
	_ =	sdelay $0x4  }
0x6c: {  	v60 =	vshll.u32 v3, $0x2  }
0x6d: {  	v3 =	vand.u32 $0x7, v3;
	v4 =	vand.u32 $0xFFFFFFE0, v60  }
0x6e: {  	v3 =	vor.u32 v3, v4  }
0x6f: {  	v4 =	vperm.xlane v3, v0;
	_ =	sdelay $0x1  }
0x70: {  	v4 =	vadd.s32 v1, v4;
	_ =	sdelay $0x1  }
0x71: {  	v3 =	vperm.xlane v3, v2;
	_ =	sdelay $0x1  }
0x72: {  	v3 =	vadd.s32 v1, v3  }
0x73: {  	[tilespmem:s15], [sflag:$0x2] =	stream.indirect_vreg.gather [hbm4b:s2+s3], $0x80, v4, vm0, $0xb8;
	[tilespmem:$0x14100] =	vst v63  }
0x74: {  	s1 =	rddreg [dreg:$0x13]  }
0x75: {  	[tilespmem:s1], [sflag:$0x2] =	stream.indirect_vreg.gather [hbm4b:s5+s3], $0x80, v4, vm0, $0xb8;
	[tilespmem:$0x14100] =	vst v63  }
0x76: {  	s6 =	rddreg [dreg:$0x14]  }
0x77: {  	[tilespmem:s6], [sflag:$0x2] =	stream.indirect_vreg.gather [hbm4b:s2+s3], $0x80, v3, vm0, $0xb8;
	[tilespmem:$0x14100] =	vst v63  }
0x78: {  	s1 =	rddreg [dreg:$0x15]  }
0x79: {  	[tilespmem:s1], [sflag:$0x2] =	stream.indirect_vreg.gather [hbm4b:s5+s3], $0x80, v3, vm0, $0xb8;
	[tilespmem:$0x14100] =	vst v63  }
0x7a: {  	v3 =	vld [tilespmem:$0x90];
	_ =	sdelay $0x4  }
0x7b: {  	v61 =	vshll.u32 v3, $0x2  }
0x7c: {  	v3 =	vand.u32 $0x7, v3;
	v4 =	vand.u32 $0xFFFFFFE0, v61  }
0x7d: {  	v3 =	vor.u32 v3, v4  }
0x7e: {  	v4 =	vperm.xlane v3, v0;
	_ =	sdelay $0x1  }
0x7f: {  	v4 =	vadd.s32 v1, v4;
	_ =	sdelay $0x1  }
0x80: {  	v3 =	vperm.xlane v3, v2;
	_ =	sdelay $0x1  }
0x81: {  	s1 =	rddreg [dreg:$0x16];
	v3 =	vadd.s32 v1, v3  }
0x82: {  	[tilespmem:s1], [sflag:$0x2] =	stream.indirect_vreg.gather [hbm4b:s2+s3], $0x80, v4, vm0, $0xb8;
	[tilespmem:$0x14100] =	vst v63  }
0x83: {  	s6 =	rddreg [dreg:$0x17]  }
0x84: {  	[tilespmem:s6], [sflag:$0x2] =	stream.indirect_vreg.gather [hbm4b:s5+s3], $0x80, v4, vm0, $0xb8;
	[tilespmem:$0x14100] =	vst v63  }
0x85: {  	s1 =	rddreg [dreg:$0x18]  }
0x86: {  	[tilespmem:s1], [sflag:$0x2] =	stream.indirect_vreg.gather [hbm4b:s2+s3], $0x80, v3, vm0, $0xb8;
	[tilespmem:$0x14100] =	vst v63  }
0x87: {  	s6 =	rddreg [dreg:$0x19]  }
0x88: {  	[tilespmem:s6], [sflag:$0x2] =	stream.indirect_vreg.gather [hbm4b:s5+s3], $0x80, v3, vm0, $0xb8;
	[tilespmem:$0x14100] =	vst v63  }
0x89: {  	v3 =	vld [tilespmem:$0xA0];
	_ =	sdelay $0x4  }
0x8a: {  	v62 =	vshll.u32 v3, $0x2  }
0x8b: {  	v3 =	vand.u32 $0x7, v3;
	v4 =	vand.u32 $0xFFFFFFE0, v62  }
0x8c: {  	v3 =	vor.u32 v3, v4  }
0x8d: {  	v4 =	vperm.xlane v3, v0;
	_ =	sdelay $0x1  }
0x8e: {  	v4 =	vadd.s32 v1, v4;
	_ =	sdelay $0x1  }
0x8f: {  	v3 =	vperm.xlane v3, v2;
	_ =	sdelay $0x1  }
0x90: {  	v3 =	vadd.s32 v1, v3  }
0x91: {  	[tilespmem:s16], [sflag:$0x2] =	stream.indirect_vreg.gather [hbm4b:s2+s3], $0x80, v4, vm0, $0xb8;
	[tilespmem:$0x14100] =	vst v63  }
0x92: {  	_ = 	snop  }
0x93: {  	[tilespmem:s17], [sflag:$0x2] =	stream.indirect_vreg.gather [hbm4b:s5+s3], $0x80, v4, vm0, $0xb8;
	[tilespmem:$0x14100] =	vst v63  }
0x94: {  	_ = 	snop  }
0x95: {  	[tilespmem:s18], [sflag:$0x2] =	stream.indirect_vreg.gather [hbm4b:s2+s3], $0x80, v3, vm0, $0xb8;
	[tilespmem:$0x14100] =	vst v63  }
0x96: {  	_ = 	snop  }
0x97: {  	[tilespmem:s19], [sflag:$0x2] =	stream.indirect_vreg.gather [hbm4b:s5+s3], $0x80, v3, vm0, $0xb8;
	[tilespmem:$0x14100] =	vst v63  }
0x98: {  	v3 =	vld [tilespmem:$0xB0];
	_ =	sdelay $0x4  }
0x99: {  	v63 =	vshll.u32 v3, $0x2  }
0x9a: {  	v3 =	vand.u32 $0x7, v3;
	v4 =	vand.u32 $0xFFFFFFE0, v63  }
0x9b: {  	v3 =	vor.u32 v3, v4  }
0x9c: {  	v4 =	vperm.xlane v3, v0;
	_ =	sdelay $0x1  }
0x9d: {  	v4 =	vadd.s32 v1, v4;
	_ =	sdelay $0x1  }
0x9e: {  	v3 =	vperm.xlane v3, v2;
	_ =	sdelay $0x1  }
0x9f: {  	v3 =	vadd.s32 v1, v3  }
0xa0: {  	[tilespmem:s20], [sflag:$0x2] =	stream.indirect_vreg.gather [hbm4b:s2+s3], $0x80, v4, vm0, $0xb8;
	[tilespmem:$0x14100] =	vst v63  }
0xa1: {  	_ = 	snop  }
0xa2: {  	[tilespmem:s21], [sflag:$0x2] =	stream.indirect_vreg.gather [hbm4b:s5+s3], $0x80, v4, vm0, $0xb8;
	[tilespmem:$0x14100] =	vst v63  }
0xa3: {  	_ = 	snop  }
0xa4: {  	[tilespmem:s22], [sflag:$0x2] =	stream.indirect_vreg.gather [hbm4b:s2+s3], $0x80, v3, vm0, $0xb8;
	[tilespmem:$0x14100] =	vst v63  }
0xa5: {  	_ = 	snop  }
0xa6: {  	[tilespmem:s23], [sflag:$0x2] =	stream.indirect_vreg.gather [hbm4b:s5+s3], $0x80, v3, vm0, $0xb8;
	[tilespmem:$0x14100] =	vst v63  }
0xa7: {  	_ = 	snop  }
0xa8: {  	[tilespmem:s24], [sflag:$0x2] =	stream.indirect.gather [hbm4b:s4+s12], $0x80, s14, s12, $0xb8;
	[tilespmem:$0x14100] =	vst v63  }
0xa9: {  	_ =	swait.ge [sflag:s25], $0x8000  }
0xaa: {  	[sflag:s25] =	ssyncset.done $0x0  }
0xab: {  	[sflag:s25] =	ssyncadd.s32 $0xFFFF8000  }
0xac: {  	_ =	swait.ge [sflag:s25], $0x2000  }
0xad: {  	[sflag:s25] =	ssyncset.done $0x0  }
0xae: {  	[sflag:s25] =	ssyncadd.s32 $0xFFFFE000  }
0xaf: {  	[hbm4b:s31+s3] =	stream.linear.scatter [tilespmem:s11], [sflag:$0x3], $0x8000, $0x38;
	[tilespmem:$0x14100] =	vst v63  }
0xb0: {  	_ =	swait.ge [sflag:s10], $0x8000  }
0xb1: {  	s6 =	rddreg [dreg:$0x3];
	[sflag:s10] =	ssyncset.done $0x0  }
0xb2: {  	[sflag:s10] =	ssyncadd.s32 $0xFFFF8000;
	s1 =	sadd.s32 s0, s6  }
0xb3: {  	[hbm4b:s1+s3] =	stream.linear.scatter [tilespmem:s13], [sflag:$0x3], $0x2000, $0x38;
	[tilespmem:$0x14100] =	vst v63  }
0xb4: {  	_ =	swait.ge [sflag:s10], $0x2000  }
0xb5: {  	[sflag:s10] =	ssyncset.done $0x0  }
0xb6: {  	[sflag:s10] =	ssyncadd.s32 $0xFFFFE000  }
0xb7: {  	_ =	swait.ge [sflag:s26], $0x8000  }
0xb8: {  	[sflag:s26] =	ssyncset.done $0x0  }
0xb9: {  	[sflag:s26] =	ssyncadd.s32 $0xFFFF8000  }
0xba: {  	_ =	swait.ge [sflag:s26], $0x2000  }
0xbb: {  	[sflag:s26] =	ssyncset.done $0x0  }
0xbc: {  	s6 =	sadd.s32 $0x1000, s31;
	[sflag:s26] =	ssyncadd.s32 $0xFFFFE000  }
0xbd: {  	[hbm4b:s6+s3] =	stream.linear.scatter [tilespmem:s15], [sflag:$0x3], $0x8000, $0x38;
	[tilespmem:$0x14100] =	vst v63  }
0xbe: {  	_ =	swait.ge [sflag:s10], $0x8000  }
0xbf: {  	p0 =	sne.s32 s0, $0x3800;
	[sflag:s10] =	ssyncset.done $0x0  }
.Ltmp0:
0xc0: {  	s1 =	sadd.s32 $0x400, s1;
	[sflag:s10] =	ssyncadd.s32 $0xFFFF8000;
	(pc) =	sbr.rel @p0 .LBB2_2-.Ltmp0, $4  }
0xc1: {  	[hbm4b:s1+s3] =	stream.linear.scatter [tilespmem:s24], [sflag:$0x3], $0x2000, $0x38;
	[tilespmem:$0x14100] =	vst v63  }
0xc2: {  	_ =	swait.ge [sflag:s10], $0x2000  }
0xc3: {  	s29 =	sadd.s32 $0x10, s29;
	s30 =	sadd.s32 $0x10, s30;
	[sflag:s10] =	ssyncset.done $0x0  }
0xc4: {  	s31 =	sadd.s32 $0x2000, s31;
	s0 =	sadd.s32 $0x800, s0;
	[sflag:s10] =	ssyncadd.s32 $0xFFFFE000  }
0xc5: {  	s28 =	sadd.s32 $0x1, s28;
	s0 =	rddreg [dreg:$0x1a]  }
0xc6: {  	p0 =	sne.s32 s28, s0  }
.Ltmp1:
0xc7: {  	_ = 	snop;
	(pc) =	sbr.rel @p0 .LBB2_1-.Ltmp1, $1  }
0xc8: {  	_ =	sdelay $0x3  }
0xc9: {  	_ =	sfence.sel $0x180000  }
0xca: {  	[bflag:$0x0] =	sbarrier.arrive $0xFFFF  }
0xcb: {  	_ =	strace $0x9000004A  }
0xcc: {  	s0 =	stileid.u32;
	[bflag:$0x2] =	sbarrier.arrive $0xFFFF  }
0xcd: {  	p0 =	sne.s32 s0, $0x0;
	s0 =	rddreg [dreg:$0x2]  }
0xce: {  	s0 =	sadd.s32 @!p0 $0x100000, s0  }
0xcf: {  	[sflag:s0] =	ssyncadd.tile.s32 @!p0 $0x1;
	_ =	shalt  }
.Lfunc_end2:
_tile_overlayer_lowered:
.L_overlay_start_2:
0xd0: {  	(tag) =	ssettag $0x2  }
0xd1: {  	s0 =	rddreg [dreg:$0x0];
	s2 =	stileid.u32  }
0xd2: {  	s1 =	rddreg [dreg:$0x1];
	p0 =	sne.s32 s2, $0x0  }
0xd3: {  	s3 =	rddreg [dreg:$0x2];
	[bflag:$0x3] =	sbarrier.arrive $0xFFFF;
	s2 =	simm.s32 @!p0 $0x1C03  }
0xd4: {  	[timem:s3], [sflag:s2] =	dma.local @!p0 [hbm:s0], s1  }
0xd5: {  	s0 =	simm.s32 @!p0 $0x3  }
0xd6: {  	_ =	swait.ge @!p0 [sflag:s0], s1  }
0xd7: {  	s1 =	ssub.s32 @!p0 $0x0, s1;
	[sflag:s0] =	ssyncset.done @!p0 $0x0  }
0xd8: {  	[sflag:s0] =	ssyncadd.s32 @!p0 s1  }
0xd9: {  	[bflag:$0x3] =	sbarrier.arrive $0xFFFF  }
0xda: {  	_ =	shalt  }

</sc_bundles>
